<compile_context>
chip_gen: v7x
topology: tpu7x:2x2x1
jax: 0.10.2.dev20260603
libtpu: 0.0.44.dev20260713+nightly
codegen_flags: <defaults>
</compile_context>

<pallas_src>
import functools

import jax
import jax.numpy as jnp
from jax import lax
from jax.experimental import pallas as pl
from jax.experimental.pallas import tpu as pltpu
from jax.experimental.pallas import tpu_sc as plsc

T, DT, H, E = 100, 16, 256, 8
L = 16
CH = 7
TP = CH * L
INV_TEMP = 2.5
LN2 = 0.6931471805599453
SQRT2 = 1.4142135623730951


def _log_f32(x):
    bits = lax.bitcast_convert_type(x, jnp.int32)
    e = lax.shift_right_logical(bits, 23) - 127
    m = lax.bitcast_convert_type(
        lax.bitwise_or(lax.bitwise_and(bits, 0x007FFFFF), 0x3F800000),
        jnp.float32)
    big = m > SQRT2
    m = jnp.where(big, m * 0.5, m)
    e = e + jnp.where(big, 1, 0)
    s = (m - 1.0) / (m + 1.0)
    s2 = s * s
    p = 2.0 + s2 * (2.0 / 3.0 + s2 * (2.0 / 5.0 + s2 * (2.0 / 7.0)))
    return e.astype(jnp.float32) * LN2 + s * p


def _rsqrt_f32(x):
    bits = lax.bitcast_convert_type(x, jnp.int32)
    y = lax.bitcast_convert_type(
        0x5F3759DF - lax.shift_right_arithmetic(bits, 1), jnp.float32)
    for _ in range(3):
        y = y * (1.5 - 0.5 * x * y * y)
    return y


@functools.lru_cache(maxsize=1)
def _get_router():
    mesh = plsc.VectorSubcoreMesh(
        core_axis_name="c", subcore_axis_name="s", num_cores=2, num_subcores=16)
    return pl.kernel(
        _router_body,
        out_type=(jax.ShapeDtypeStruct((CH, E, L), jnp.float32),
                  jax.ShapeDtypeStruct((CH, E, L), jnp.float32)),
        mesh=mesh,
        scratch_types=[
            pltpu.VMEM((DT, L), jnp.float32),
            pltpu.VMEM((H, DT), jnp.float32),
            pltpu.VMEM((H * E,), jnp.float32),
            pltpu.VMEM((E, L), jnp.float32),
            pltpu.VMEM((H, L), jnp.float32),
            pltpu.VMEM((E, L), jnp.float32),
            pltpu.VMEM((E, L), jnp.float32),
        ],
    )


def _router_body(x3, w1t, w2, u3, logits_out, y_out, xv, w1v, w2v, uv, hv, lo, yo):
    cid = lax.axis_index("c")
    sid = lax.axis_index("s")
    wid = sid * 2 + cid

    @pl.when(wid < CH)
    def _():
        chunk = wid
        pltpu.sync_copy(x3.at[chunk], xv)
        pltpu.sync_copy(w1t, w1v)
        pltpu.sync_copy(w2, w2v)
        pltpu.sync_copy(u3.at[chunk], uv)

        zero = jnp.zeros((L,), jnp.float32)

        def mm1_body(c, carry):
            s1, s2 = carry
            w = w1v[c]
            parts = []
            for j in range(0, DT, 4):
                p = xv[j] * w[j]
                for k in range(j + 1, j + 4):
                    p = p + xv[k] * w[k]
                parts.append(p)
            acc = (parts[0] + parts[1]) + (parts[2] + parts[3])
            hv[c] = acc
            return (s1 + acc, s2 + acc * acc)

        s1, s2 = lax.fori_loop(0, H, mm1_body, (zero, zero), unroll=2)

        inv_h = 1.0 / H
        mu = s1 * inv_h
        var = s2 * inv_h - mu * mu
        rstd = _rsqrt_f32(var + 1e-5)

        def mm2_body(i, accs):
            c = i * 2
            w = w2v[pl.ds(c * E, L)]
            hn0 = jnp.maximum((hv[c] - mu) * rstd, 0.0)
            hn1 = jnp.maximum((hv[c + 1] - mu) * rstd, 0.0)
            return tuple(accs[e] + hn0 * w[e] + hn1 * w[e + 8] for e in range(E))

        logits = lax.fori_loop(0, H // 2, mm2_body, (zero,) * E, unroll=2)

        zs = []
        for e in range(E):
            g = -_log_f32(-_log_f32(uv[e]))
            zs.append((logits[e] + g) * INV_TEMP)
        zmax = zs[0]
        for e in range(1, E):
            zmax = jnp.maximum(zmax, zs[e])
        es = [jnp.exp(z - zmax) for z in zs]
        tot = es[0]
        for e in range(1, E):
            tot = tot + es[e]
        for e in range(E):
            lo[e] = logits[e]
            yo[e] = es[e] / tot
        pltpu.sync_copy(lo, logits_out.at[chunk])
        pltpu.sync_copy(yo, y_out.at[chunk])


def kernel(time_embedding, W1, b1, gamma, beta, W2, U):
    del b1, gamma, beta
    xpad = jnp.pad(time_embedding, ((0, TP - T), (0, 0)))
    x3 = xpad.reshape(CH, L, DT).transpose(0, 2, 1)
    upad = jnp.pad(U, ((0, TP - T), (0, 0)), constant_values=0.5)
    u3 = upad.reshape(CH, L, E).transpose(0, 2, 1)
    lo3, yo3 = _get_router()(x3, W1.T, W2.reshape(-1), u3)
    logits = lo3.transpose(0, 2, 1).reshape(TP, E)[:T]
    y = yo3.transpose(0, 2, 1).reshape(TP, E)[:T]
    return (logits, y)

# --- scband reference (transcript-rebuilt; emitter-appended) ---
"""Pipeline reference for scband-expert-router-63239098466312 (READ-ONLY COPY).

The authoritative reference and input builder live on the scoring server;
editing this copy changes nothing except your own understanding.
"""

import jax, jax.numpy as jnp
import numpy as np


def setup_inputs(seed: int = 0) -> dict:
    key = jax.random.key(seed)
    ks = jax.random.split(key, 6)
    T_steps, d_t, H, E = 100, 16, 256, 8
    time_embedding = jax.random.normal(ks[0], (T_steps, d_t), dtype=jnp.float32)
    W1 = jax.random.normal(ks[1], (d_t, H), dtype=jnp.float32) / np.sqrt(d_t)
    b1 = jnp.zeros((H,), dtype=jnp.float32)
    gamma = jnp.ones((H,), dtype=jnp.float32)
    beta = jnp.zeros((H,), dtype=jnp.float32)
    W2 = jax.random.normal(ks[2], (H, E), dtype=jnp.float32) / np.sqrt(H)
    # uniform sample feeding the gumbel noise (torch.rand equivalent); precomputed for determinism
    U = jax.random.uniform(ks[3], (T_steps, E), dtype=jnp.float32, minval=1e-6, maxval=1.0 - 1e-6)
    return {"time_embedding": time_embedding, "W1": W1, "b1": b1, "gamma": gamma, "beta": beta, "W2": W2, "U": U}


def reference(time_embedding, W1, b1, gamma, beta, W2, U):
    T_temp = 0.4
    base = 0.0
    eps = 1e-20
    # linear1
    h = time_embedding @ W1 + b1
    # layer norm (elementwise affine, eps=1e-5, biased variance like torch)
    mu = jnp.mean(h, axis=-1, keepdims=True)
    var = jnp.mean((h - mu) ** 2, axis=-1, keepdims=True)
    h = (h - mu) / jnp.sqrt(var + 1e-5) * gamma + beta
    h = jax.nn.relu(h)
    # linear2 (no bias)
    logits = h @ W2
    # gumbel softmax, soft (module default training=True -> hard=False)
    g = -jnp.log(-jnp.log(U + eps) + eps)
    y = jax.nn.softmax((logits + g + base) / T_temp, axis=-1)
    return (logits, y)

if __name__ == "__main__":
    import jax
    _d = setup_inputs()
    print(jax.jit(kernel)(*tuple(_d.values())))

</pallas_src>

<mosaic_0001>
#map = affine_map<(d0, d1) -> (0, 0, 0)>
#map1 = affine_map<(d0, d1) -> (0, 0)>
#map2 = affine_map<(d0, d1) -> (0)>
module attributes {stable_mosaic.version = 14 : i64} {
  func.func @_router_body(%arg0: i32, %arg1: i32, %arg2: memref<7x16x16xf32, #tpu.memory_space<hbm>>, %arg3: memref<256x16xf32, #tpu.memory_space<hbm>>, %arg4: memref<2048xf32, #tpu.memory_space<hbm>>, %arg5: memref<7x8x16xf32, #tpu.memory_space<hbm>>, %arg6: memref<7x8x16xf32, #tpu.memory_space<hbm>>, %arg7: memref<7x8x16xf32, #tpu.memory_space<hbm>>, %arg8: memref<16x16xf32, #tpu.memory_space<vmem>>, %arg9: memref<256x16xf32, #tpu.memory_space<vmem>>, %arg10: memref<2048xf32, #tpu.memory_space<vmem>>, %arg11: memref<8x16xf32, #tpu.memory_space<vmem>>, %arg12: memref<256x16xf32, #tpu.memory_space<vmem>>, %arg13: memref<8x16xf32, #tpu.memory_space<vmem>>, %arg14: memref<8x16xf32, #tpu.memory_space<vmem>>) attributes {dimension_semantics = [#tpu.dimension_semantics<core_parallel>, #tpu.dimension_semantics<subcore_parallel>], iteration_bounds = array<i64: 2, 16>, scalar_prefetch = 0 : i64, scratch_operands = 7 : i64, tpu.core_type = #tpu.core_type<sc_vector_subcore>, window_params = [{transform_indices = #map}, {transform_indices = #map1}, {transform_indices = #map2}, {transform_indices = #map}, {transform_indices = #map}, {transform_indices = #map}]} {
    %mul3A = arith.constant 2 : i32
    %mul3A_0 = arith.muli %arg1, %mul3A : i32
    %add3A = arith.addi %mul3A_0, %arg0 : i32
    %lt3A = arith.constant 7 : i32
    %lt3A_1 = arith.cmpi slt, %add3A, %lt3A : i32
    %convert_element_type3A = arith.extui %lt3A_1 : i1 to i32
    %cond3A = arith.constant 0 : i32
    %cond3A_2 = arith.cmpi ne, %convert_element_type3A, %cond3A : i32
    scf.if %cond3A_2 {
      "tpu.region"() ({
        %run_scoped3A = tpu.sem_alloc : memref<!tpu.dma_semaphore, #tpu.memory_space<semaphore_mem>>
        %dma_start3A = arith.constant 0 : i32
        %dma_start3A_1180 = arith.constant 0 : i32
        %dma_start3A_1181 = tpu.memref_slice %arg2[%add3A, %dma_start3A, %dma_start3A_1180] : memref<7x16x16xf32, #tpu.memory_space<hbm>> -> memref<1x16x16xf32, #tpu.memory_space<hbm>>
        %dma_start3A_1182 = tpu.memref_squeeze %dma_start3A_1181 : memref<1x16x16xf32, #tpu.memory_space<hbm>> -> memref<16x16xf32, #tpu.memory_space<hbm>>
        %dma_start3A_1183 = arith.constant 0 : i32
        %dma_start3A_1184 = arith.constant 0 : i32
        %dma_start3A_1185 = tpu.memref_slice %arg2[%add3A, %dma_start3A_1183, %dma_start3A_1184] : memref<7x16x16xf32, #tpu.memory_space<hbm>> -> memref<1x16x16xf32, #tpu.memory_space<hbm>>
        %dma_start3A_1186 = tpu.memref_squeeze %dma_start3A_1185 : memref<1x16x16xf32, #tpu.memory_space<hbm>> -> memref<16x16xf32, #tpu.memory_space<hbm>>
        tpu.enqueue_dma source(%dma_start3A_1186 : memref<16x16xf32, #tpu.memory_space<hbm>>) target(%arg8 : memref<16x16xf32, #tpu.memory_space<vmem>>) target_semaphore(%run_scoped3A : memref<!tpu.dma_semaphore, #tpu.memory_space<semaphore_mem>>)
        %dma_wait3A = arith.constant 0 : i32
        %dma_wait3A_1187 = arith.constant 0 : i32
        %dma_wait3A_1188 = tpu.memref_slice %arg2[%add3A, %dma_wait3A, %dma_wait3A_1187] : memref<7x16x16xf32, #tpu.memory_space<hbm>> -> memref<1x16x16xf32, #tpu.memory_space<hbm>>
        %dma_wait3A_1189 = tpu.memref_squeeze %dma_wait3A_1188 : memref<1x16x16xf32, #tpu.memory_space<hbm>> -> memref<16x16xf32, #tpu.memory_space<hbm>>
        %dma_wait3A_1190 = arith.constant 0 : i32
        %dma_wait3A_1191 = arith.constant 0 : i32
        %dma_wait3A_1192 = tpu.memref_slice %arg2[%add3A, %dma_wait3A_1190, %dma_wait3A_1191] : memref<7x16x16xf32, #tpu.memory_space<hbm>> -> memref<1x16x16xf32, #tpu.memory_space<hbm>>
        %dma_wait3A_1193 = tpu.memref_squeeze %dma_wait3A_1192 : memref<1x16x16xf32, #tpu.memory_space<hbm>> -> memref<16x16xf32, #tpu.memory_space<hbm>>
        tpu.wait_dma2 semaphore(%run_scoped3A : memref<!tpu.dma_semaphore, #tpu.memory_space<semaphore_mem>>) src(%dma_wait3A_1193 : memref<16x16xf32, #tpu.memory_space<hbm>>) dst(%arg8 : memref<16x16xf32, #tpu.memory_space<vmem>>)
        tpu.yield
      }) : () -> ()
      "tpu.region"() ({
        %run_scoped3A = tpu.sem_alloc : memref<!tpu.dma_semaphore, #tpu.memory_space<semaphore_mem>>
        tpu.enqueue_dma source(%arg3 : memref<256x16xf32, #tpu.memory_space<hbm>>) target(%arg9 : memref<256x16xf32, #tpu.memory_space<vmem>>) target_semaphore(%run_scoped3A : memref<!tpu.dma_semaphore, #tpu.memory_space<semaphore_mem>>)
        tpu.wait_dma2 semaphore(%run_scoped3A : memref<!tpu.dma_semaphore, #tpu.memory_space<semaphore_mem>>) src(%arg3 : memref<256x16xf32, #tpu.memory_space<hbm>>) dst(%arg9 : memref<256x16xf32, #tpu.memory_space<vmem>>)
        tpu.yield
      }) : () -> ()
      "tpu.region"() ({
        %run_scoped3A = tpu.sem_alloc : memref<!tpu.dma_semaphore, #tpu.memory_space<semaphore_mem>>
        tpu.enqueue_dma source(%arg4 : memref<2048xf32, #tpu.memory_space<hbm>>) target(%arg10 : memref<2048xf32, #tpu.memory_space<vmem>>) target_semaphore(%run_scoped3A : memref<!tpu.dma_semaphore, #tpu.memory_space<semaphore_mem>>)
        tpu.wait_dma2 semaphore(%run_scoped3A : memref<!tpu.dma_semaphore, #tpu.memory_space<semaphore_mem>>) src(%arg4 : memref<2048xf32, #tpu.memory_space<hbm>>) dst(%arg10 : memref<2048xf32, #tpu.memory_space<vmem>>)
        tpu.yield
      }) : () -> ()
      "tpu.region"() ({
        %run_scoped3A = tpu.sem_alloc : memref<!tpu.dma_semaphore, #tpu.memory_space<semaphore_mem>>
        %dma_start3A = arith.constant 0 : i32
        %dma_start3A_1180 = arith.constant 0 : i32
        %dma_start3A_1181 = tpu.memref_slice %arg5[%add3A, %dma_start3A, %dma_start3A_1180] : memref<7x8x16xf32, #tpu.memory_space<hbm>> -> memref<1x8x16xf32, #tpu.memory_space<hbm>>
        %dma_start3A_1182 = tpu.memref_squeeze %dma_start3A_1181 : memref<1x8x16xf32, #tpu.memory_space<hbm>> -> memref<8x16xf32, #tpu.memory_space<hbm>>
        %dma_start3A_1183 = arith.constant 0 : i32
        %dma_start3A_1184 = arith.constant 0 : i32
        %dma_start3A_1185 = tpu.memref_slice %arg5[%add3A, %dma_start3A_1183, %dma_start3A_1184] : memref<7x8x16xf32, #tpu.memory_space<hbm>> -> memref<1x8x16xf32, #tpu.memory_space<hbm>>
        %dma_start3A_1186 = tpu.memref_squeeze %dma_start3A_1185 : memref<1x8x16xf32, #tpu.memory_space<hbm>> -> memref<8x16xf32, #tpu.memory_space<hbm>>
        tpu.enqueue_dma source(%dma_start3A_1186 : memref<8x16xf32, #tpu.memory_space<hbm>>) target(%arg11 : memref<8x16xf32, #tpu.memory_space<vmem>>) target_semaphore(%run_scoped3A : memref<!tpu.dma_semaphore, #tpu.memory_space<semaphore_mem>>)
        %dma_wait3A = arith.constant 0 : i32
        %dma_wait3A_1187 = arith.constant 0 : i32
        %dma_wait3A_1188 = tpu.memref_slice %arg5[%add3A, %dma_wait3A, %dma_wait3A_1187] : memref<7x8x16xf32, #tpu.memory_space<hbm>> -> memref<1x8x16xf32, #tpu.memory_space<hbm>>
        %dma_wait3A_1189 = tpu.memref_squeeze %dma_wait3A_1188 : memref<1x8x16xf32, #tpu.memory_space<hbm>> -> memref<8x16xf32, #tpu.memory_space<hbm>>
        %dma_wait3A_1190 = arith.constant 0 : i32
        %dma_wait3A_1191 = arith.constant 0 : i32
        %dma_wait3A_1192 = tpu.memref_slice %arg5[%add3A, %dma_wait3A_1190, %dma_wait3A_1191] : memref<7x8x16xf32, #tpu.memory_space<hbm>> -> memref<1x8x16xf32, #tpu.memory_space<hbm>>
        %dma_wait3A_1193 = tpu.memref_squeeze %dma_wait3A_1192 : memref<1x8x16xf32, #tpu.memory_space<hbm>> -> memref<8x16xf32, #tpu.memory_space<hbm>>
        tpu.wait_dma2 semaphore(%run_scoped3A : memref<!tpu.dma_semaphore, #tpu.memory_space<semaphore_mem>>) src(%dma_wait3A_1193 : memref<8x16xf32, #tpu.memory_space<hbm>>) dst(%arg11 : memref<8x16xf32, #tpu.memory_space<vmem>>)
        tpu.yield
      }) : () -> ()
      %broadcast_in_dim3A = arith.constant 0.000000e+00 : f32
      %broadcast_in_dim3A_3 = vector.broadcast %broadcast_in_dim3A : f32 to vector<16xf32>
      %scan3A = arith.constant 0 : i32
      %scan3A_4 = arith.constant 256 : i32
      %scan3A_5 = arith.addi %scan3A, %scan3A_4 : i32
      %scan3A_6 = arith.constant 2 : i32
      %scan3A_7:2 = scf.for %scan3A_1180 = %scan3A to %scan3A_5 step %scan3A_6 iter_args(%scan3A_1181 = %broadcast_in_dim3A_3, %scan3A_1182 = %broadcast_in_dim3A_3) -> (vector<16xf32>, vector<16xf32>)  : i32 {
        %get3A_1183 = arith.index_cast %scan3A_1180 : i32 to index
        %get3A_1184 = arith.constant 0 : index
        %get3A_1185 = tpu.vector_load %arg9[%get3A_1183, %get3A_1184] {strides = array<i32>} : memref<256x16xf32, #tpu.memory_space<vmem>>, vector<1x16xf32>,
        %get3A_1186 = vector.shape_cast %get3A_1185 : vector<1x16xf32> to vector<16xf32>
        %get3A_1187 = arith.constant 0 : i32
        %get3A_1188 = arith.index_cast %get3A_1187 : i32 to index
        %get3A_1189 = arith.constant 0 : index
        %get3A_1190 = tpu.vector_load %arg8[%get3A_1188, %get3A_1189] {strides = array<i32>} : memref<16x16xf32, #tpu.memory_space<vmem>>, vector<1x16xf32>,
        %get3A_1191 = vector.shape_cast %get3A_1190 : vector<1x16xf32> to vector<16xf32>
        %slice3A = vector.extract_strided_slice %get3A_1186 {offsets = [0], sizes = [1], strides = [1]} : vector<16xf32> to vector<1xf32>
        %squeeze3A = vector.extract %slice3A[0] : f32 from vector<1xf32>
        %mul3A_1192 = vector.broadcast %squeeze3A : f32 to vector<16xf32>
        %mul3A_1193 = arith.mulf %get3A_1191, %mul3A_1192 : vector<16xf32>
        %get3A_1194 = arith.constant 1 : i32
        %get3A_1195 = arith.index_cast %get3A_1194 : i32 to index
        %get3A_1196 = arith.constant 0 : index
        %get3A_1197 = tpu.vector_load %arg8[%get3A_1195, %get3A_1196] {strides = array<i32>} : memref<16x16xf32, #tpu.memory_space<vmem>>, vector<1x16xf32>,
        %get3A_1198 = vector.shape_cast %get3A_1197 : vector<1x16xf32> to vector<16xf32>
        %slice3A_1199 = vector.extract_strided_slice %get3A_1186 {offsets = [1], sizes = [1], strides = [1]} : vector<16xf32> to vector<1xf32>
        %squeeze3A_1200 = vector.extract %slice3A_1199[0] : f32 from vector<1xf32>
        %mul3A_1201 = vector.broadcast %squeeze3A_1200 : f32 to vector<16xf32>
        %mul3A_1202 = arith.mulf %get3A_1198, %mul3A_1201 : vector<16xf32>
        %add3A_1203 = arith.addf %mul3A_1193, %mul3A_1202 : vector<16xf32>
        %get3A_1204 = arith.constant 2 : i32
        %get3A_1205 = arith.index_cast %get3A_1204 : i32 to index
        %get3A_1206 = arith.constant 0 : index
        %get3A_1207 = tpu.vector_load %arg8[%get3A_1205, %get3A_1206] {strides = array<i32>} : memref<16x16xf32, #tpu.memory_space<vmem>>, vector<1x16xf32>,
        %get3A_1208 = vector.shape_cast %get3A_1207 : vector<1x16xf32> to vector<16xf32>
        %slice3A_1209 = vector.extract_strided_slice %get3A_1186 {offsets = [2], sizes = [1], strides = [1]} : vector<16xf32> to vector<1xf32>
        %squeeze3A_1210 = vector.extract %slice3A_1209[0] : f32 from vector<1xf32>
        %mul3A_1211 = vector.broadcast %squeeze3A_1210 : f32 to vector<16xf32>
        %mul3A_1212 = arith.mulf %get3A_1208, %mul3A_1211 : vector<16xf32>
        %add3A_1213 = arith.addf %add3A_1203, %mul3A_1212 : vector<16xf32>
        %get3A_1214 = arith.constant 3 : i32
        %get3A_1215 = arith.index_cast %get3A_1214 : i32 to index
        %get3A_1216 = arith.constant 0 : index
        %get3A_1217 = tpu.vector_load %arg8[%get3A_1215, %get3A_1216] {strides = array<i32>} : memref<16x16xf32, #tpu.memory_space<vmem>>, vector<1x16xf32>,
        %get3A_1218 = vector.shape_cast %get3A_1217 : vector<1x16xf32> to vector<16xf32>
        %slice3A_1219 = vector.extract_strided_slice %get3A_1186 {offsets = [3], sizes = [1], strides = [1]} : vector<16xf32> to vector<1xf32>
        %squeeze3A_1220 = vector.extract %slice3A_1219[0] : f32 from vector<1xf32>
        %mul3A_1221 = vector.broadcast %squeeze3A_1220 : f32 to vector<16xf32>
        %mul3A_1222 = arith.mulf %get3A_1218, %mul3A_1221 : vector<16xf32>
        %add3A_1223 = arith.addf %add3A_1213, %mul3A_1222 : vector<16xf32>
        %get3A_1224 = arith.constant 4 : i32
        %get3A_1225 = arith.index_cast %get3A_1224 : i32 to index
        %get3A_1226 = arith.constant 0 : index
        %get3A_1227 = tpu.vector_load %arg8[%get3A_1225, %get3A_1226] {strides = array<i32>} : memref<16x16xf32, #tpu.memory_space<vmem>>, vector<1x16xf32>,
        %get3A_1228 = vector.shape_cast %get3A_1227 : vector<1x16xf32> to vector<16xf32>
        %slice3A_1229 = vector.extract_strided_slice %get3A_1186 {offsets = [4], sizes = [1], strides = [1]} : vector<16xf32> to vector<1xf32>
        %squeeze3A_1230 = vector.extract %slice3A_1229[0] : f32 from vector<1xf32>
        %mul3A_1231 = vector.broadcast %squeeze3A_1230 : f32 to vector<16xf32>
        %mul3A_1232 = arith.mulf %get3A_1228, %mul3A_1231 : vector<16xf32>
        %get3A_1233 = arith.constant 5 : i32
        %get3A_1234 = arith.index_cast %get3A_1233 : i32 to index
        %get3A_1235 = arith.constant 0 : index
        %get3A_1236 = tpu.vector_load %arg8[%get3A_1234, %get3A_1235] {strides = array<i32>} : memref<16x16xf32, #tpu.memory_space<vmem>>, vector<1x16xf32>,
        %get3A_1237 = vector.shape_cast %get3A_1236 : vector<1x16xf32> to vector<16xf32>
        %slice3A_1238 = vector.extract_strided_slice %get3A_1186 {offsets = [5], sizes = [1], strides = [1]} : vector<16xf32> to vector<1xf32>
        %squeeze3A_1239 = vector.extract %slice3A_1238[0] : f32 from vector<1xf32>
        %mul3A_1240 = vector.broadcast %squeeze3A_1239 : f32 to vector<16xf32>
        %mul3A_1241 = arith.mulf %get3A_1237, %mul3A_1240 : vector<16xf32>
        %add3A_1242 = arith.addf %mul3A_1232, %mul3A_1241 : vector<16xf32>
        %get3A_1243 = arith.constant 6 : i32
        %get3A_1244 = arith.index_cast %get3A_1243 : i32 to index
        %get3A_1245 = arith.constant 0 : index
        %get3A_1246 = tpu.vector_load %arg8[%get3A_1244, %get3A_1245] {strides = array<i32>} : memref<16x16xf32, #tpu.memory_space<vmem>>, vector<1x16xf32>,
        %get3A_1247 = vector.shape_cast %get3A_1246 : vector<1x16xf32> to vector<16xf32>
        %slice3A_1248 = vector.extract_strided_slice %get3A_1186 {offsets = [6], sizes = [1], strides = [1]} : vector<16xf32> to vector<1xf32>
        %squeeze3A_1249 = vector.extract %slice3A_1248[0] : f32 from vector<1xf32>
        %mul3A_1250 = vector.broadcast %squeeze3A_1249 : f32 to vector<16xf32>
        %mul3A_1251 = arith.mulf %get3A_1247, %mul3A_1250 : vector<16xf32>
        %add3A_1252 = arith.addf %add3A_1242, %mul3A_1251 : vector<16xf32>
        %get3A_1253 = arith.constant 7 : i32
        %get3A_1254 = arith.index_cast %get3A_1253 : i32 to index
        %get3A_1255 = arith.constant 0 : index
        %get3A_1256 = tpu.vector_load %arg8[%get3A_1254, %get3A_1255] {strides = array<i32>} : memref<16x16xf32, #tpu.memory_space<vmem>>, vector<1x16xf32>,
        %get3A_1257 = vector.shape_cast %get3A_1256 : vector<1x16xf32> to vector<16xf32>
        %slice3A_1258 = vector.extract_strided_slice %get3A_1186 {offsets = [7], sizes = [1], strides = [1]} : vector<16xf32> to vector<1xf32>
        %squeeze3A_1259 = vector.extract %slice3A_1258[0] : f32 from vector<1xf32>
        %mul3A_1260 = vector.broadcast %squeeze3A_1259 : f32 to vector<16xf32>
        %mul3A_1261 = arith.mulf %get3A_1257, %mul3A_1260 : vector<16xf32>
        %add3A_1262 = arith.addf %add3A_1252, %mul3A_1261 : vector<16xf32>
        %get3A_1263 = arith.constant 8 : i32
        %get3A_1264 = arith.index_cast %get3A_1263 : i32 to index
        %get3A_1265 = arith.constant 0 : index
        %get3A_1266 = tpu.vector_load %arg8[%get3A_1264, %get3A_1265] {strides = array<i32>} : memref<16x16xf32, #tpu.memory_space<vmem>>, vector<1x16xf32>,
        %get3A_1267 = vector.shape_cast %get3A_1266 : vector<1x16xf32> to vector<16xf32>
        %slice3A_1268 = vector.extract_strided_slice %get3A_1186 {offsets = [8], sizes = [1], strides = [1]} : vector<16xf32> to vector<1xf32>
        %squeeze3A_1269 = vector.extract %slice3A_1268[0] : f32 from vector<1xf32>
        %mul3A_1270 = vector.broadcast %squeeze3A_1269 : f32 to vector<16xf32>
        %mul3A_1271 = arith.mulf %get3A_1267, %mul3A_1270 : vector<16xf32>
        %get3A_1272 = arith.constant 9 : i32
        %get3A_1273 = arith.index_cast %get3A_1272 : i32 to index
        %get3A_1274 = arith.constant 0 : index
        %get3A_1275 = tpu.vector_load %arg8[%get3A_1273, %get3A_1274] {strides = array<i32>} : memref<16x16xf32, #tpu.memory_space<vmem>>, vector<1x16xf32>,
        %get3A_1276 = vector.shape_cast %get3A_1275 : vector<1x16xf32> to vector<16xf32>
        %slice3A_1277 = vector.extract_strided_slice %get3A_1186 {offsets = [9], sizes = [1], strides = [1]} : vector<16xf32> to vector<1xf32>
        %squeeze3A_1278 = vector.extract %slice3A_1277[0] : f32 from vector<1xf32>
        %mul3A_1279 = vector.broadcast %squeeze3A_1278 : f32 to vector<16xf32>
        %mul3A_1280 = arith.mulf %get3A_1276, %mul3A_1279 : vector<16xf32>
        %add3A_1281 = arith.addf %mul3A_1271, %mul3A_1280 : vector<16xf32>
        %get3A_1282 = arith.constant 10 : i32
        %get3A_1283 = arith.index_cast %get3A_1282 : i32 to index
        %get3A_1284 = arith.constant 0 : index
        %get3A_1285 = tpu.vector_load %arg8[%get3A_1283, %get3A_1284] {strides = array<i32>} : memref<16x16xf32, #tpu.memory_space<vmem>>, vector<1x16xf32>,
        %get3A_1286 = vector.shape_cast %get3A_1285 : vector<1x16xf32> to vector<16xf32>
        %slice3A_1287 = vector.extract_strided_slice %get3A_1186 {offsets = [10], sizes = [1], strides = [1]} : vector<16xf32> to vector<1xf32>
        %squeeze3A_1288 = vector.extract %slice3A_1287[0] : f32 from vector<1xf32>
        %mul3A_1289 = vector.broadcast %squeeze3A_1288 : f32 to vector<16xf32>
        %mul3A_1290 = arith.mulf %get3A_1286, %mul3A_1289 : vector<16xf32>
        %add3A_1291 = arith.addf %add3A_1281, %mul3A_1290 : vector<16xf32>
        %get3A_1292 = arith.constant 11 : i32
        %get3A_1293 = arith.index_cast %get3A_1292 : i32 to index
        %get3A_1294 = arith.constant 0 : index
        %get3A_1295 = tpu.vector_load %arg8[%get3A_1293, %get3A_1294] {strides = array<i32>} : memref<16x16xf32, #tpu.memory_space<vmem>>, vector<1x16xf32>,
        %get3A_1296 = vector.shape_cast %get3A_1295 : vector<1x16xf32> to vector<16xf32>
        %slice3A_1297 = vector.extract_strided_slice %get3A_1186 {offsets = [11], sizes = [1], strides = [1]} : vector<16xf32> to vector<1xf32>
        %squeeze3A_1298 = vector.extract %slice3A_1297[0] : f32 from vector<1xf32>
        %mul3A_1299 = vector.broadcast %squeeze3A_1298 : f32 to vector<16xf32>
        %mul3A_1300 = arith.mulf %get3A_1296, %mul3A_1299 : vector<16xf32>
        %add3A_1301 = arith.addf %add3A_1291, %mul3A_1300 : vector<16xf32>
        %get3A_1302 = arith.constant 12 : i32
        %get3A_1303 = arith.index_cast %get3A_1302 : i32 to index
        %get3A_1304 = arith.constant 0 : index
        %get3A_1305 = tpu.vector_load %arg8[%get3A_1303, %get3A_1304] {strides = array<i32>} : memref<16x16xf32, #tpu.memory_space<vmem>>, vector<1x16xf32>,
        %get3A_1306 = vector.shape_cast %get3A_1305 : vector<1x16xf32> to vector<16xf32>
        %slice3A_1307 = vector.extract_strided_slice %get3A_1186 {offsets = [12], sizes = [1], strides = [1]} : vector<16xf32> to vector<1xf32>
        %squeeze3A_1308 = vector.extract %slice3A_1307[0] : f32 from vector<1xf32>
        %mul3A_1309 = vector.broadcast %squeeze3A_1308 : f32 to vector<16xf32>
        %mul3A_1310 = arith.mulf %get3A_1306, %mul3A_1309 : vector<16xf32>
        %get3A_1311 = arith.constant 13 : i32
        %get3A_1312 = arith.index_cast %get3A_1311 : i32 to index
        %get3A_1313 = arith.constant 0 : index
        %get3A_1314 = tpu.vector_load %arg8[%get3A_1312, %get3A_1313] {strides = array<i32>} : memref<16x16xf32, #tpu.memory_space<vmem>>, vector<1x16xf32>,
        %get3A_1315 = vector.shape_cast %get3A_1314 : vector<1x16xf32> to vector<16xf32>
        %slice3A_1316 = vector.extract_strided_slice %get3A_1186 {offsets = [13], sizes = [1], strides = [1]} : vector<16xf32> to vector<1xf32>
        %squeeze3A_1317 = vector.extract %slice3A_1316[0] : f32 from vector<1xf32>
        %mul3A_1318 = vector.broadcast %squeeze3A_1317 : f32 to vector<16xf32>
        %mul3A_1319 = arith.mulf %get3A_1315, %mul3A_1318 : vector<16xf32>
        %add3A_1320 = arith.addf %mul3A_1310, %mul3A_1319 : vector<16xf32>
        %get3A_1321 = arith.constant 14 : i32
        %get3A_1322 = arith.index_cast %get3A_1321 : i32 to index
        %get3A_1323 = arith.constant 0 : index
        %get3A_1324 = tpu.vector_load %arg8[%get3A_1322, %get3A_1323] {strides = array<i32>} : memref<16x16xf32, #tpu.memory_space<vmem>>, vector<1x16xf32>,
        %get3A_1325 = vector.shape_cast %get3A_1324 : vector<1x16xf32> to vector<16xf32>
        %slice3A_1326 = vector.extract_strided_slice %get3A_1186 {offsets = [14], sizes = [1], strides = [1]} : vector<16xf32> to vector<1xf32>
        %squeeze3A_1327 = vector.extract %slice3A_1326[0] : f32 from vector<1xf32>
        %mul3A_1328 = vector.broadcast %squeeze3A_1327 : f32 to vector<16xf32>
        %mul3A_1329 = arith.mulf %get3A_1325, %mul3A_1328 : vector<16xf32>
        %add3A_1330 = arith.addf %add3A_1320, %mul3A_1329 : vector<16xf32>
        %get3A_1331 = arith.constant 15 : i32
        %get3A_1332 = arith.index_cast %get3A_1331 : i32 to index
        %get3A_1333 = arith.constant 0 : index
        %get3A_1334 = tpu.vector_load %arg8[%get3A_1332, %get3A_1333] {strides = array<i32>} : memref<16x16xf32, #tpu.memory_space<vmem>>, vector<1x16xf32>,
        %get3A_1335 = vector.shape_cast %get3A_1334 : vector<1x16xf32> to vector<16xf32>
        %slice3A_1336 = vector.extract_strided_slice %get3A_1186 {offsets = [15], sizes = [1], strides = [1]} : vector<16xf32> to vector<1xf32>
        %squeeze3A_1337 = vector.extract %slice3A_1336[0] : f32 from vector<1xf32>
        %mul3A_1338 = vector.broadcast %squeeze3A_1337 : f32 to vector<16xf32>
        %mul3A_1339 = arith.mulf %get3A_1335, %mul3A_1338 : vector<16xf32>
        %add3A_1340 = arith.addf %add3A_1330, %mul3A_1339 : vector<16xf32>
        %add3A_1341 = arith.addf %add3A_1223, %add3A_1262 : vector<16xf32>
        %add3A_1342 = arith.addf %add3A_1301, %add3A_1340 : vector<16xf32>
        %add3A_1343 = arith.addf %add3A_1341, %add3A_1342 : vector<16xf32>
        %swap3A_1344 = arith.index_cast %scan3A_1180 : i32 to index
        %swap3A_1345 = arith.constant 0 : index
        %swap3A_1346 = tpu.vector_load %arg12[%swap3A_1344, %swap3A_1345] {strides = array<i32>} : memref<256x16xf32, #tpu.memory_space<vmem>>, vector<1x16xf32>,
        %swap3A_1347 = vector.shape_cast %swap3A_1346 : vector<1x16xf32> to vector<16xf32>
        %swap3A_1348 = vector.shape_cast %add3A_1343 : vector<16xf32> to vector<1x16xf32>
        tpu.vector_store %arg12[%swap3A_1344, %swap3A_1345], %swap3A_1348 {strides = array<i32>} : memref<256x16xf32, #tpu.memory_space<vmem>>, vector<1x16xf32>,
        %add3A_1349 = arith.addf %scan3A_1181, %add3A_1343 : vector<16xf32>
        %mul3A_1350 = arith.mulf %add3A_1343, %add3A_1343 : vector<16xf32>
        %add3A_1351 = arith.addf %scan3A_1182, %mul3A_1350 : vector<16xf32>
        %scan3A_1352 = arith.constant 1 : i32
        %scan3A_1353 = arith.addi %scan3A_1180, %scan3A_1352 : i32
        %get3A_1354 = arith.index_cast %scan3A_1353 : i32 to index
        %get3A_1355 = arith.constant 0 : index
        %get3A_1356 = tpu.vector_load %arg9[%get3A_1354, %get3A_1355] {strides = array<i32>} : memref<256x16xf32, #tpu.memory_space<vmem>>, vector<1x16xf32>,
        %get3A_1357 = vector.shape_cast %get3A_1356 : vector<1x16xf32> to vector<16xf32>
        %get3A_1358 = arith.constant 0 : i32
        %get3A_1359 = arith.index_cast %get3A_1358 : i32 to index
        %get3A_1360 = arith.constant 0 : index
        %get3A_1361 = tpu.vector_load %arg8[%get3A_1359, %get3A_1360] {strides = array<i32>} : memref<16x16xf32, #tpu.memory_space<vmem>>, vector<1x16xf32>,
        %get3A_1362 = vector.shape_cast %get3A_1361 : vector<1x16xf32> to vector<16xf32>
        %slice3A_1363 = vector.extract_strided_slice %get3A_1357 {offsets = [0], sizes = [1], strides = [1]} : vector<16xf32> to vector<1xf32>
        %squeeze3A_1364 = vector.extract %slice3A_1363[0] : f32 from vector<1xf32>
        %mul3A_1365 = vector.broadcast %squeeze3A_1364 : f32 to vector<16xf32>
        %mul3A_1366 = arith.mulf %get3A_1362, %mul3A_1365 : vector<16xf32>
        %get3A_1367 = arith.constant 1 : i32
        %get3A_1368 = arith.index_cast %get3A_1367 : i32 to index
        %get3A_1369 = arith.constant 0 : index
        %get3A_1370 = tpu.vector_load %arg8[%get3A_1368, %get3A_1369] {strides = array<i32>} : memref<16x16xf32, #tpu.memory_space<vmem>>, vector<1x16xf32>,
        %get3A_1371 = vector.shape_cast %get3A_1370 : vector<1x16xf32> to vector<16xf32>
        %slice3A_1372 = vector.extract_strided_slice %get3A_1357 {offsets = [1], sizes = [1], strides = [1]} : vector<16xf32> to vector<1xf32>
        %squeeze3A_1373 = vector.extract %slice3A_1372[0] : f32 from vector<1xf32>
        %mul3A_1374 = vector.broadcast %squeeze3A_1373 : f32 to vector<16xf32>
        %mul3A_1375 = arith.mulf %get3A_1371, %mul3A_1374 : vector<16xf32>
        %add3A_1376 = arith.addf %mul3A_1366, %mul3A_1375 : vector<16xf32>
        %get3A_1377 = arith.constant 2 : i32
        %get3A_1378 = arith.index_cast %get3A_1377 : i32 to index
        %get3A_1379 = arith.constant 0 : index
        %get3A_1380 = tpu.vector_load %arg8[%get3A_1378, %get3A_1379] {strides = array<i32>} : memref<16x16xf32, #tpu.memory_space<vmem>>, vector<1x16xf32>,
        %get3A_1381 = vector.shape_cast %get3A_1380 : vector<1x16xf32> to vector<16xf32>
        %slice3A_1382 = vector.extract_strided_slice %get3A_1357 {offsets = [2], sizes = [1], strides = [1]} : vector<16xf32> to vector<1xf32>
        %squeeze3A_1383 = vector.extract %slice3A_1382[0] : f32 from vector<1xf32>
        %mul3A_1384 = vector.broadcast %squeeze3A_1383 : f32 to vector<16xf32>
        %mul3A_1385 = arith.mulf %get3A_1381, %mul3A_1384 : vector<16xf32>
        %add3A_1386 = arith.addf %add3A_1376, %mul3A_1385 : vector<16xf32>
        %get3A_1387 = arith.constant 3 : i32
        %get3A_1388 = arith.index_cast %get3A_1387 : i32 to index
        %get3A_1389 = arith.constant 0 : index
        %get3A_1390 = tpu.vector_load %arg8[%get3A_1388, %get3A_1389] {strides = array<i32>} : memref<16x16xf32, #tpu.memory_space<vmem>>, vector<1x16xf32>,
        %get3A_1391 = vector.shape_cast %get3A_1390 : vector<1x16xf32> to vector<16xf32>
        %slice3A_1392 = vector.extract_strided_slice %get3A_1357 {offsets = [3], sizes = [1], strides = [1]} : vector<16xf32> to vector<1xf32>
        %squeeze3A_1393 = vector.extract %slice3A_1392[0] : f32 from vector<1xf32>
        %mul3A_1394 = vector.broadcast %squeeze3A_1393 : f32 to vector<16xf32>
        %mul3A_1395 = arith.mulf %get3A_1391, %mul3A_1394 : vector<16xf32>
        %add3A_1396 = arith.addf %add3A_1386, %mul3A_1395 : vector<16xf32>
        %get3A_1397 = arith.constant 4 : i32
        %get3A_1398 = arith.index_cast %get3A_1397 : i32 to index
        %get3A_1399 = arith.constant 0 : index
        %get3A_1400 = tpu.vector_load %arg8[%get3A_1398, %get3A_1399] {strides = array<i32>} : memref<16x16xf32, #tpu.memory_space<vmem>>, vector<1x16xf32>,
        %get3A_1401 = vector.shape_cast %get3A_1400 : vector<1x16xf32> to vector<16xf32>
        %slice3A_1402 = vector.extract_strided_slice %get3A_1357 {offsets = [4], sizes = [1], strides = [1]} : vector<16xf32> to vector<1xf32>
        %squeeze3A_1403 = vector.extract %slice3A_1402[0] : f32 from vector<1xf32>
        %mul3A_1404 = vector.broadcast %squeeze3A_1403 : f32 to vector<16xf32>
        %mul3A_1405 = arith.mulf %get3A_1401, %mul3A_1404 : vector<16xf32>
        %get3A_1406 = arith.constant 5 : i32
        %get3A_1407 = arith.index_cast %get3A_1406 : i32 to index
        %get3A_1408 = arith.constant 0 : index
        %get3A_1409 = tpu.vector_load %arg8[%get3A_1407, %get3A_1408] {strides = array<i32>} : memref<16x16xf32, #tpu.memory_space<vmem>>, vector<1x16xf32>,
        %get3A_1410 = vector.shape_cast %get3A_1409 : vector<1x16xf32> to vector<16xf32>
        %slice3A_1411 = vector.extract_strided_slice %get3A_1357 {offsets = [5], sizes = [1], strides = [1]} : vector<16xf32> to vector<1xf32>
        %squeeze3A_1412 = vector.extract %slice3A_1411[0] : f32 from vector<1xf32>
        %mul3A_1413 = vector.broadcast %squeeze3A_1412 : f32 to vector<16xf32>
        %mul3A_1414 = arith.mulf %get3A_1410, %mul3A_1413 : vector<16xf32>
        %add3A_1415 = arith.addf %mul3A_1405, %mul3A_1414 : vector<16xf32>
        %get3A_1416 = arith.constant 6 : i32
        %get3A_1417 = arith.index_cast %get3A_1416 : i32 to index
        %get3A_1418 = arith.constant 0 : index
        %get3A_1419 = tpu.vector_load %arg8[%get3A_1417, %get3A_1418] {strides = array<i32>} : memref<16x16xf32, #tpu.memory_space<vmem>>, vector<1x16xf32>,
        %get3A_1420 = vector.shape_cast %get3A_1419 : vector<1x16xf32> to vector<16xf32>
        %slice3A_1421 = vector.extract_strided_slice %get3A_1357 {offsets = [6], sizes = [1], strides = [1]} : vector<16xf32> to vector<1xf32>
        %squeeze3A_1422 = vector.extract %slice3A_1421[0] : f32 from vector<1xf32>
        %mul3A_1423 = vector.broadcast %squeeze3A_1422 : f32 to vector<16xf32>
        %mul3A_1424 = arith.mulf %get3A_1420, %mul3A_1423 : vector<16xf32>
        %add3A_1425 = arith.addf %add3A_1415, %mul3A_1424 : vector<16xf32>
        %get3A_1426 = arith.constant 7 : i32
        %get3A_1427 = arith.index_cast %get3A_1426 : i32 to index
        %get3A_1428 = arith.constant 0 : index
        %get3A_1429 = tpu.vector_load %arg8[%get3A_1427, %get3A_1428] {strides = array<i32>} : memref<16x16xf32, #tpu.memory_space<vmem>>, vector<1x16xf32>,
        %get3A_1430 = vector.shape_cast %get3A_1429 : vector<1x16xf32> to vector<16xf32>
        %slice3A_1431 = vector.extract_strided_slice %get3A_1357 {offsets = [7], sizes = [1], strides = [1]} : vector<16xf32> to vector<1xf32>
        %squeeze3A_1432 = vector.extract %slice3A_1431[0] : f32 from vector<1xf32>
        %mul3A_1433 = vector.broadcast %squeeze3A_1432 : f32 to vector<16xf32>
        %mul3A_1434 = arith.mulf %get3A_1430, %mul3A_1433 : vector<16xf32>
        %add3A_1435 = arith.addf %add3A_1425, %mul3A_1434 : vector<16xf32>
        %get3A_1436 = arith.constant 8 : i32
        %get3A_1437 = arith.index_cast %get3A_1436 : i32 to index
        %get3A_1438 = arith.constant 0 : index
        %get3A_1439 = tpu.vector_load %arg8[%get3A_1437, %get3A_1438] {strides = array<i32>} : memref<16x16xf32, #tpu.memory_space<vmem>>, vector<1x16xf32>,
        %get3A_1440 = vector.shape_cast %get3A_1439 : vector<1x16xf32> to vector<16xf32>
        %slice3A_1441 = vector.extract_strided_slice %get3A_1357 {offsets = [8], sizes = [1], strides = [1]} : vector<16xf32> to vector<1xf32>
        %squeeze3A_1442 = vector.extract %slice3A_1441[0] : f32 from vector<1xf32>
        %mul3A_1443 = vector.broadcast %squeeze3A_1442 : f32 to vector<16xf32>
        %mul3A_1444 = arith.mulf %get3A_1440, %mul3A_1443 : vector<16xf32>
        %get3A_1445 = arith.constant 9 : i32
        %get3A_1446 = arith.index_cast %get3A_1445 : i32 to index
        %get3A_1447 = arith.constant 0 : index
        %get3A_1448 = tpu.vector_load %arg8[%get3A_1446, %get3A_1447] {strides = array<i32>} : memref<16x16xf32, #tpu.memory_space<vmem>>, vector<1x16xf32>,
        %get3A_1449 = vector.shape_cast %get3A_1448 : vector<1x16xf32> to vector<16xf32>
        %slice3A_1450 = vector.extract_strided_slice %get3A_1357 {offsets = [9], sizes = [1], strides = [1]} : vector<16xf32> to vector<1xf32>
        %squeeze3A_1451 = vector.extract %slice3A_1450[0] : f32 from vector<1xf32>
        %mul3A_1452 = vector.broadcast %squeeze3A_1451 : f32 to vector<16xf32>
        %mul3A_1453 = arith.mulf %get3A_1449, %mul3A_1452 : vector<16xf32>
        %add3A_1454 = arith.addf %mul3A_1444, %mul3A_1453 : vector<16xf32>
        %get3A_1455 = arith.constant 10 : i32
        %get3A_1456 = arith.index_cast %get3A_1455 : i32 to index
        %get3A_1457 = arith.constant 0 : index
        %get3A_1458 = tpu.vector_load %arg8[%get3A_1456, %get3A_1457] {strides = array<i32>} : memref<16x16xf32, #tpu.memory_space<vmem>>, vector<1x16xf32>,
        %get3A_1459 = vector.shape_cast %get3A_1458 : vector<1x16xf32> to vector<16xf32>
        %slice3A_1460 = vector.extract_strided_slice %get3A_1357 {offsets = [10], sizes = [1], strides = [1]} : vector<16xf32> to vector<1xf32>
        %squeeze3A_1461 = vector.extract %slice3A_1460[0] : f32 from vector<1xf32>
        %mul3A_1462 = vector.broadcast %squeeze3A_1461 : f32 to vector<16xf32>
        %mul3A_1463 = arith.mulf %get3A_1459, %mul3A_1462 : vector<16xf32>
        %add3A_1464 = arith.addf %add3A_1454, %mul3A_1463 : vector<16xf32>
        %get3A_1465 = arith.constant 11 : i32
        %get3A_1466 = arith.index_cast %get3A_1465 : i32 to index
        %get3A_1467 = arith.constant 0 : index
        %get3A_1468 = tpu.vector_load %arg8[%get3A_1466, %get3A_1467] {strides = array<i32>} : memref<16x16xf32, #tpu.memory_space<vmem>>, vector<1x16xf32>,
        %get3A_1469 = vector.shape_cast %get3A_1468 : vector<1x16xf32> to vector<16xf32>
        %slice3A_1470 = vector.extract_strided_slice %get3A_1357 {offsets = [11], sizes = [1], strides = [1]} : vector<16xf32> to vector<1xf32>
        %squeeze3A_1471 = vector.extract %slice3A_1470[0] : f32 from vector<1xf32>
        %mul3A_1472 = vector.broadcast %squeeze3A_1471 : f32 to vector<16xf32>
        %mul3A_1473 = arith.mulf %get3A_1469, %mul3A_1472 : vector<16xf32>
        %add3A_1474 = arith.addf %add3A_1464, %mul3A_1473 : vector<16xf32>
        %get3A_1475 = arith.constant 12 : i32
        %get3A_1476 = arith.index_cast %get3A_1475 : i32 to index
        %get3A_1477 = arith.constant 0 : index
        %get3A_1478 = tpu.vector_load %arg8[%get3A_1476, %get3A_1477] {strides = array<i32>} : memref<16x16xf32, #tpu.memory_space<vmem>>, vector<1x16xf32>,
        %get3A_1479 = vector.shape_cast %get3A_1478 : vector<1x16xf32> to vector<16xf32>
        %slice3A_1480 = vector.extract_strided_slice %get3A_1357 {offsets = [12], sizes = [1], strides = [1]} : vector<16xf32> to vector<1xf32>
        %squeeze3A_1481 = vector.extract %slice3A_1480[0] : f32 from vector<1xf32>
        %mul3A_1482 = vector.broadcast %squeeze3A_1481 : f32 to vector<16xf32>
        %mul3A_1483 = arith.mulf %get3A_1479, %mul3A_1482 : vector<16xf32>
        %get3A_1484 = arith.constant 13 : i32
        %get3A_1485 = arith.index_cast %get3A_1484 : i32 to index
        %get3A_1486 = arith.constant 0 : index
        %get3A_1487 = tpu.vector_load %arg8[%get3A_1485, %get3A_1486] {strides = array<i32>} : memref<16x16xf32, #tpu.memory_space<vmem>>, vector<1x16xf32>,
        %get3A_1488 = vector.shape_cast %get3A_1487 : vector<1x16xf32> to vector<16xf32>
        %slice3A_1489 = vector.extract_strided_slice %get3A_1357 {offsets = [13], sizes = [1], strides = [1]} : vector<16xf32> to vector<1xf32>
        %squeeze3A_1490 = vector.extract %slice3A_1489[0] : f32 from vector<1xf32>
        %mul3A_1491 = vector.broadcast %squeeze3A_1490 : f32 to vector<16xf32>
        %mul3A_1492 = arith.mulf %get3A_1488, %mul3A_1491 : vector<16xf32>
        %add3A_1493 = arith.addf %mul3A_1483, %mul3A_1492 : vector<16xf32>
        %get3A_1494 = arith.constant 14 : i32
        %get3A_1495 = arith.index_cast %get3A_1494 : i32 to index
        %get3A_1496 = arith.constant 0 : index
        %get3A_1497 = tpu.vector_load %arg8[%get3A_1495, %get3A_1496] {strides = array<i32>} : memref<16x16xf32, #tpu.memory_space<vmem>>, vector<1x16xf32>,
        %get3A_1498 = vector.shape_cast %get3A_1497 : vector<1x16xf32> to vector<16xf32>
        %slice3A_1499 = vector.extract_strided_slice %get3A_1357 {offsets = [14], sizes = [1], strides = [1]} : vector<16xf32> to vector<1xf32>
        %squeeze3A_1500 = vector.extract %slice3A_1499[0] : f32 from vector<1xf32>
        %mul3A_1501 = vector.broadcast %squeeze3A_1500 : f32 to vector<16xf32>
        %mul3A_1502 = arith.mulf %get3A_1498, %mul3A_1501 : vector<16xf32>
        %add3A_1503 = arith.addf %add3A_1493, %mul3A_1502 : vector<16xf32>
        %get3A_1504 = arith.constant 15 : i32
        %get3A_1505 = arith.index_cast %get3A_1504 : i32 to index
        %get3A_1506 = arith.constant 0 : index
        %get3A_1507 = tpu.vector_load %arg8[%get3A_1505, %get3A_1506] {strides = array<i32>} : memref<16x16xf32, #tpu.memory_space<vmem>>, vector<1x16xf32>,
        %get3A_1508 = vector.shape_cast %get3A_1507 : vector<1x16xf32> to vector<16xf32>
        %slice3A_1509 = vector.extract_strided_slice %get3A_1357 {offsets = [15], sizes = [1], strides = [1]} : vector<16xf32> to vector<1xf32>
        %squeeze3A_1510 = vector.extract %slice3A_1509[0] : f32 from vector<1xf32>
        %mul3A_1511 = vector.broadcast %squeeze3A_1510 : f32 to vector<16xf32>
        %mul3A_1512 = arith.mulf %get3A_1508, %mul3A_1511 : vector<16xf32>
        %add3A_1513 = arith.addf %add3A_1503, %mul3A_1512 : vector<16xf32>
        %add3A_1514 = arith.addf %add3A_1396, %add3A_1435 : vector<16xf32>
        %add3A_1515 = arith.addf %add3A_1474, %add3A_1513 : vector<16xf32>
        %add3A_1516 = arith.addf %add3A_1514, %add3A_1515 : vector<16xf32>
        %swap3A_1517 = arith.index_cast %scan3A_1353 : i32 to index
        %swap3A_1518 = arith.constant 0 : index
        %swap3A_1519 = tpu.vector_load %arg12[%swap3A_1517, %swap3A_1518] {strides = array<i32>} : memref<256x16xf32, #tpu.memory_space<vmem>>, vector<1x16xf32>,
        %swap3A_1520 = vector.shape_cast %swap3A_1519 : vector<1x16xf32> to vector<16xf32>
        %swap3A_1521 = vector.shape_cast %add3A_1516 : vector<16xf32> to vector<1x16xf32>
        tpu.vector_store %arg12[%swap3A_1517, %swap3A_1518], %swap3A_1521 {strides = array<i32>} : memref<256x16xf32, #tpu.memory_space<vmem>>, vector<1x16xf32>,
        %add3A_1522 = arith.addf %add3A_1349, %add3A_1516 : vector<16xf32>
        %mul3A_1523 = arith.mulf %add3A_1516, %add3A_1516 : vector<16xf32>
        %add3A_1524 = arith.addf %add3A_1351, %mul3A_1523 : vector<16xf32>
        scf.yield %add3A_1522, %add3A_1524 : vector<16xf32>, vector<16xf32>
      }
      %scan3A_8 = arith.constant 256 : i32
      %mul3A_9 = arith.constant 3.906250e-03 : f32
      %mul3A_10 = vector.broadcast %mul3A_9 : f32 to vector<16xf32>
      %mul3A_11 = arith.mulf %scan3A_7#0, %mul3A_10 : vector<16xf32>
      %mul3A_12 = arith.constant 3.906250e-03 : f32
      %mul3A_13 = vector.broadcast %mul3A_12 : f32 to vector<16xf32>
      %mul3A_14 = arith.mulf %scan3A_7#1, %mul3A_13 : vector<16xf32>
      %mul3A_15 = arith.mulf %mul3A_11, %mul3A_11 : vector<16xf32>
      %sub3A = arith.subf %mul3A_14, %mul3A_15 : vector<16xf32>
      %add3A_16 = arith.constant 9.99999974E-6 : f32
      %add3A_17 = vector.broadcast %add3A_16 : f32 to vector<16xf32>
      %add3A_18 = arith.addf %sub3A, %add3A_17 : vector<16xf32>
      %bitcast_convert_type3A = tpu.bitcast %add3A_18 : vector<16xf32> -> vector<16xi32>
      %shift_right_arithmetic3A = arith.constant 1 : i32
      %shift_right_arithmetic3A_19 = vector.broadcast %shift_right_arithmetic3A : i32 to vector<16xi32>
      %shift_right_arithmetic3A_20 = arith.shrsi %bitcast_convert_type3A, %shift_right_arithmetic3A_19 : vector<16xi32>
      %sub3A_21 = arith.constant 1597463007 : i32
      %sub3A_22 = vector.broadcast %sub3A_21 : i32 to vector<16xi32>
      %sub3A_23 = arith.subi %sub3A_22, %shift_right_arithmetic3A_20 : vector<16xi32>
      %bitcast_convert_type3A_24 = tpu.bitcast %sub3A_23 : vector<16xi32> -> vector<16xf32>
      %mul3A_25 = arith.constant 5.000000e-01 : f32
      %mul3A_26 = vector.broadcast %mul3A_25 : f32 to vector<16xf32>
      %mul3A_27 = arith.mulf %mul3A_26, %add3A_18 : vector<16xf32>
      %mul3A_28 = arith.mulf %mul3A_27, %bitcast_convert_type3A_24 : vector<16xf32>
      %mul3A_29 = arith.mulf %mul3A_28, %bitcast_convert_type3A_24 : vector<16xf32>
      %sub3A_30 = arith.constant 1.500000e+00 : f32
      %sub3A_31 = vector.broadcast %sub3A_30 : f32 to vector<16xf32>
      %sub3A_32 = arith.subf %sub3A_31, %mul3A_29 : vector<16xf32>
      %mul3A_33 = arith.mulf %bitcast_convert_type3A_24, %sub3A_32 : vector<16xf32>
      %mul3A_34 = arith.constant 5.000000e-01 : f32
      %mul3A_35 = vector.broadcast %mul3A_34 : f32 to vector<16xf32>
      %mul3A_36 = arith.mulf %mul3A_35, %add3A_18 : vector<16xf32>
      %mul3A_37 = arith.mulf %mul3A_36, %mul3A_33 : vector<16xf32>
      %mul3A_38 = arith.mulf %mul3A_37, %mul3A_33 : vector<16xf32>
      %sub3A_39 = arith.constant 1.500000e+00 : f32
      %sub3A_40 = vector.broadcast %sub3A_39 : f32 to vector<16xf32>
      %sub3A_41 = arith.subf %sub3A_40, %mul3A_38 : vector<16xf32>
      %mul3A_42 = arith.mulf %mul3A_33, %sub3A_41 : vector<16xf32>
      %mul3A_43 = arith.constant 5.000000e-01 : f32
      %mul3A_44 = vector.broadcast %mul3A_43 : f32 to vector<16xf32>
      %mul3A_45 = arith.mulf %mul3A_44, %add3A_18 : vector<16xf32>
      %mul3A_46 = arith.mulf %mul3A_45, %mul3A_42 : vector<16xf32>
      %mul3A_47 = arith.mulf %mul3A_46, %mul3A_42 : vector<16xf32>
      %sub3A_48 = arith.constant 1.500000e+00 : f32
      %sub3A_49 = vector.broadcast %sub3A_48 : f32 to vector<16xf32>
      %sub3A_50 = arith.subf %sub3A_49, %mul3A_47 : vector<16xf32>
      %mul3A_51 = arith.mulf %mul3A_42, %sub3A_50 : vector<16xf32>
      %scan3A_52 = arith.constant 0 : i32
      %scan3A_53 = arith.constant 128 : i32
      %scan3A_54 = arith.addi %scan3A_52, %scan3A_53 : i32
      %scan3A_55 = arith.constant 2 : i32
      %scan3A_56:8 = scf.for %scan3A_1180 = %scan3A_52 to %scan3A_54 step %scan3A_55 iter_args(%scan3A_1181 = %broadcast_in_dim3A_3, %scan3A_1182 = %broadcast_in_dim3A_3, %scan3A_1183 = %broadcast_in_dim3A_3, %scan3A_1184 = %broadcast_in_dim3A_3, %scan3A_1185 = %broadcast_in_dim3A_3, %scan3A_1186 = %broadcast_in_dim3A_3, %scan3A_1187 = %broadcast_in_dim3A_3, %scan3A_1188 = %broadcast_in_dim3A_3) -> (vector<16xf32>, vector<16xf32>, vector<16xf32>, vector<16xf32>, vector<16xf32>, vector<16xf32>, vector<16xf32>, vector<16xf32>)  : i32 {
        %mul3A_1189 = arith.constant 2 : i32
        %mul3A_1190 = arith.muli %scan3A_1180, %mul3A_1189 : i32
        %mul3A_1191 = arith.constant 8 : i32
        %mul3A_1192 = arith.muli %mul3A_1190, %mul3A_1191 : i32
        %get3A_1193 = arith.index_cast %mul3A_1192 : i32 to index
        %get3A_1194 = tpu.vector_load %arg10[%get3A_1193] {strides = array<i32>} : memref<2048xf32, #tpu.memory_space<vmem>>, vector<16xf32>,
        %get3A_1195 = vector.shape_cast %get3A_1194 : vector<16xf32> to vector<16xf32>
        %get3A_1196 = arith.index_cast %mul3A_1190 : i32 to index
        %get3A_1197 = arith.constant 0 : index
        %get3A_1198 = tpu.vector_load %arg12[%get3A_1196, %get3A_1197] {strides = array<i32>} : memref<256x16xf32, #tpu.memory_space<vmem>>, vector<1x16xf32>,
        %get3A_1199 = vector.shape_cast %get3A_1198 : vector<1x16xf32> to vector<16xf32>
        %sub3A_1200 = arith.subf %get3A_1199, %mul3A_11 : vector<16xf32>
        %mul3A_1201 = arith.mulf %sub3A_1200, %mul3A_51 : vector<16xf32>
        %max3A_1202 = arith.constant 0.000000e+00 : f32
        %max3A_1203 = vector.broadcast %max3A_1202 : f32 to vector<16xf32>
        %max3A_1204 = arith.maximumf %mul3A_1201, %max3A_1203 : vector<16xf32>
        %add3A_1205 = arith.constant 1 : i32
        %add3A_1206 = arith.addi %mul3A_1190, %add3A_1205 : i32
        %get3A_1207 = arith.index_cast %add3A_1206 : i32 to index
        %get3A_1208 = arith.constant 0 : index
        %get3A_1209 = tpu.vector_load %arg12[%get3A_1207, %get3A_1208] {strides = array<i32>} : memref<256x16xf32, #tpu.memory_space<vmem>>, vector<1x16xf32>,
        %get3A_1210 = vector.shape_cast %get3A_1209 : vector<1x16xf32> to vector<16xf32>
        %sub3A_1211 = arith.subf %get3A_1210, %mul3A_11 : vector<16xf32>
        %mul3A_1212 = arith.mulf %sub3A_1211, %mul3A_51 : vector<16xf32>
        %max3A_1213 = arith.constant 0.000000e+00 : f32
        %max3A_1214 = vector.broadcast %max3A_1213 : f32 to vector<16xf32>
        %max3A_1215 = arith.maximumf %mul3A_1212, %max3A_1214 : vector<16xf32>
        %slice3A = vector.extract_strided_slice %get3A_1195 {offsets = [0], sizes = [1], strides = [1]} : vector<16xf32> to vector<1xf32>
        %squeeze3A = vector.extract %slice3A[0] : f32 from vector<1xf32>
        %mul3A_1216 = vector.broadcast %squeeze3A : f32 to vector<16xf32>
        %mul3A_1217 = arith.mulf %max3A_1204, %mul3A_1216 : vector<16xf32>
        %add3A_1218 = arith.addf %scan3A_1181, %mul3A_1217 : vector<16xf32>
        %slice3A_1219 = vector.extract_strided_slice %get3A_1195 {offsets = [8], sizes = [1], strides = [1]} : vector<16xf32> to vector<1xf32>
        %squeeze3A_1220 = vector.extract %slice3A_1219[0] : f32 from vector<1xf32>
        %mul3A_1221 = vector.broadcast %squeeze3A_1220 : f32 to vector<16xf32>
        %mul3A_1222 = arith.mulf %max3A_1215, %mul3A_1221 : vector<16xf32>
        %add3A_1223 = arith.addf %add3A_1218, %mul3A_1222 : vector<16xf32>
        %slice3A_1224 = vector.extract_strided_slice %get3A_1195 {offsets = [1], sizes = [1], strides = [1]} : vector<16xf32> to vector<1xf32>
        %squeeze3A_1225 = vector.extract %slice3A_1224[0] : f32 from vector<1xf32>
        %mul3A_1226 = vector.broadcast %squeeze3A_1225 : f32 to vector<16xf32>
        %mul3A_1227 = arith.mulf %max3A_1204, %mul3A_1226 : vector<16xf32>
        %add3A_1228 = arith.addf %scan3A_1182, %mul3A_1227 : vector<16xf32>
        %slice3A_1229 = vector.extract_strided_slice %get3A_1195 {offsets = [9], sizes = [1], strides = [1]} : vector<16xf32> to vector<1xf32>
        %squeeze3A_1230 = vector.extract %slice3A_1229[0] : f32 from vector<1xf32>
        %mul3A_1231 = vector.broadcast %squeeze3A_1230 : f32 to vector<16xf32>
        %mul3A_1232 = arith.mulf %max3A_1215, %mul3A_1231 : vector<16xf32>
        %add3A_1233 = arith.addf %add3A_1228, %mul3A_1232 : vector<16xf32>
        %slice3A_1234 = vector.extract_strided_slice %get3A_1195 {offsets = [2], sizes = [1], strides = [1]} : vector<16xf32> to vector<1xf32>
        %squeeze3A_1235 = vector.extract %slice3A_1234[0] : f32 from vector<1xf32>
        %mul3A_1236 = vector.broadcast %squeeze3A_1235 : f32 to vector<16xf32>
        %mul3A_1237 = arith.mulf %max3A_1204, %mul3A_1236 : vector<16xf32>
        %add3A_1238 = arith.addf %scan3A_1183, %mul3A_1237 : vector<16xf32>
        %slice3A_1239 = vector.extract_strided_slice %get3A_1195 {offsets = [10], sizes = [1], strides = [1]} : vector<16xf32> to vector<1xf32>
        %squeeze3A_1240 = vector.extract %slice3A_1239[0] : f32 from vector<1xf32>
        %mul3A_1241 = vector.broadcast %squeeze3A_1240 : f32 to vector<16xf32>
        %mul3A_1242 = arith.mulf %max3A_1215, %mul3A_1241 : vector<16xf32>
        %add3A_1243 = arith.addf %add3A_1238, %mul3A_1242 : vector<16xf32>
        %slice3A_1244 = vector.extract_strided_slice %get3A_1195 {offsets = [3], sizes = [1], strides = [1]} : vector<16xf32> to vector<1xf32>
        %squeeze3A_1245 = vector.extract %slice3A_1244[0] : f32 from vector<1xf32>
        %mul3A_1246 = vector.broadcast %squeeze3A_1245 : f32 to vector<16xf32>
        %mul3A_1247 = arith.mulf %max3A_1204, %mul3A_1246 : vector<16xf32>
        %add3A_1248 = arith.addf %scan3A_1184, %mul3A_1247 : vector<16xf32>
        %slice3A_1249 = vector.extract_strided_slice %get3A_1195 {offsets = [11], sizes = [1], strides = [1]} : vector<16xf32> to vector<1xf32>
        %squeeze3A_1250 = vector.extract %slice3A_1249[0] : f32 from vector<1xf32>
        %mul3A_1251 = vector.broadcast %squeeze3A_1250 : f32 to vector<16xf32>
        %mul3A_1252 = arith.mulf %max3A_1215, %mul3A_1251 : vector<16xf32>
        %add3A_1253 = arith.addf %add3A_1248, %mul3A_1252 : vector<16xf32>
        %slice3A_1254 = vector.extract_strided_slice %get3A_1195 {offsets = [4], sizes = [1], strides = [1]} : vector<16xf32> to vector<1xf32>
        %squeeze3A_1255 = vector.extract %slice3A_1254[0] : f32 from vector<1xf32>
        %mul3A_1256 = vector.broadcast %squeeze3A_1255 : f32 to vector<16xf32>
        %mul3A_1257 = arith.mulf %max3A_1204, %mul3A_1256 : vector<16xf32>
        %add3A_1258 = arith.addf %scan3A_1185, %mul3A_1257 : vector<16xf32>
        %slice3A_1259 = vector.extract_strided_slice %get3A_1195 {offsets = [12], sizes = [1], strides = [1]} : vector<16xf32> to vector<1xf32>
        %squeeze3A_1260 = vector.extract %slice3A_1259[0] : f32 from vector<1xf32>
        %mul3A_1261 = vector.broadcast %squeeze3A_1260 : f32 to vector<16xf32>
        %mul3A_1262 = arith.mulf %max3A_1215, %mul3A_1261 : vector<16xf32>
        %add3A_1263 = arith.addf %add3A_1258, %mul3A_1262 : vector<16xf32>
        %slice3A_1264 = vector.extract_strided_slice %get3A_1195 {offsets = [5], sizes = [1], strides = [1]} : vector<16xf32> to vector<1xf32>
        %squeeze3A_1265 = vector.extract %slice3A_1264[0] : f32 from vector<1xf32>
        %mul3A_1266 = vector.broadcast %squeeze3A_1265 : f32 to vector<16xf32>
        %mul3A_1267 = arith.mulf %max3A_1204, %mul3A_1266 : vector<16xf32>
        %add3A_1268 = arith.addf %scan3A_1186, %mul3A_1267 : vector<16xf32>
        %slice3A_1269 = vector.extract_strided_slice %get3A_1195 {offsets = [13], sizes = [1], strides = [1]} : vector<16xf32> to vector<1xf32>
        %squeeze3A_1270 = vector.extract %slice3A_1269[0] : f32 from vector<1xf32>
        %mul3A_1271 = vector.broadcast %squeeze3A_1270 : f32 to vector<16xf32>
        %mul3A_1272 = arith.mulf %max3A_1215, %mul3A_1271 : vector<16xf32>
        %add3A_1273 = arith.addf %add3A_1268, %mul3A_1272 : vector<16xf32>
        %slice3A_1274 = vector.extract_strided_slice %get3A_1195 {offsets = [6], sizes = [1], strides = [1]} : vector<16xf32> to vector<1xf32>
        %squeeze3A_1275 = vector.extract %slice3A_1274[0] : f32 from vector<1xf32>
        %mul3A_1276 = vector.broadcast %squeeze3A_1275 : f32 to vector<16xf32>
        %mul3A_1277 = arith.mulf %max3A_1204, %mul3A_1276 : vector<16xf32>
        %add3A_1278 = arith.addf %scan3A_1187, %mul3A_1277 : vector<16xf32>
        %slice3A_1279 = vector.extract_strided_slice %get3A_1195 {offsets = [14], sizes = [1], strides = [1]} : vector<16xf32> to vector<1xf32>
        %squeeze3A_1280 = vector.extract %slice3A_1279[0] : f32 from vector<1xf32>
        %mul3A_1281 = vector.broadcast %squeeze3A_1280 : f32 to vector<16xf32>
        %mul3A_1282 = arith.mulf %max3A_1215, %mul3A_1281 : vector<16xf32>
        %add3A_1283 = arith.addf %add3A_1278, %mul3A_1282 : vector<16xf32>
        %slice3A_1284 = vector.extract_strided_slice %get3A_1195 {offsets = [7], sizes = [1], strides = [1]} : vector<16xf32> to vector<1xf32>
        %squeeze3A_1285 = vector.extract %slice3A_1284[0] : f32 from vector<1xf32>
        %mul3A_1286 = vector.broadcast %squeeze3A_1285 : f32 to vector<16xf32>
        %mul3A_1287 = arith.mulf %max3A_1204, %mul3A_1286 : vector<16xf32>
        %add3A_1288 = arith.addf %scan3A_1188, %mul3A_1287 : vector<16xf32>
        %slice3A_1289 = vector.extract_strided_slice %get3A_1195 {offsets = [15], sizes = [1], strides = [1]} : vector<16xf32> to vector<1xf32>
        %squeeze3A_1290 = vector.extract %slice3A_1289[0] : f32 from vector<1xf32>
        %mul3A_1291 = vector.broadcast %squeeze3A_1290 : f32 to vector<16xf32>
        %mul3A_1292 = arith.mulf %max3A_1215, %mul3A_1291 : vector<16xf32>
        %add3A_1293 = arith.addf %add3A_1288, %mul3A_1292 : vector<16xf32>
        %scan3A_1294 = arith.constant 1 : i32
        %scan3A_1295 = arith.addi %scan3A_1180, %scan3A_1294 : i32
        %mul3A_1296 = arith.constant 2 : i32
        %mul3A_1297 = arith.muli %scan3A_1295, %mul3A_1296 : i32
        %mul3A_1298 = arith.constant 8 : i32
        %mul3A_1299 = arith.muli %mul3A_1297, %mul3A_1298 : i32
        %get3A_1300 = arith.index_cast %mul3A_1299 : i32 to index
        %get3A_1301 = tpu.vector_load %arg10[%get3A_1300] {strides = array<i32>} : memref<2048xf32, #tpu.memory_space<vmem>>, vector<16xf32>,
        %get3A_1302 = vector.shape_cast %get3A_1301 : vector<16xf32> to vector<16xf32>
        %get3A_1303 = arith.index_cast %mul3A_1297 : i32 to index
        %get3A_1304 = arith.constant 0 : index
        %get3A_1305 = tpu.vector_load %arg12[%get3A_1303, %get3A_1304] {strides = array<i32>} : memref<256x16xf32, #tpu.memory_space<vmem>>, vector<1x16xf32>,
        %get3A_1306 = vector.shape_cast %get3A_1305 : vector<1x16xf32> to vector<16xf32>
        %sub3A_1307 = arith.subf %get3A_1306, %mul3A_11 : vector<16xf32>
        %mul3A_1308 = arith.mulf %sub3A_1307, %mul3A_51 : vector<16xf32>
        %max3A_1309 = arith.constant 0.000000e+00 : f32
        %max3A_1310 = vector.broadcast %max3A_1309 : f32 to vector<16xf32>
        %max3A_1311 = arith.maximumf %mul3A_1308, %max3A_1310 : vector<16xf32>
        %add3A_1312 = arith.constant 1 : i32
        %add3A_1313 = arith.addi %mul3A_1297, %add3A_1312 : i32
        %get3A_1314 = arith.index_cast %add3A_1313 : i32 to index
        %get3A_1315 = arith.constant 0 : index
        %get3A_1316 = tpu.vector_load %arg12[%get3A_1314, %get3A_1315] {strides = array<i32>} : memref<256x16xf32, #tpu.memory_space<vmem>>, vector<1x16xf32>,
        %get3A_1317 = vector.shape_cast %get3A_1316 : vector<1x16xf32> to vector<16xf32>
        %sub3A_1318 = arith.subf %get3A_1317, %mul3A_11 : vector<16xf32>
        %mul3A_1319 = arith.mulf %sub3A_1318, %mul3A_51 : vector<16xf32>
        %max3A_1320 = arith.constant 0.000000e+00 : f32
        %max3A_1321 = vector.broadcast %max3A_1320 : f32 to vector<16xf32>
        %max3A_1322 = arith.maximumf %mul3A_1319, %max3A_1321 : vector<16xf32>
        %slice3A_1323 = vector.extract_strided_slice %get3A_1302 {offsets = [0], sizes = [1], strides = [1]} : vector<16xf32> to vector<1xf32>
        %squeeze3A_1324 = vector.extract %slice3A_1323[0] : f32 from vector<1xf32>
        %mul3A_1325 = vector.broadcast %squeeze3A_1324 : f32 to vector<16xf32>
        %mul3A_1326 = arith.mulf %max3A_1311, %mul3A_1325 : vector<16xf32>
        %add3A_1327 = arith.addf %add3A_1223, %mul3A_1326 : vector<16xf32>
        %slice3A_1328 = vector.extract_strided_slice %get3A_1302 {offsets = [8], sizes = [1], strides = [1]} : vector<16xf32> to vector<1xf32>
        %squeeze3A_1329 = vector.extract %slice3A_1328[0] : f32 from vector<1xf32>
        %mul3A_1330 = vector.broadcast %squeeze3A_1329 : f32 to vector<16xf32>
        %mul3A_1331 = arith.mulf %max3A_1322, %mul3A_1330 : vector<16xf32>
        %add3A_1332 = arith.addf %add3A_1327, %mul3A_1331 : vector<16xf32>
        %slice3A_1333 = vector.extract_strided_slice %get3A_1302 {offsets = [1], sizes = [1], strides = [1]} : vector<16xf32> to vector<1xf32>
        %squeeze3A_1334 = vector.extract %slice3A_1333[0] : f32 from vector<1xf32>
        %mul3A_1335 = vector.broadcast %squeeze3A_1334 : f32 to vector<16xf32>
        %mul3A_1336 = arith.mulf %max3A_1311, %mul3A_1335 : vector<16xf32>
        %add3A_1337 = arith.addf %add3A_1233, %mul3A_1336 : vector<16xf32>
        %slice3A_1338 = vector.extract_strided_slice %get3A_1302 {offsets = [9], sizes = [1], strides = [1]} : vector<16xf32> to vector<1xf32>
        %squeeze3A_1339 = vector.extract %slice3A_1338[0] : f32 from vector<1xf32>
        %mul3A_1340 = vector.broadcast %squeeze3A_1339 : f32 to vector<16xf32>
        %mul3A_1341 = arith.mulf %max3A_1322, %mul3A_1340 : vector<16xf32>
        %add3A_1342 = arith.addf %add3A_1337, %mul3A_1341 : vector<16xf32>
        %slice3A_1343 = vector.extract_strided_slice %get3A_1302 {offsets = [2], sizes = [1], strides = [1]} : vector<16xf32> to vector<1xf32>
        %squeeze3A_1344 = vector.extract %slice3A_1343[0] : f32 from vector<1xf32>
        %mul3A_1345 = vector.broadcast %squeeze3A_1344 : f32 to vector<16xf32>
        %mul3A_1346 = arith.mulf %max3A_1311, %mul3A_1345 : vector<16xf32>
        %add3A_1347 = arith.addf %add3A_1243, %mul3A_1346 : vector<16xf32>
        %slice3A_1348 = vector.extract_strided_slice %get3A_1302 {offsets = [10], sizes = [1], strides = [1]} : vector<16xf32> to vector<1xf32>
        %squeeze3A_1349 = vector.extract %slice3A_1348[0] : f32 from vector<1xf32>
        %mul3A_1350 = vector.broadcast %squeeze3A_1349 : f32 to vector<16xf32>
        %mul3A_1351 = arith.mulf %max3A_1322, %mul3A_1350 : vector<16xf32>
        %add3A_1352 = arith.addf %add3A_1347, %mul3A_1351 : vector<16xf32>
        %slice3A_1353 = vector.extract_strided_slice %get3A_1302 {offsets = [3], sizes = [1], strides = [1]} : vector<16xf32> to vector<1xf32>
        %squeeze3A_1354 = vector.extract %slice3A_1353[0] : f32 from vector<1xf32>
        %mul3A_1355 = vector.broadcast %squeeze3A_1354 : f32 to vector<16xf32>
        %mul3A_1356 = arith.mulf %max3A_1311, %mul3A_1355 : vector<16xf32>
        %add3A_1357 = arith.addf %add3A_1253, %mul3A_1356 : vector<16xf32>
        %slice3A_1358 = vector.extract_strided_slice %get3A_1302 {offsets = [11], sizes = [1], strides = [1]} : vector<16xf32> to vector<1xf32>
        %squeeze3A_1359 = vector.extract %slice3A_1358[0] : f32 from vector<1xf32>
        %mul3A_1360 = vector.broadcast %squeeze3A_1359 : f32 to vector<16xf32>
        %mul3A_1361 = arith.mulf %max3A_1322, %mul3A_1360 : vector<16xf32>
        %add3A_1362 = arith.addf %add3A_1357, %mul3A_1361 : vector<16xf32>
        %slice3A_1363 = vector.extract_strided_slice %get3A_1302 {offsets = [4], sizes = [1], strides = [1]} : vector<16xf32> to vector<1xf32>
        %squeeze3A_1364 = vector.extract %slice3A_1363[0] : f32 from vector<1xf32>
        %mul3A_1365 = vector.broadcast %squeeze3A_1364 : f32 to vector<16xf32>
        %mul3A_1366 = arith.mulf %max3A_1311, %mul3A_1365 : vector<16xf32>
        %add3A_1367 = arith.addf %add3A_1263, %mul3A_1366 : vector<16xf32>
        %slice3A_1368 = vector.extract_strided_slice %get3A_1302 {offsets = [12], sizes = [1], strides = [1]} : vector<16xf32> to vector<1xf32>
        %squeeze3A_1369 = vector.extract %slice3A_1368[0] : f32 from vector<1xf32>
        %mul3A_1370 = vector.broadcast %squeeze3A_1369 : f32 to vector<16xf32>
        %mul3A_1371 = arith.mulf %max3A_1322, %mul3A_1370 : vector<16xf32>
        %add3A_1372 = arith.addf %add3A_1367, %mul3A_1371 : vector<16xf32>
        %slice3A_1373 = vector.extract_strided_slice %get3A_1302 {offsets = [5], sizes = [1], strides = [1]} : vector<16xf32> to vector<1xf32>
        %squeeze3A_1374 = vector.extract %slice3A_1373[0] : f32 from vector<1xf32>
        %mul3A_1375 = vector.broadcast %squeeze3A_1374 : f32 to vector<16xf32>
        %mul3A_1376 = arith.mulf %max3A_1311, %mul3A_1375 : vector<16xf32>
        %add3A_1377 = arith.addf %add3A_1273, %mul3A_1376 : vector<16xf32>
        %slice3A_1378 = vector.extract_strided_slice %get3A_1302 {offsets = [13], sizes = [1], strides = [1]} : vector<16xf32> to vector<1xf32>
        %squeeze3A_1379 = vector.extract %slice3A_1378[0] : f32 from vector<1xf32>
        %mul3A_1380 = vector.broadcast %squeeze3A_1379 : f32 to vector<16xf32>
        %mul3A_1381 = arith.mulf %max3A_1322, %mul3A_1380 : vector<16xf32>
        %add3A_1382 = arith.addf %add3A_1377, %mul3A_1381 : vector<16xf32>
        %slice3A_1383 = vector.extract_strided_slice %get3A_1302 {offsets = [6], sizes = [1], strides = [1]} : vector<16xf32> to vector<1xf32>
        %squeeze3A_1384 = vector.extract %slice3A_1383[0] : f32 from vector<1xf32>
        %mul3A_1385 = vector.broadcast %squeeze3A_1384 : f32 to vector<16xf32>
        %mul3A_1386 = arith.mulf %max3A_1311, %mul3A_1385 : vector<16xf32>
        %add3A_1387 = arith.addf %add3A_1283, %mul3A_1386 : vector<16xf32>
        %slice3A_1388 = vector.extract_strided_slice %get3A_1302 {offsets = [14], sizes = [1], strides = [1]} : vector<16xf32> to vector<1xf32>
        %squeeze3A_1389 = vector.extract %slice3A_1388[0] : f32 from vector<1xf32>
        %mul3A_1390 = vector.broadcast %squeeze3A_1389 : f32 to vector<16xf32>
        %mul3A_1391 = arith.mulf %max3A_1322, %mul3A_1390 : vector<16xf32>
        %add3A_1392 = arith.addf %add3A_1387, %mul3A_1391 : vector<16xf32>
        %slice3A_1393 = vector.extract_strided_slice %get3A_1302 {offsets = [7], sizes = [1], strides = [1]} : vector<16xf32> to vector<1xf32>
        %squeeze3A_1394 = vector.extract %slice3A_1393[0] : f32 from vector<1xf32>
        %mul3A_1395 = vector.broadcast %squeeze3A_1394 : f32 to vector<16xf32>
        %mul3A_1396 = arith.mulf %max3A_1311, %mul3A_1395 : vector<16xf32>
        %add3A_1397 = arith.addf %add3A_1293, %mul3A_1396 : vector<16xf32>
        %slice3A_1398 = vector.extract_strided_slice %get3A_1302 {offsets = [15], sizes = [1], strides = [1]} : vector<16xf32> to vector<1xf32>
        %squeeze3A_1399 = vector.extract %slice3A_1398[0] : f32 from vector<1xf32>
        %mul3A_1400 = vector.broadcast %squeeze3A_1399 : f32 to vector<16xf32>
        %mul3A_1401 = arith.mulf %max3A_1322, %mul3A_1400 : vector<16xf32>
        %add3A_1402 = arith.addf %add3A_1397, %mul3A_1401 : vector<16xf32>
        scf.yield %add3A_1332, %add3A_1342, %add3A_1352, %add3A_1362, %add3A_1372, %add3A_1382, %add3A_1392, %add3A_1402 : vector<16xf32>, vector<16xf32>, vector<16xf32>, vector<16xf32>, vector<16xf32>, vector<16xf32>, vector<16xf32>, vector<16xf32>
      }
      %scan3A_57 = arith.constant 128 : i32
      %get3A = arith.constant 0 : i32
      %get3A_58 = arith.index_cast %get3A : i32 to index
      %get3A_59 = arith.constant 0 : index
      %get3A_60 = tpu.vector_load %arg11[%get3A_58, %get3A_59] {strides = array<i32>} : memref<8x16xf32, #tpu.memory_space<vmem>>, vector<1x16xf32>,
      %get3A_61 = vector.shape_cast %get3A_60 : vector<1x16xf32> to vector<16xf32>
      %bitcast_convert_type3A_62 = tpu.bitcast %get3A_61 : vector<16xf32> -> vector<16xi32>
      %shift_right_logical3A = arith.constant 23 : i32
      %shift_right_logical3A_63 = vector.broadcast %shift_right_logical3A : i32 to vector<16xi32>
      %shift_right_logical3A_64 = arith.shrui %bitcast_convert_type3A_62, %shift_right_logical3A_63 : vector<16xi32>
      %sub3A_65 = arith.constant 127 : i32
      %sub3A_66 = vector.broadcast %sub3A_65 : i32 to vector<16xi32>
      %sub3A_67 = arith.subi %shift_right_logical3A_64, %sub3A_66 : vector<16xi32>
      %and3A = arith.constant 8388607 : i32
      %and3A_68 = vector.broadcast %and3A : i32 to vector<16xi32>
      %and3A_69 = arith.andi %bitcast_convert_type3A_62, %and3A_68 : vector<16xi32>
      %or3A = arith.constant 1065353216 : i32
      %or3A_70 = vector.broadcast %or3A : i32 to vector<16xi32>
      %or3A_71 = arith.ori %and3A_69, %or3A_70 : vector<16xi32>
      %bitcast_convert_type3A_72 = tpu.bitcast %or3A_71 : vector<16xi32> -> vector<16xf32>
      %gt3A = arith.constant 1.41421354 : f32
      %gt3A_73 = vector.broadcast %gt3A : f32 to vector<16xf32>
      %gt3A_74 = arith.cmpf ogt, %bitcast_convert_type3A_72, %gt3A_73 : vector<16xf32>
      %mul3A_75 = arith.constant 5.000000e-01 : f32
      %mul3A_76 = vector.broadcast %mul3A_75 : f32 to vector<16xf32>
      %mul3A_77 = arith.mulf %bitcast_convert_type3A_72, %mul3A_76 : vector<16xf32>
      %select_n3A = arith.select %gt3A_74, %mul3A_77, %bitcast_convert_type3A_72 : vector<16xi1>, vector<16xf32>
      %jit3A = arith.constant 1 : i32
      %jit3A_78 = arith.constant 0 : i32
      %broadcast_in_dim3A_79 = vector.broadcast %jit3A : i32 to vector<16xi32>
      %broadcast_in_dim3A_80 = vector.broadcast %jit3A_78 : i32 to vector<16xi32>
      %select_n3A_81 = arith.select %gt3A_74, %broadcast_in_dim3A_79, %broadcast_in_dim3A_80 : vector<16xi1>, vector<16xi32>
      %add3A_82 = arith.addi %sub3A_67, %select_n3A_81 : vector<16xi32>
      %sub3A_83 = arith.constant 1.000000e+00 : f32
      %sub3A_84 = vector.broadcast %sub3A_83 : f32 to vector<16xf32>
      %sub3A_85 = arith.subf %select_n3A, %sub3A_84 : vector<16xf32>
      %add3A_86 = arith.constant 1.000000e+00 : f32
      %add3A_87 = vector.broadcast %add3A_86 : f32 to vector<16xf32>
      %add3A_88 = arith.addf %select_n3A, %add3A_87 : vector<16xf32>
      %div3A = arith.divf %sub3A_85, %add3A_88 : vector<16xf32>
      %mul3A_89 = arith.mulf %div3A, %div3A : vector<16xf32>
      %mul3A_90 = arith.constant 0.285714298 : f32
      %mul3A_91 = vector.broadcast %mul3A_90 : f32 to vector<16xf32>
      %mul3A_92 = arith.mulf %mul3A_89, %mul3A_91 : vector<16xf32>
      %add3A_93 = arith.constant 4.000000e-01 : f32
      %add3A_94 = vector.broadcast %add3A_93 : f32 to vector<16xf32>
      %add3A_95 = arith.addf %add3A_94, %mul3A_92 : vector<16xf32>
      %mul3A_96 = arith.mulf %mul3A_89, %add3A_95 : vector<16xf32>
      %add3A_97 = arith.constant 0.666666686 : f32
      %add3A_98 = vector.broadcast %add3A_97 : f32 to vector<16xf32>
      %add3A_99 = arith.addf %add3A_98, %mul3A_96 : vector<16xf32>
      %mul3A_100 = arith.mulf %mul3A_89, %add3A_99 : vector<16xf32>
      %add3A_101 = arith.constant 2.000000e+00 : f32
      %add3A_102 = vector.broadcast %add3A_101 : f32 to vector<16xf32>
      %add3A_103 = arith.addf %add3A_102, %mul3A_100 : vector<16xf32>
      %convert_element_type3A_104 = arith.sitofp %add3A_82 : vector<16xi32> to vector<16xf32>
      %mul3A_105 = arith.constant 0.693147182 : f32
      %mul3A_106 = vector.broadcast %mul3A_105 : f32 to vector<16xf32>
      %mul3A_107 = arith.mulf %convert_element_type3A_104, %mul3A_106 : vector<16xf32>
      %mul3A_108 = arith.mulf %div3A, %add3A_103 : vector<16xf32>
      %add3A_109 = arith.addf %mul3A_107, %mul3A_108 : vector<16xf32>
      %neg3A = arith.constant 0.000000e+00 : f32
      %neg3A_110 = vector.broadcast %neg3A : f32 to vector<16xf32>
      %neg3A_111 = arith.subf %neg3A_110, %add3A_109 : vector<16xf32>
      %bitcast_convert_type3A_112 = tpu.bitcast %neg3A_111 : vector<16xf32> -> vector<16xi32>
      %shift_right_logical3A_113 = arith.constant 23 : i32
      %shift_right_logical3A_114 = vector.broadcast %shift_right_logical3A_113 : i32 to vector<16xi32>
      %shift_right_logical3A_115 = arith.shrui %bitcast_convert_type3A_112, %shift_right_logical3A_114 : vector<16xi32>
      %sub3A_116 = arith.constant 127 : i32
      %sub3A_117 = vector.broadcast %sub3A_116 : i32 to vector<16xi32>
      %sub3A_118 = arith.subi %shift_right_logical3A_115, %sub3A_117 : vector<16xi32>
      %and3A_119 = arith.constant 8388607 : i32
      %and3A_120 = vector.broadcast %and3A_119 : i32 to vector<16xi32>
      %and3A_121 = arith.andi %bitcast_convert_type3A_112, %and3A_120 : vector<16xi32>
      %or3A_122 = arith.constant 1065353216 : i32
      %or3A_123 = vector.broadcast %or3A_122 : i32 to vector<16xi32>
      %or3A_124 = arith.ori %and3A_121, %or3A_123 : vector<16xi32>
      %bitcast_convert_type3A_125 = tpu.bitcast %or3A_124 : vector<16xi32> -> vector<16xf32>
      %gt3A_126 = arith.constant 1.41421354 : f32
      %gt3A_127 = vector.broadcast %gt3A_126 : f32 to vector<16xf32>
      %gt3A_128 = arith.cmpf ogt, %bitcast_convert_type3A_125, %gt3A_127 : vector<16xf32>
      %mul3A_129 = arith.constant 5.000000e-01 : f32
      %mul3A_130 = vector.broadcast %mul3A_129 : f32 to vector<16xf32>
      %mul3A_131 = arith.mulf %bitcast_convert_type3A_125, %mul3A_130 : vector<16xf32>
      %select_n3A_132 = arith.select %gt3A_128, %mul3A_131, %bitcast_convert_type3A_125 : vector<16xi1>, vector<16xf32>
      %jit3A_133 = arith.constant 1 : i32
      %jit3A_134 = arith.constant 0 : i32
      %broadcast_in_dim3A_135 = vector.broadcast %jit3A_133 : i32 to vector<16xi32>
      %broadcast_in_dim3A_136 = vector.broadcast %jit3A_134 : i32 to vector<16xi32>
      %select_n3A_137 = arith.select %gt3A_128, %broadcast_in_dim3A_135, %broadcast_in_dim3A_136 : vector<16xi1>, vector<16xi32>
      %add3A_138 = arith.addi %sub3A_118, %select_n3A_137 : vector<16xi32>
      %sub3A_139 = arith.constant 1.000000e+00 : f32
      %sub3A_140 = vector.broadcast %sub3A_139 : f32 to vector<16xf32>
      %sub3A_141 = arith.subf %select_n3A_132, %sub3A_140 : vector<16xf32>
      %add3A_142 = arith.constant 1.000000e+00 : f32
      %add3A_143 = vector.broadcast %add3A_142 : f32 to vector<16xf32>
      %add3A_144 = arith.addf %select_n3A_132, %add3A_143 : vector<16xf32>
      %div3A_145 = arith.divf %sub3A_141, %add3A_144 : vector<16xf32>
      %mul3A_146 = arith.mulf %div3A_145, %div3A_145 : vector<16xf32>
      %mul3A_147 = arith.constant 0.285714298 : f32
      %mul3A_148 = vector.broadcast %mul3A_147 : f32 to vector<16xf32>
      %mul3A_149 = arith.mulf %mul3A_146, %mul3A_148 : vector<16xf32>
      %add3A_150 = arith.constant 4.000000e-01 : f32
      %add3A_151 = vector.broadcast %add3A_150 : f32 to vector<16xf32>
      %add3A_152 = arith.addf %add3A_151, %mul3A_149 : vector<16xf32>
      %mul3A_153 = arith.mulf %mul3A_146, %add3A_152 : vector<16xf32>
      %add3A_154 = arith.constant 0.666666686 : f32
      %add3A_155 = vector.broadcast %add3A_154 : f32 to vector<16xf32>
      %add3A_156 = arith.addf %add3A_155, %mul3A_153 : vector<16xf32>
      %mul3A_157 = arith.mulf %mul3A_146, %add3A_156 : vector<16xf32>
      %add3A_158 = arith.constant 2.000000e+00 : f32
      %add3A_159 = vector.broadcast %add3A_158 : f32 to vector<16xf32>
      %add3A_160 = arith.addf %add3A_159, %mul3A_157 : vector<16xf32>
      %convert_element_type3A_161 = arith.sitofp %add3A_138 : vector<16xi32> to vector<16xf32>
      %mul3A_162 = arith.constant 0.693147182 : f32
      %mul3A_163 = vector.broadcast %mul3A_162 : f32 to vector<16xf32>
      %mul3A_164 = arith.mulf %convert_element_type3A_161, %mul3A_163 : vector<16xf32>
      %mul3A_165 = arith.mulf %div3A_145, %add3A_160 : vector<16xf32>
      %add3A_166 = arith.addf %mul3A_164, %mul3A_165 : vector<16xf32>
      %neg3A_167 = arith.constant 0.000000e+00 : f32
      %neg3A_168 = vector.broadcast %neg3A_167 : f32 to vector<16xf32>
      %neg3A_169 = arith.subf %neg3A_168, %add3A_166 : vector<16xf32>
      %add3A_170 = arith.addf %scan3A_56#0, %neg3A_169 : vector<16xf32>
      %mul3A_171 = arith.constant 2.500000e+00 : f32
      %mul3A_172 = vector.broadcast %mul3A_171 : f32 to vector<16xf32>
      %mul3A_173 = arith.mulf %add3A_170, %mul3A_172 : vector<16xf32>
      %get3A_174 = arith.constant 1 : i32
      %get3A_175 = arith.index_cast %get3A_174 : i32 to index
      %get3A_176 = arith.constant 0 : index
      %get3A_177 = tpu.vector_load %arg11[%get3A_175, %get3A_176] {strides = array<i32>} : memref<8x16xf32, #tpu.memory_space<vmem>>, vector<1x16xf32>,
      %get3A_178 = vector.shape_cast %get3A_177 : vector<1x16xf32> to vector<16xf32>
      %bitcast_convert_type3A_179 = tpu.bitcast %get3A_178 : vector<16xf32> -> vector<16xi32>
      %shift_right_logical3A_180 = arith.constant 23 : i32
      %shift_right_logical3A_181 = vector.broadcast %shift_right_logical3A_180 : i32 to vector<16xi32>
      %shift_right_logical3A_182 = arith.shrui %bitcast_convert_type3A_179, %shift_right_logical3A_181 : vector<16xi32>
      %sub3A_183 = arith.constant 127 : i32
      %sub3A_184 = vector.broadcast %sub3A_183 : i32 to vector<16xi32>
      %sub3A_185 = arith.subi %shift_right_logical3A_182, %sub3A_184 : vector<16xi32>
      %and3A_186 = arith.constant 8388607 : i32
      %and3A_187 = vector.broadcast %and3A_186 : i32 to vector<16xi32>
      %and3A_188 = arith.andi %bitcast_convert_type3A_179, %and3A_187 : vector<16xi32>
      %or3A_189 = arith.constant 1065353216 : i32
      %or3A_190 = vector.broadcast %or3A_189 : i32 to vector<16xi32>
      %or3A_191 = arith.ori %and3A_188, %or3A_190 : vector<16xi32>
      %bitcast_convert_type3A_192 = tpu.bitcast %or3A_191 : vector<16xi32> -> vector<16xf32>
      %gt3A_193 = arith.constant 1.41421354 : f32
      %gt3A_194 = vector.broadcast %gt3A_193 : f32 to vector<16xf32>
      %gt3A_195 = arith.cmpf ogt, %bitcast_convert_type3A_192, %gt3A_194 : vector<16xf32>
      %mul3A_196 = arith.constant 5.000000e-01 : f32
      %mul3A_197 = vector.broadcast %mul3A_196 : f32 to vector<16xf32>
      %mul3A_198 = arith.mulf %bitcast_convert_type3A_192, %mul3A_197 : vector<16xf32>
      %select_n3A_199 = arith.select %gt3A_195, %mul3A_198, %bitcast_convert_type3A_192 : vector<16xi1>, vector<16xf32>
      %jit3A_200 = arith.constant 1 : i32
      %jit3A_201 = arith.constant 0 : i32
      %broadcast_in_dim3A_202 = vector.broadcast %jit3A_200 : i32 to vector<16xi32>
      %broadcast_in_dim3A_203 = vector.broadcast %jit3A_201 : i32 to vector<16xi32>
      %select_n3A_204 = arith.select %gt3A_195, %broadcast_in_dim3A_202, %broadcast_in_dim3A_203 : vector<16xi1>, vector<16xi32>
      %add3A_205 = arith.addi %sub3A_185, %select_n3A_204 : vector<16xi32>
      %sub3A_206 = arith.constant 1.000000e+00 : f32
      %sub3A_207 = vector.broadcast %sub3A_206 : f32 to vector<16xf32>
      %sub3A_208 = arith.subf %select_n3A_199, %sub3A_207 : vector<16xf32>
      %add3A_209 = arith.constant 1.000000e+00 : f32
      %add3A_210 = vector.broadcast %add3A_209 : f32 to vector<16xf32>
      %add3A_211 = arith.addf %select_n3A_199, %add3A_210 : vector<16xf32>
      %div3A_212 = arith.divf %sub3A_208, %add3A_211 : vector<16xf32>
      %mul3A_213 = arith.mulf %div3A_212, %div3A_212 : vector<16xf32>
      %mul3A_214 = arith.constant 0.285714298 : f32
      %mul3A_215 = vector.broadcast %mul3A_214 : f32 to vector<16xf32>
      %mul3A_216 = arith.mulf %mul3A_213, %mul3A_215 : vector<16xf32>
      %add3A_217 = arith.constant 4.000000e-01 : f32
      %add3A_218 = vector.broadcast %add3A_217 : f32 to vector<16xf32>
      %add3A_219 = arith.addf %add3A_218, %mul3A_216 : vector<16xf32>
      %mul3A_220 = arith.mulf %mul3A_213, %add3A_219 : vector<16xf32>
      %add3A_221 = arith.constant 0.666666686 : f32
      %add3A_222 = vector.broadcast %add3A_221 : f32 to vector<16xf32>
      %add3A_223 = arith.addf %add3A_222, %mul3A_220 : vector<16xf32>
      %mul3A_224 = arith.mulf %mul3A_213, %add3A_223 : vector<16xf32>
      %add3A_225 = arith.constant 2.000000e+00 : f32
      %add3A_226 = vector.broadcast %add3A_225 : f32 to vector<16xf32>
      %add3A_227 = arith.addf %add3A_226, %mul3A_224 : vector<16xf32>
      %convert_element_type3A_228 = arith.sitofp %add3A_205 : vector<16xi32> to vector<16xf32>
      %mul3A_229 = arith.constant 0.693147182 : f32
      %mul3A_230 = vector.broadcast %mul3A_229 : f32 to vector<16xf32>
      %mul3A_231 = arith.mulf %convert_element_type3A_228, %mul3A_230 : vector<16xf32>
      %mul3A_232 = arith.mulf %div3A_212, %add3A_227 : vector<16xf32>
      %add3A_233 = arith.addf %mul3A_231, %mul3A_232 : vector<16xf32>
      %neg3A_234 = arith.constant 0.000000e+00 : f32
      %neg3A_235 = vector.broadcast %neg3A_234 : f32 to vector<16xf32>
      %neg3A_236 = arith.subf %neg3A_235, %add3A_233 : vector<16xf32>
      %bitcast_convert_type3A_237 = tpu.bitcast %neg3A_236 : vector<16xf32> -> vector<16xi32>
      %shift_right_logical3A_238 = arith.constant 23 : i32
      %shift_right_logical3A_239 = vector.broadcast %shift_right_logical3A_238 : i32 to vector<16xi32>
      %shift_right_logical3A_240 = arith.shrui %bitcast_convert_type3A_237, %shift_right_logical3A_239 : vector<16xi32>
      %sub3A_241 = arith.constant 127 : i32
      %sub3A_242 = vector.broadcast %sub3A_241 : i32 to vector<16xi32>
      %sub3A_243 = arith.subi %shift_right_logical3A_240, %sub3A_242 : vector<16xi32>
      %and3A_244 = arith.constant 8388607 : i32
      %and3A_245 = vector.broadcast %and3A_244 : i32 to vector<16xi32>
      %and3A_246 = arith.andi %bitcast_convert_type3A_237, %and3A_245 : vector<16xi32>
      %or3A_247 = arith.constant 1065353216 : i32
      %or3A_248 = vector.broadcast %or3A_247 : i32 to vector<16xi32>
      %or3A_249 = arith.ori %and3A_246, %or3A_248 : vector<16xi32>
      %bitcast_convert_type3A_250 = tpu.bitcast %or3A_249 : vector<16xi32> -> vector<16xf32>
      %gt3A_251 = arith.constant 1.41421354 : f32
      %gt3A_252 = vector.broadcast %gt3A_251 : f32 to vector<16xf32>
      %gt3A_253 = arith.cmpf ogt, %bitcast_convert_type3A_250, %gt3A_252 : vector<16xf32>
      %mul3A_254 = arith.constant 5.000000e-01 : f32
      %mul3A_255 = vector.broadcast %mul3A_254 : f32 to vector<16xf32>
      %mul3A_256 = arith.mulf %bitcast_convert_type3A_250, %mul3A_255 : vector<16xf32>
      %select_n3A_257 = arith.select %gt3A_253, %mul3A_256, %bitcast_convert_type3A_250 : vector<16xi1>, vector<16xf32>
      %jit3A_258 = arith.constant 1 : i32
      %jit3A_259 = arith.constant 0 : i32
      %broadcast_in_dim3A_260 = vector.broadcast %jit3A_258 : i32 to vector<16xi32>
      %broadcast_in_dim3A_261 = vector.broadcast %jit3A_259 : i32 to vector<16xi32>
      %select_n3A_262 = arith.select %gt3A_253, %broadcast_in_dim3A_260, %broadcast_in_dim3A_261 : vector<16xi1>, vector<16xi32>
      %add3A_263 = arith.addi %sub3A_243, %select_n3A_262 : vector<16xi32>
      %sub3A_264 = arith.constant 1.000000e+00 : f32
      %sub3A_265 = vector.broadcast %sub3A_264 : f32 to vector<16xf32>
      %sub3A_266 = arith.subf %select_n3A_257, %sub3A_265 : vector<16xf32>
      %add3A_267 = arith.constant 1.000000e+00 : f32
      %add3A_268 = vector.broadcast %add3A_267 : f32 to vector<16xf32>
      %add3A_269 = arith.addf %select_n3A_257, %add3A_268 : vector<16xf32>
      %div3A_270 = arith.divf %sub3A_266, %add3A_269 : vector<16xf32>
      %mul3A_271 = arith.mulf %div3A_270, %div3A_270 : vector<16xf32>
      %mul3A_272 = arith.constant 0.285714298 : f32
      %mul3A_273 = vector.broadcast %mul3A_272 : f32 to vector<16xf32>
      %mul3A_274 = arith.mulf %mul3A_271, %mul3A_273 : vector<16xf32>
      %add3A_275 = arith.constant 4.000000e-01 : f32
      %add3A_276 = vector.broadcast %add3A_275 : f32 to vector<16xf32>
      %add3A_277 = arith.addf %add3A_276, %mul3A_274 : vector<16xf32>
      %mul3A_278 = arith.mulf %mul3A_271, %add3A_277 : vector<16xf32>
      %add3A_279 = arith.constant 0.666666686 : f32
      %add3A_280 = vector.broadcast %add3A_279 : f32 to vector<16xf32>
      %add3A_281 = arith.addf %add3A_280, %mul3A_278 : vector<16xf32>
      %mul3A_282 = arith.mulf %mul3A_271, %add3A_281 : vector<16xf32>
      %add3A_283 = arith.constant 2.000000e+00 : f32
      %add3A_284 = vector.broadcast %add3A_283 : f32 to vector<16xf32>
      %add3A_285 = arith.addf %add3A_284, %mul3A_282 : vector<16xf32>
      %convert_element_type3A_286 = arith.sitofp %add3A_263 : vector<16xi32> to vector<16xf32>
      %mul3A_287 = arith.constant 0.693147182 : f32
      %mul3A_288 = vector.broadcast %mul3A_287 : f32 to vector<16xf32>
      %mul3A_289 = arith.mulf %convert_element_type3A_286, %mul3A_288 : vector<16xf32>
      %mul3A_290 = arith.mulf %div3A_270, %add3A_285 : vector<16xf32>
      %add3A_291 = arith.addf %mul3A_289, %mul3A_290 : vector<16xf32>
      %neg3A_292 = arith.constant 0.000000e+00 : f32
      %neg3A_293 = vector.broadcast %neg3A_292 : f32 to vector<16xf32>
      %neg3A_294 = arith.subf %neg3A_293, %add3A_291 : vector<16xf32>
      %add3A_295 = arith.addf %scan3A_56#1, %neg3A_294 : vector<16xf32>
      %mul3A_296 = arith.constant 2.500000e+00 : f32
      %mul3A_297 = vector.broadcast %mul3A_296 : f32 to vector<16xf32>
      %mul3A_298 = arith.mulf %add3A_295, %mul3A_297 : vector<16xf32>
      %get3A_299 = arith.constant 2 : i32
      %get3A_300 = arith.index_cast %get3A_299 : i32 to index
      %get3A_301 = arith.constant 0 : index
      %get3A_302 = tpu.vector_load %arg11[%get3A_300, %get3A_301] {strides = array<i32>} : memref<8x16xf32, #tpu.memory_space<vmem>>, vector<1x16xf32>,
      %get3A_303 = vector.shape_cast %get3A_302 : vector<1x16xf32> to vector<16xf32>
      %bitcast_convert_type3A_304 = tpu.bitcast %get3A_303 : vector<16xf32> -> vector<16xi32>
      %shift_right_logical3A_305 = arith.constant 23 : i32
      %shift_right_logical3A_306 = vector.broadcast %shift_right_logical3A_305 : i32 to vector<16xi32>
      %shift_right_logical3A_307 = arith.shrui %bitcast_convert_type3A_304, %shift_right_logical3A_306 : vector<16xi32>
      %sub3A_308 = arith.constant 127 : i32
      %sub3A_309 = vector.broadcast %sub3A_308 : i32 to vector<16xi32>
      %sub3A_310 = arith.subi %shift_right_logical3A_307, %sub3A_309 : vector<16xi32>
      %and3A_311 = arith.constant 8388607 : i32
      %and3A_312 = vector.broadcast %and3A_311 : i32 to vector<16xi32>
      %and3A_313 = arith.andi %bitcast_convert_type3A_304, %and3A_312 : vector<16xi32>
      %or3A_314 = arith.constant 1065353216 : i32
      %or3A_315 = vector.broadcast %or3A_314 : i32 to vector<16xi32>
      %or3A_316 = arith.ori %and3A_313, %or3A_315 : vector<16xi32>
      %bitcast_convert_type3A_317 = tpu.bitcast %or3A_316 : vector<16xi32> -> vector<16xf32>
      %gt3A_318 = arith.constant 1.41421354 : f32
      %gt3A_319 = vector.broadcast %gt3A_318 : f32 to vector<16xf32>
      %gt3A_320 = arith.cmpf ogt, %bitcast_convert_type3A_317, %gt3A_319 : vector<16xf32>
      %mul3A_321 = arith.constant 5.000000e-01 : f32
      %mul3A_322 = vector.broadcast %mul3A_321 : f32 to vector<16xf32>
      %mul3A_323 = arith.mulf %bitcast_convert_type3A_317, %mul3A_322 : vector<16xf32>
      %select_n3A_324 = arith.select %gt3A_320, %mul3A_323, %bitcast_convert_type3A_317 : vector<16xi1>, vector<16xf32>
      %jit3A_325 = arith.constant 1 : i32
      %jit3A_326 = arith.constant 0 : i32
      %broadcast_in_dim3A_327 = vector.broadcast %jit3A_325 : i32 to vector<16xi32>
      %broadcast_in_dim3A_328 = vector.broadcast %jit3A_326 : i32 to vector<16xi32>
      %select_n3A_329 = arith.select %gt3A_320, %broadcast_in_dim3A_327, %broadcast_in_dim3A_328 : vector<16xi1>, vector<16xi32>
      %add3A_330 = arith.addi %sub3A_310, %select_n3A_329 : vector<16xi32>
      %sub3A_331 = arith.constant 1.000000e+00 : f32
      %sub3A_332 = vector.broadcast %sub3A_331 : f32 to vector<16xf32>
      %sub3A_333 = arith.subf %select_n3A_324, %sub3A_332 : vector<16xf32>
      %add3A_334 = arith.constant 1.000000e+00 : f32
      %add3A_335 = vector.broadcast %add3A_334 : f32 to vector<16xf32>
      %add3A_336 = arith.addf %select_n3A_324, %add3A_335 : vector<16xf32>
      %div3A_337 = arith.divf %sub3A_333, %add3A_336 : vector<16xf32>
      %mul3A_338 = arith.mulf %div3A_337, %div3A_337 : vector<16xf32>
      %mul3A_339 = arith.constant 0.285714298 : f32
      %mul3A_340 = vector.broadcast %mul3A_339 : f32 to vector<16xf32>
      %mul3A_341 = arith.mulf %mul3A_338, %mul3A_340 : vector<16xf32>
      %add3A_342 = arith.constant 4.000000e-01 : f32
      %add3A_343 = vector.broadcast %add3A_342 : f32 to vector<16xf32>
      %add3A_344 = arith.addf %add3A_343, %mul3A_341 : vector<16xf32>
      %mul3A_345 = arith.mulf %mul3A_338, %add3A_344 : vector<16xf32>
      %add3A_346 = arith.constant 0.666666686 : f32
      %add3A_347 = vector.broadcast %add3A_346 : f32 to vector<16xf32>
      %add3A_348 = arith.addf %add3A_347, %mul3A_345 : vector<16xf32>
      %mul3A_349 = arith.mulf %mul3A_338, %add3A_348 : vector<16xf32>
      %add3A_350 = arith.constant 2.000000e+00 : f32
      %add3A_351 = vector.broadcast %add3A_350 : f32 to vector<16xf32>
      %add3A_352 = arith.addf %add3A_351, %mul3A_349 : vector<16xf32>
      %convert_element_type3A_353 = arith.sitofp %add3A_330 : vector<16xi32> to vector<16xf32>
      %mul3A_354 = arith.constant 0.693147182 : f32
      %mul3A_355 = vector.broadcast %mul3A_354 : f32 to vector<16xf32>
      %mul3A_356 = arith.mulf %convert_element_type3A_353, %mul3A_355 : vector<16xf32>
      %mul3A_357 = arith.mulf %div3A_337, %add3A_352 : vector<16xf32>
      %add3A_358 = arith.addf %mul3A_356, %mul3A_357 : vector<16xf32>
      %neg3A_359 = arith.constant 0.000000e+00 : f32
      %neg3A_360 = vector.broadcast %neg3A_359 : f32 to vector<16xf32>
      %neg3A_361 = arith.subf %neg3A_360, %add3A_358 : vector<16xf32>
      %bitcast_convert_type3A_362 = tpu.bitcast %neg3A_361 : vector<16xf32> -> vector<16xi32>
      %shift_right_logical3A_363 = arith.constant 23 : i32
      %shift_right_logical3A_364 = vector.broadcast %shift_right_logical3A_363 : i32 to vector<16xi32>
      %shift_right_logical3A_365 = arith.shrui %bitcast_convert_type3A_362, %shift_right_logical3A_364 : vector<16xi32>
      %sub3A_366 = arith.constant 127 : i32
      %sub3A_367 = vector.broadcast %sub3A_366 : i32 to vector<16xi32>
      %sub3A_368 = arith.subi %shift_right_logical3A_365, %sub3A_367 : vector<16xi32>
      %and3A_369 = arith.constant 8388607 : i32
      %and3A_370 = vector.broadcast %and3A_369 : i32 to vector<16xi32>
      %and3A_371 = arith.andi %bitcast_convert_type3A_362, %and3A_370 : vector<16xi32>
      %or3A_372 = arith.constant 1065353216 : i32
      %or3A_373 = vector.broadcast %or3A_372 : i32 to vector<16xi32>
      %or3A_374 = arith.ori %and3A_371, %or3A_373 : vector<16xi32>
      %bitcast_convert_type3A_375 = tpu.bitcast %or3A_374 : vector<16xi32> -> vector<16xf32>
      %gt3A_376 = arith.constant 1.41421354 : f32
      %gt3A_377 = vector.broadcast %gt3A_376 : f32 to vector<16xf32>
      %gt3A_378 = arith.cmpf ogt, %bitcast_convert_type3A_375, %gt3A_377 : vector<16xf32>
      %mul3A_379 = arith.constant 5.000000e-01 : f32
      %mul3A_380 = vector.broadcast %mul3A_379 : f32 to vector<16xf32>
      %mul3A_381 = arith.mulf %bitcast_convert_type3A_375, %mul3A_380 : vector<16xf32>
      %select_n3A_382 = arith.select %gt3A_378, %mul3A_381, %bitcast_convert_type3A_375 : vector<16xi1>, vector<16xf32>
      %jit3A_383 = arith.constant 1 : i32
      %jit3A_384 = arith.constant 0 : i32
      %broadcast_in_dim3A_385 = vector.broadcast %jit3A_383 : i32 to vector<16xi32>
      %broadcast_in_dim3A_386 = vector.broadcast %jit3A_384 : i32 to vector<16xi32>
      %select_n3A_387 = arith.select %gt3A_378, %broadcast_in_dim3A_385, %broadcast_in_dim3A_386 : vector<16xi1>, vector<16xi32>
      %add3A_388 = arith.addi %sub3A_368, %select_n3A_387 : vector<16xi32>
      %sub3A_389 = arith.constant 1.000000e+00 : f32
      %sub3A_390 = vector.broadcast %sub3A_389 : f32 to vector<16xf32>
      %sub3A_391 = arith.subf %select_n3A_382, %sub3A_390 : vector<16xf32>
      %add3A_392 = arith.constant 1.000000e+00 : f32
      %add3A_393 = vector.broadcast %add3A_392 : f32 to vector<16xf32>
      %add3A_394 = arith.addf %select_n3A_382, %add3A_393 : vector<16xf32>
      %div3A_395 = arith.divf %sub3A_391, %add3A_394 : vector<16xf32>
      %mul3A_396 = arith.mulf %div3A_395, %div3A_395 : vector<16xf32>
      %mul3A_397 = arith.constant 0.285714298 : f32
      %mul3A_398 = vector.broadcast %mul3A_397 : f32 to vector<16xf32>
      %mul3A_399 = arith.mulf %mul3A_396, %mul3A_398 : vector<16xf32>
      %add3A_400 = arith.constant 4.000000e-01 : f32
      %add3A_401 = vector.broadcast %add3A_400 : f32 to vector<16xf32>
      %add3A_402 = arith.addf %add3A_401, %mul3A_399 : vector<16xf32>
      %mul3A_403 = arith.mulf %mul3A_396, %add3A_402 : vector<16xf32>
      %add3A_404 = arith.constant 0.666666686 : f32
      %add3A_405 = vector.broadcast %add3A_404 : f32 to vector<16xf32>
      %add3A_406 = arith.addf %add3A_405, %mul3A_403 : vector<16xf32>
      %mul3A_407 = arith.mulf %mul3A_396, %add3A_406 : vector<16xf32>
      %add3A_408 = arith.constant 2.000000e+00 : f32
      %add3A_409 = vector.broadcast %add3A_408 : f32 to vector<16xf32>
      %add3A_410 = arith.addf %add3A_409, %mul3A_407 : vector<16xf32>
      %convert_element_type3A_411 = arith.sitofp %add3A_388 : vector<16xi32> to vector<16xf32>
      %mul3A_412 = arith.constant 0.693147182 : f32
      %mul3A_413 = vector.broadcast %mul3A_412 : f32 to vector<16xf32>
      %mul3A_414 = arith.mulf %convert_element_type3A_411, %mul3A_413 : vector<16xf32>
      %mul3A_415 = arith.mulf %div3A_395, %add3A_410 : vector<16xf32>
      %add3A_416 = arith.addf %mul3A_414, %mul3A_415 : vector<16xf32>
      %neg3A_417 = arith.constant 0.000000e+00 : f32
      %neg3A_418 = vector.broadcast %neg3A_417 : f32 to vector<16xf32>
      %neg3A_419 = arith.subf %neg3A_418, %add3A_416 : vector<16xf32>
      %add3A_420 = arith.addf %scan3A_56#2, %neg3A_419 : vector<16xf32>
      %mul3A_421 = arith.constant 2.500000e+00 : f32
      %mul3A_422 = vector.broadcast %mul3A_421 : f32 to vector<16xf32>
      %mul3A_423 = arith.mulf %add3A_420, %mul3A_422 : vector<16xf32>
      %get3A_424 = arith.constant 3 : i32
      %get3A_425 = arith.index_cast %get3A_424 : i32 to index
      %get3A_426 = arith.constant 0 : index
      %get3A_427 = tpu.vector_load %arg11[%get3A_425, %get3A_426] {strides = array<i32>} : memref<8x16xf32, #tpu.memory_space<vmem>>, vector<1x16xf32>,
      %get3A_428 = vector.shape_cast %get3A_427 : vector<1x16xf32> to vector<16xf32>
      %bitcast_convert_type3A_429 = tpu.bitcast %get3A_428 : vector<16xf32> -> vector<16xi32>
      %shift_right_logical3A_430 = arith.constant 23 : i32
      %shift_right_logical3A_431 = vector.broadcast %shift_right_logical3A_430 : i32 to vector<16xi32>
      %shift_right_logical3A_432 = arith.shrui %bitcast_convert_type3A_429, %shift_right_logical3A_431 : vector<16xi32>
      %sub3A_433 = arith.constant 127 : i32
      %sub3A_434 = vector.broadcast %sub3A_433 : i32 to vector<16xi32>
      %sub3A_435 = arith.subi %shift_right_logical3A_432, %sub3A_434 : vector<16xi32>
      %and3A_436 = arith.constant 8388607 : i32
      %and3A_437 = vector.broadcast %and3A_436 : i32 to vector<16xi32>
      %and3A_438 = arith.andi %bitcast_convert_type3A_429, %and3A_437 : vector<16xi32>
      %or3A_439 = arith.constant 1065353216 : i32
      %or3A_440 = vector.broadcast %or3A_439 : i32 to vector<16xi32>
      %or3A_441 = arith.ori %and3A_438, %or3A_440 : vector<16xi32>
      %bitcast_convert_type3A_442 = tpu.bitcast %or3A_441 : vector<16xi32> -> vector<16xf32>
      %gt3A_443 = arith.constant 1.41421354 : f32
      %gt3A_444 = vector.broadcast %gt3A_443 : f32 to vector<16xf32>
      %gt3A_445 = arith.cmpf ogt, %bitcast_convert_type3A_442, %gt3A_444 : vector<16xf32>
      %mul3A_446 = arith.constant 5.000000e-01 : f32
      %mul3A_447 = vector.broadcast %mul3A_446 : f32 to vector<16xf32>
      %mul3A_448 = arith.mulf %bitcast_convert_type3A_442, %mul3A_447 : vector<16xf32>
      %select_n3A_449 = arith.select %gt3A_445, %mul3A_448, %bitcast_convert_type3A_442 : vector<16xi1>, vector<16xf32>
      %jit3A_450 = arith.constant 1 : i32
      %jit3A_451 = arith.constant 0 : i32
      %broadcast_in_dim3A_452 = vector.broadcast %jit3A_450 : i32 to vector<16xi32>
      %broadcast_in_dim3A_453 = vector.broadcast %jit3A_451 : i32 to vector<16xi32>
      %select_n3A_454 = arith.select %gt3A_445, %broadcast_in_dim3A_452, %broadcast_in_dim3A_453 : vector<16xi1>, vector<16xi32>
      %add3A_455 = arith.addi %sub3A_435, %select_n3A_454 : vector<16xi32>
      %sub3A_456 = arith.constant 1.000000e+00 : f32
      %sub3A_457 = vector.broadcast %sub3A_456 : f32 to vector<16xf32>
      %sub3A_458 = arith.subf %select_n3A_449, %sub3A_457 : vector<16xf32>
      %add3A_459 = arith.constant 1.000000e+00 : f32
      %add3A_460 = vector.broadcast %add3A_459 : f32 to vector<16xf32>
      %add3A_461 = arith.addf %select_n3A_449, %add3A_460 : vector<16xf32>
      %div3A_462 = arith.divf %sub3A_458, %add3A_461 : vector<16xf32>
      %mul3A_463 = arith.mulf %div3A_462, %div3A_462 : vector<16xf32>
      %mul3A_464 = arith.constant 0.285714298 : f32
      %mul3A_465 = vector.broadcast %mul3A_464 : f32 to vector<16xf32>
      %mul3A_466 = arith.mulf %mul3A_463, %mul3A_465 : vector<16xf32>
      %add3A_467 = arith.constant 4.000000e-01 : f32
      %add3A_468 = vector.broadcast %add3A_467 : f32 to vector<16xf32>
      %add3A_469 = arith.addf %add3A_468, %mul3A_466 : vector<16xf32>
      %mul3A_470 = arith.mulf %mul3A_463, %add3A_469 : vector<16xf32>
      %add3A_471 = arith.constant 0.666666686 : f32
      %add3A_472 = vector.broadcast %add3A_471 : f32 to vector<16xf32>
      %add3A_473 = arith.addf %add3A_472, %mul3A_470 : vector<16xf32>
      %mul3A_474 = arith.mulf %mul3A_463, %add3A_473 : vector<16xf32>
      %add3A_475 = arith.constant 2.000000e+00 : f32
      %add3A_476 = vector.broadcast %add3A_475 : f32 to vector<16xf32>
      %add3A_477 = arith.addf %add3A_476, %mul3A_474 : vector<16xf32>
      %convert_element_type3A_478 = arith.sitofp %add3A_455 : vector<16xi32> to vector<16xf32>
      %mul3A_479 = arith.constant 0.693147182 : f32
      %mul3A_480 = vector.broadcast %mul3A_479 : f32 to vector<16xf32>
      %mul3A_481 = arith.mulf %convert_element_type3A_478, %mul3A_480 : vector<16xf32>
      %mul3A_482 = arith.mulf %div3A_462, %add3A_477 : vector<16xf32>
      %add3A_483 = arith.addf %mul3A_481, %mul3A_482 : vector<16xf32>
      %neg3A_484 = arith.constant 0.000000e+00 : f32
      %neg3A_485 = vector.broadcast %neg3A_484 : f32 to vector<16xf32>
      %neg3A_486 = arith.subf %neg3A_485, %add3A_483 : vector<16xf32>
      %bitcast_convert_type3A_487 = tpu.bitcast %neg3A_486 : vector<16xf32> -> vector<16xi32>
      %shift_right_logical3A_488 = arith.constant 23 : i32
      %shift_right_logical3A_489 = vector.broadcast %shift_right_logical3A_488 : i32 to vector<16xi32>
      %shift_right_logical3A_490 = arith.shrui %bitcast_convert_type3A_487, %shift_right_logical3A_489 : vector<16xi32>
      %sub3A_491 = arith.constant 127 : i32
      %sub3A_492 = vector.broadcast %sub3A_491 : i32 to vector<16xi32>
      %sub3A_493 = arith.subi %shift_right_logical3A_490, %sub3A_492 : vector<16xi32>
      %and3A_494 = arith.constant 8388607 : i32
      %and3A_495 = vector.broadcast %and3A_494 : i32 to vector<16xi32>
      %and3A_496 = arith.andi %bitcast_convert_type3A_487, %and3A_495 : vector<16xi32>
      %or3A_497 = arith.constant 1065353216 : i32
      %or3A_498 = vector.broadcast %or3A_497 : i32 to vector<16xi32>
      %or3A_499 = arith.ori %and3A_496, %or3A_498 : vector<16xi32>
      %bitcast_convert_type3A_500 = tpu.bitcast %or3A_499 : vector<16xi32> -> vector<16xf32>
      %gt3A_501 = arith.constant 1.41421354 : f32
      %gt3A_502 = vector.broadcast %gt3A_501 : f32 to vector<16xf32>
      %gt3A_503 = arith.cmpf ogt, %bitcast_convert_type3A_500, %gt3A_502 : vector<16xf32>
      %mul3A_504 = arith.constant 5.000000e-01 : f32
      %mul3A_505 = vector.broadcast %mul3A_504 : f32 to vector<16xf32>
      %mul3A_506 = arith.mulf %bitcast_convert_type3A_500, %mul3A_505 : vector<16xf32>
      %select_n3A_507 = arith.select %gt3A_503, %mul3A_506, %bitcast_convert_type3A_500 : vector<16xi1>, vector<16xf32>
      %jit3A_508 = arith.constant 1 : i32
      %jit3A_509 = arith.constant 0 : i32
      %broadcast_in_dim3A_510 = vector.broadcast %jit3A_508 : i32 to vector<16xi32>
      %broadcast_in_dim3A_511 = vector.broadcast %jit3A_509 : i32 to vector<16xi32>
      %select_n3A_512 = arith.select %gt3A_503, %broadcast_in_dim3A_510, %broadcast_in_dim3A_511 : vector<16xi1>, vector<16xi32>
      %add3A_513 = arith.addi %sub3A_493, %select_n3A_512 : vector<16xi32>
      %sub3A_514 = arith.constant 1.000000e+00 : f32
      %sub3A_515 = vector.broadcast %sub3A_514 : f32 to vector<16xf32>
      %sub3A_516 = arith.subf %select_n3A_507, %sub3A_515 : vector<16xf32>
      %add3A_517 = arith.constant 1.000000e+00 : f32
      %add3A_518 = vector.broadcast %add3A_517 : f32 to vector<16xf32>
      %add3A_519 = arith.addf %select_n3A_507, %add3A_518 : vector<16xf32>
      %div3A_520 = arith.divf %sub3A_516, %add3A_519 : vector<16xf32>
      %mul3A_521 = arith.mulf %div3A_520, %div3A_520 : vector<16xf32>
      %mul3A_522 = arith.constant 0.285714298 : f32
      %mul3A_523 = vector.broadcast %mul3A_522 : f32 to vector<16xf32>
      %mul3A_524 = arith.mulf %mul3A_521, %mul3A_523 : vector<16xf32>
      %add3A_525 = arith.constant 4.000000e-01 : f32
      %add3A_526 = vector.broadcast %add3A_525 : f32 to vector<16xf32>
      %add3A_527 = arith.addf %add3A_526, %mul3A_524 : vector<16xf32>
      %mul3A_528 = arith.mulf %mul3A_521, %add3A_527 : vector<16xf32>
      %add3A_529 = arith.constant 0.666666686 : f32
      %add3A_530 = vector.broadcast %add3A_529 : f32 to vector<16xf32>
      %add3A_531 = arith.addf %add3A_530, %mul3A_528 : vector<16xf32>
      %mul3A_532 = arith.mulf %mul3A_521, %add3A_531 : vector<16xf32>
      %add3A_533 = arith.constant 2.000000e+00 : f32
      %add3A_534 = vector.broadcast %add3A_533 : f32 to vector<16xf32>
      %add3A_535 = arith.addf %add3A_534, %mul3A_532 : vector<16xf32>
      %convert_element_type3A_536 = arith.sitofp %add3A_513 : vector<16xi32> to vector<16xf32>
      %mul3A_537 = arith.constant 0.693147182 : f32
      %mul3A_538 = vector.broadcast %mul3A_537 : f32 to vector<16xf32>
      %mul3A_539 = arith.mulf %convert_element_type3A_536, %mul3A_538 : vector<16xf32>
      %mul3A_540 = arith.mulf %div3A_520, %add3A_535 : vector<16xf32>
      %add3A_541 = arith.addf %mul3A_539, %mul3A_540 : vector<16xf32>
      %neg3A_542 = arith.constant 0.000000e+00 : f32
      %neg3A_543 = vector.broadcast %neg3A_542 : f32 to vector<16xf32>
      %neg3A_544 = arith.subf %neg3A_543, %add3A_541 : vector<16xf32>
      %add3A_545 = arith.addf %scan3A_56#3, %neg3A_544 : vector<16xf32>
      %mul3A_546 = arith.constant 2.500000e+00 : f32
      %mul3A_547 = vector.broadcast %mul3A_546 : f32 to vector<16xf32>
      %mul3A_548 = arith.mulf %add3A_545, %mul3A_547 : vector<16xf32>
      %get3A_549 = arith.constant 4 : i32
      %get3A_550 = arith.index_cast %get3A_549 : i32 to index
      %get3A_551 = arith.constant 0 : index
      %get3A_552 = tpu.vector_load %arg11[%get3A_550, %get3A_551] {strides = array<i32>} : memref<8x16xf32, #tpu.memory_space<vmem>>, vector<1x16xf32>,
      %get3A_553 = vector.shape_cast %get3A_552 : vector<1x16xf32> to vector<16xf32>
      %bitcast_convert_type3A_554 = tpu.bitcast %get3A_553 : vector<16xf32> -> vector<16xi32>
      %shift_right_logical3A_555 = arith.constant 23 : i32
      %shift_right_logical3A_556 = vector.broadcast %shift_right_logical3A_555 : i32 to vector<16xi32>
      %shift_right_logical3A_557 = arith.shrui %bitcast_convert_type3A_554, %shift_right_logical3A_556 : vector<16xi32>
      %sub3A_558 = arith.constant 127 : i32
      %sub3A_559 = vector.broadcast %sub3A_558 : i32 to vector<16xi32>
      %sub3A_560 = arith.subi %shift_right_logical3A_557, %sub3A_559 : vector<16xi32>
      %and3A_561 = arith.constant 8388607 : i32
      %and3A_562 = vector.broadcast %and3A_561 : i32 to vector<16xi32>
      %and3A_563 = arith.andi %bitcast_convert_type3A_554, %and3A_562 : vector<16xi32>
      %or3A_564 = arith.constant 1065353216 : i32
      %or3A_565 = vector.broadcast %or3A_564 : i32 to vector<16xi32>
      %or3A_566 = arith.ori %and3A_563, %or3A_565 : vector<16xi32>
      %bitcast_convert_type3A_567 = tpu.bitcast %or3A_566 : vector<16xi32> -> vector<16xf32>
      %gt3A_568 = arith.constant 1.41421354 : f32
      %gt3A_569 = vector.broadcast %gt3A_568 : f32 to vector<16xf32>
      %gt3A_570 = arith.cmpf ogt, %bitcast_convert_type3A_567, %gt3A_569 : vector<16xf32>
      %mul3A_571 = arith.constant 5.000000e-01 : f32
      %mul3A_572 = vector.broadcast %mul3A_571 : f32 to vector<16xf32>
      %mul3A_573 = arith.mulf %bitcast_convert_type3A_567, %mul3A_572 : vector<16xf32>
      %select_n3A_574 = arith.select %gt3A_570, %mul3A_573, %bitcast_convert_type3A_567 : vector<16xi1>, vector<16xf32>
      %jit3A_575 = arith.constant 1 : i32
      %jit3A_576 = arith.constant 0 : i32
      %broadcast_in_dim3A_577 = vector.broadcast %jit3A_575 : i32 to vector<16xi32>
      %broadcast_in_dim3A_578 = vector.broadcast %jit3A_576 : i32 to vector<16xi32>
      %select_n3A_579 = arith.select %gt3A_570, %broadcast_in_dim3A_577, %broadcast_in_dim3A_578 : vector<16xi1>, vector<16xi32>
      %add3A_580 = arith.addi %sub3A_560, %select_n3A_579 : vector<16xi32>
      %sub3A_581 = arith.constant 1.000000e+00 : f32
      %sub3A_582 = vector.broadcast %sub3A_581 : f32 to vector<16xf32>
      %sub3A_583 = arith.subf %select_n3A_574, %sub3A_582 : vector<16xf32>
      %add3A_584 = arith.constant 1.000000e+00 : f32
      %add3A_585 = vector.broadcast %add3A_584 : f32 to vector<16xf32>
      %add3A_586 = arith.addf %select_n3A_574, %add3A_585 : vector<16xf32>
      %div3A_587 = arith.divf %sub3A_583, %add3A_586 : vector<16xf32>
      %mul3A_588 = arith.mulf %div3A_587, %div3A_587 : vector<16xf32>
      %mul3A_589 = arith.constant 0.285714298 : f32
      %mul3A_590 = vector.broadcast %mul3A_589 : f32 to vector<16xf32>
      %mul3A_591 = arith.mulf %mul3A_588, %mul3A_590 : vector<16xf32>
      %add3A_592 = arith.constant 4.000000e-01 : f32
      %add3A_593 = vector.broadcast %add3A_592 : f32 to vector<16xf32>
      %add3A_594 = arith.addf %add3A_593, %mul3A_591 : vector<16xf32>
      %mul3A_595 = arith.mulf %mul3A_588, %add3A_594 : vector<16xf32>
      %add3A_596 = arith.constant 0.666666686 : f32
      %add3A_597 = vector.broadcast %add3A_596 : f32 to vector<16xf32>
      %add3A_598 = arith.addf %add3A_597, %mul3A_595 : vector<16xf32>
      %mul3A_599 = arith.mulf %mul3A_588, %add3A_598 : vector<16xf32>
      %add3A_600 = arith.constant 2.000000e+00 : f32
      %add3A_601 = vector.broadcast %add3A_600 : f32 to vector<16xf32>
      %add3A_602 = arith.addf %add3A_601, %mul3A_599 : vector<16xf32>
      %convert_element_type3A_603 = arith.sitofp %add3A_580 : vector<16xi32> to vector<16xf32>
      %mul3A_604 = arith.constant 0.693147182 : f32
      %mul3A_605 = vector.broadcast %mul3A_604 : f32 to vector<16xf32>
      %mul3A_606 = arith.mulf %convert_element_type3A_603, %mul3A_605 : vector<16xf32>
      %mul3A_607 = arith.mulf %div3A_587, %add3A_602 : vector<16xf32>
      %add3A_608 = arith.addf %mul3A_606, %mul3A_607 : vector<16xf32>
      %neg3A_609 = arith.constant 0.000000e+00 : f32
      %neg3A_610 = vector.broadcast %neg3A_609 : f32 to vector<16xf32>
      %neg3A_611 = arith.subf %neg3A_610, %add3A_608 : vector<16xf32>
      %bitcast_convert_type3A_612 = tpu.bitcast %neg3A_611 : vector<16xf32> -> vector<16xi32>
      %shift_right_logical3A_613 = arith.constant 23 : i32
      %shift_right_logical3A_614 = vector.broadcast %shift_right_logical3A_613 : i32 to vector<16xi32>
      %shift_right_logical3A_615 = arith.shrui %bitcast_convert_type3A_612, %shift_right_logical3A_614 : vector<16xi32>
      %sub3A_616 = arith.constant 127 : i32
      %sub3A_617 = vector.broadcast %sub3A_616 : i32 to vector<16xi32>
      %sub3A_618 = arith.subi %shift_right_logical3A_615, %sub3A_617 : vector<16xi32>
      %and3A_619 = arith.constant 8388607 : i32
      %and3A_620 = vector.broadcast %and3A_619 : i32 to vector<16xi32>
      %and3A_621 = arith.andi %bitcast_convert_type3A_612, %and3A_620 : vector<16xi32>
      %or3A_622 = arith.constant 1065353216 : i32
      %or3A_623 = vector.broadcast %or3A_622 : i32 to vector<16xi32>
      %or3A_624 = arith.ori %and3A_621, %or3A_623 : vector<16xi32>
      %bitcast_convert_type3A_625 = tpu.bitcast %or3A_624 : vector<16xi32> -> vector<16xf32>
      %gt3A_626 = arith.constant 1.41421354 : f32
      %gt3A_627 = vector.broadcast %gt3A_626 : f32 to vector<16xf32>
      %gt3A_628 = arith.cmpf ogt, %bitcast_convert_type3A_625, %gt3A_627 : vector<16xf32>
      %mul3A_629 = arith.constant 5.000000e-01 : f32
      %mul3A_630 = vector.broadcast %mul3A_629 : f32 to vector<16xf32>
      %mul3A_631 = arith.mulf %bitcast_convert_type3A_625, %mul3A_630 : vector<16xf32>
      %select_n3A_632 = arith.select %gt3A_628, %mul3A_631, %bitcast_convert_type3A_625 : vector<16xi1>, vector<16xf32>
      %jit3A_633 = arith.constant 1 : i32
      %jit3A_634 = arith.constant 0 : i32
      %broadcast_in_dim3A_635 = vector.broadcast %jit3A_633 : i32 to vector<16xi32>
      %broadcast_in_dim3A_636 = vector.broadcast %jit3A_634 : i32 to vector<16xi32>
      %select_n3A_637 = arith.select %gt3A_628, %broadcast_in_dim3A_635, %broadcast_in_dim3A_636 : vector<16xi1>, vector<16xi32>
      %add3A_638 = arith.addi %sub3A_618, %select_n3A_637 : vector<16xi32>
      %sub3A_639 = arith.constant 1.000000e+00 : f32
      %sub3A_640 = vector.broadcast %sub3A_639 : f32 to vector<16xf32>
      %sub3A_641 = arith.subf %select_n3A_632, %sub3A_640 : vector<16xf32>
      %add3A_642 = arith.constant 1.000000e+00 : f32
      %add3A_643 = vector.broadcast %add3A_642 : f32 to vector<16xf32>
      %add3A_644 = arith.addf %select_n3A_632, %add3A_643 : vector<16xf32>
      %div3A_645 = arith.divf %sub3A_641, %add3A_644 : vector<16xf32>
      %mul3A_646 = arith.mulf %div3A_645, %div3A_645 : vector<16xf32>
      %mul3A_647 = arith.constant 0.285714298 : f32
      %mul3A_648 = vector.broadcast %mul3A_647 : f32 to vector<16xf32>
      %mul3A_649 = arith.mulf %mul3A_646, %mul3A_648 : vector<16xf32>
      %add3A_650 = arith.constant 4.000000e-01 : f32
      %add3A_651 = vector.broadcast %add3A_650 : f32 to vector<16xf32>
      %add3A_652 = arith.addf %add3A_651, %mul3A_649 : vector<16xf32>
      %mul3A_653 = arith.mulf %mul3A_646, %add3A_652 : vector<16xf32>
      %add3A_654 = arith.constant 0.666666686 : f32
      %add3A_655 = vector.broadcast %add3A_654 : f32 to vector<16xf32>
      %add3A_656 = arith.addf %add3A_655, %mul3A_653 : vector<16xf32>
      %mul3A_657 = arith.mulf %mul3A_646, %add3A_656 : vector<16xf32>
      %add3A_658 = arith.constant 2.000000e+00 : f32
      %add3A_659 = vector.broadcast %add3A_658 : f32 to vector<16xf32>
      %add3A_660 = arith.addf %add3A_659, %mul3A_657 : vector<16xf32>
      %convert_element_type3A_661 = arith.sitofp %add3A_638 : vector<16xi32> to vector<16xf32>
      %mul3A_662 = arith.constant 0.693147182 : f32
      %mul3A_663 = vector.broadcast %mul3A_662 : f32 to vector<16xf32>
      %mul3A_664 = arith.mulf %convert_element_type3A_661, %mul3A_663 : vector<16xf32>
      %mul3A_665 = arith.mulf %div3A_645, %add3A_660 : vector<16xf32>
      %add3A_666 = arith.addf %mul3A_664, %mul3A_665 : vector<16xf32>
      %neg3A_667 = arith.constant 0.000000e+00 : f32
      %neg3A_668 = vector.broadcast %neg3A_667 : f32 to vector<16xf32>
      %neg3A_669 = arith.subf %neg3A_668, %add3A_666 : vector<16xf32>
      %add3A_670 = arith.addf %scan3A_56#4, %neg3A_669 : vector<16xf32>
      %mul3A_671 = arith.constant 2.500000e+00 : f32
      %mul3A_672 = vector.broadcast %mul3A_671 : f32 to vector<16xf32>
      %mul3A_673 = arith.mulf %add3A_670, %mul3A_672 : vector<16xf32>
      %get3A_674 = arith.constant 5 : i32
      %get3A_675 = arith.index_cast %get3A_674 : i32 to index
      %get3A_676 = arith.constant 0 : index
      %get3A_677 = tpu.vector_load %arg11[%get3A_675, %get3A_676] {strides = array<i32>} : memref<8x16xf32, #tpu.memory_space<vmem>>, vector<1x16xf32>,
      %get3A_678 = vector.shape_cast %get3A_677 : vector<1x16xf32> to vector<16xf32>
      %bitcast_convert_type3A_679 = tpu.bitcast %get3A_678 : vector<16xf32> -> vector<16xi32>
      %shift_right_logical3A_680 = arith.constant 23 : i32
      %shift_right_logical3A_681 = vector.broadcast %shift_right_logical3A_680 : i32 to vector<16xi32>
      %shift_right_logical3A_682 = arith.shrui %bitcast_convert_type3A_679, %shift_right_logical3A_681 : vector<16xi32>
      %sub3A_683 = arith.constant 127 : i32
      %sub3A_684 = vector.broadcast %sub3A_683 : i32 to vector<16xi32>
      %sub3A_685 = arith.subi %shift_right_logical3A_682, %sub3A_684 : vector<16xi32>
      %and3A_686 = arith.constant 8388607 : i32
      %and3A_687 = vector.broadcast %and3A_686 : i32 to vector<16xi32>
      %and3A_688 = arith.andi %bitcast_convert_type3A_679, %and3A_687 : vector<16xi32>
      %or3A_689 = arith.constant 1065353216 : i32
      %or3A_690 = vector.broadcast %or3A_689 : i32 to vector<16xi32>
      %or3A_691 = arith.ori %and3A_688, %or3A_690 : vector<16xi32>
      %bitcast_convert_type3A_692 = tpu.bitcast %or3A_691 : vector<16xi32> -> vector<16xf32>
      %gt3A_693 = arith.constant 1.41421354 : f32
      %gt3A_694 = vector.broadcast %gt3A_693 : f32 to vector<16xf32>
      %gt3A_695 = arith.cmpf ogt, %bitcast_convert_type3A_692, %gt3A_694 : vector<16xf32>
      %mul3A_696 = arith.constant 5.000000e-01 : f32
      %mul3A_697 = vector.broadcast %mul3A_696 : f32 to vector<16xf32>
      %mul3A_698 = arith.mulf %bitcast_convert_type3A_692, %mul3A_697 : vector<16xf32>
      %select_n3A_699 = arith.select %gt3A_695, %mul3A_698, %bitcast_convert_type3A_692 : vector<16xi1>, vector<16xf32>
      %jit3A_700 = arith.constant 1 : i32
      %jit3A_701 = arith.constant 0 : i32
      %broadcast_in_dim3A_702 = vector.broadcast %jit3A_700 : i32 to vector<16xi32>
      %broadcast_in_dim3A_703 = vector.broadcast %jit3A_701 : i32 to vector<16xi32>
      %select_n3A_704 = arith.select %gt3A_695, %broadcast_in_dim3A_702, %broadcast_in_dim3A_703 : vector<16xi1>, vector<16xi32>
      %add3A_705 = arith.addi %sub3A_685, %select_n3A_704 : vector<16xi32>
      %sub3A_706 = arith.constant 1.000000e+00 : f32
      %sub3A_707 = vector.broadcast %sub3A_706 : f32 to vector<16xf32>
      %sub3A_708 = arith.subf %select_n3A_699, %sub3A_707 : vector<16xf32>
      %add3A_709 = arith.constant 1.000000e+00 : f32
      %add3A_710 = vector.broadcast %add3A_709 : f32 to vector<16xf32>
      %add3A_711 = arith.addf %select_n3A_699, %add3A_710 : vector<16xf32>
      %div3A_712 = arith.divf %sub3A_708, %add3A_711 : vector<16xf32>
      %mul3A_713 = arith.mulf %div3A_712, %div3A_712 : vector<16xf32>
      %mul3A_714 = arith.constant 0.285714298 : f32
      %mul3A_715 = vector.broadcast %mul3A_714 : f32 to vector<16xf32>
      %mul3A_716 = arith.mulf %mul3A_713, %mul3A_715 : vector<16xf32>
      %add3A_717 = arith.constant 4.000000e-01 : f32
      %add3A_718 = vector.broadcast %add3A_717 : f32 to vector<16xf32>
      %add3A_719 = arith.addf %add3A_718, %mul3A_716 : vector<16xf32>
      %mul3A_720 = arith.mulf %mul3A_713, %add3A_719 : vector<16xf32>
      %add3A_721 = arith.constant 0.666666686 : f32
      %add3A_722 = vector.broadcast %add3A_721 : f32 to vector<16xf32>
      %add3A_723 = arith.addf %add3A_722, %mul3A_720 : vector<16xf32>
      %mul3A_724 = arith.mulf %mul3A_713, %add3A_723 : vector<16xf32>
      %add3A_725 = arith.constant 2.000000e+00 : f32
      %add3A_726 = vector.broadcast %add3A_725 : f32 to vector<16xf32>
      %add3A_727 = arith.addf %add3A_726, %mul3A_724 : vector<16xf32>
      %convert_element_type3A_728 = arith.sitofp %add3A_705 : vector<16xi32> to vector<16xf32>
      %mul3A_729 = arith.constant 0.693147182 : f32
      %mul3A_730 = vector.broadcast %mul3A_729 : f32 to vector<16xf32>
      %mul3A_731 = arith.mulf %convert_element_type3A_728, %mul3A_730 : vector<16xf32>
      %mul3A_732 = arith.mulf %div3A_712, %add3A_727 : vector<16xf32>
      %add3A_733 = arith.addf %mul3A_731, %mul3A_732 : vector<16xf32>
      %neg3A_734 = arith.constant 0.000000e+00 : f32
      %neg3A_735 = vector.broadcast %neg3A_734 : f32 to vector<16xf32>
      %neg3A_736 = arith.subf %neg3A_735, %add3A_733 : vector<16xf32>
      %bitcast_convert_type3A_737 = tpu.bitcast %neg3A_736 : vector<16xf32> -> vector<16xi32>
      %shift_right_logical3A_738 = arith.constant 23 : i32
      %shift_right_logical3A_739 = vector.broadcast %shift_right_logical3A_738 : i32 to vector<16xi32>
      %shift_right_logical3A_740 = arith.shrui %bitcast_convert_type3A_737, %shift_right_logical3A_739 : vector<16xi32>
      %sub3A_741 = arith.constant 127 : i32
      %sub3A_742 = vector.broadcast %sub3A_741 : i32 to vector<16xi32>
      %sub3A_743 = arith.subi %shift_right_logical3A_740, %sub3A_742 : vector<16xi32>
      %and3A_744 = arith.constant 8388607 : i32
      %and3A_745 = vector.broadcast %and3A_744 : i32 to vector<16xi32>
      %and3A_746 = arith.andi %bitcast_convert_type3A_737, %and3A_745 : vector<16xi32>
      %or3A_747 = arith.constant 1065353216 : i32
      %or3A_748 = vector.broadcast %or3A_747 : i32 to vector<16xi32>
      %or3A_749 = arith.ori %and3A_746, %or3A_748 : vector<16xi32>
      %bitcast_convert_type3A_750 = tpu.bitcast %or3A_749 : vector<16xi32> -> vector<16xf32>
      %gt3A_751 = arith.constant 1.41421354 : f32
      %gt3A_752 = vector.broadcast %gt3A_751 : f32 to vector<16xf32>
      %gt3A_753 = arith.cmpf ogt, %bitcast_convert_type3A_750, %gt3A_752 : vector<16xf32>
      %mul3A_754 = arith.constant 5.000000e-01 : f32
      %mul3A_755 = vector.broadcast %mul3A_754 : f32 to vector<16xf32>
      %mul3A_756 = arith.mulf %bitcast_convert_type3A_750, %mul3A_755 : vector<16xf32>
      %select_n3A_757 = arith.select %gt3A_753, %mul3A_756, %bitcast_convert_type3A_750 : vector<16xi1>, vector<16xf32>
      %jit3A_758 = arith.constant 1 : i32
      %jit3A_759 = arith.constant 0 : i32
      %broadcast_in_dim3A_760 = vector.broadcast %jit3A_758 : i32 to vector<16xi32>
      %broadcast_in_dim3A_761 = vector.broadcast %jit3A_759 : i32 to vector<16xi32>
      %select_n3A_762 = arith.select %gt3A_753, %broadcast_in_dim3A_760, %broadcast_in_dim3A_761 : vector<16xi1>, vector<16xi32>
      %add3A_763 = arith.addi %sub3A_743, %select_n3A_762 : vector<16xi32>
      %sub3A_764 = arith.constant 1.000000e+00 : f32
      %sub3A_765 = vector.broadcast %sub3A_764 : f32 to vector<16xf32>
      %sub3A_766 = arith.subf %select_n3A_757, %sub3A_765 : vector<16xf32>
      %add3A_767 = arith.constant 1.000000e+00 : f32
      %add3A_768 = vector.broadcast %add3A_767 : f32 to vector<16xf32>
      %add3A_769 = arith.addf %select_n3A_757, %add3A_768 : vector<16xf32>
      %div3A_770 = arith.divf %sub3A_766, %add3A_769 : vector<16xf32>
      %mul3A_771 = arith.mulf %div3A_770, %div3A_770 : vector<16xf32>
      %mul3A_772 = arith.constant 0.285714298 : f32
      %mul3A_773 = vector.broadcast %mul3A_772 : f32 to vector<16xf32>
      %mul3A_774 = arith.mulf %mul3A_771, %mul3A_773 : vector<16xf32>
      %add3A_775 = arith.constant 4.000000e-01 : f32
      %add3A_776 = vector.broadcast %add3A_775 : f32 to vector<16xf32>
      %add3A_777 = arith.addf %add3A_776, %mul3A_774 : vector<16xf32>
      %mul3A_778 = arith.mulf %mul3A_771, %add3A_777 : vector<16xf32>
      %add3A_779 = arith.constant 0.666666686 : f32
      %add3A_780 = vector.broadcast %add3A_779 : f32 to vector<16xf32>
      %add3A_781 = arith.addf %add3A_780, %mul3A_778 : vector<16xf32>
      %mul3A_782 = arith.mulf %mul3A_771, %add3A_781 : vector<16xf32>
      %add3A_783 = arith.constant 2.000000e+00 : f32
      %add3A_784 = vector.broadcast %add3A_783 : f32 to vector<16xf32>
      %add3A_785 = arith.addf %add3A_784, %mul3A_782 : vector<16xf32>
      %convert_element_type3A_786 = arith.sitofp %add3A_763 : vector<16xi32> to vector<16xf32>
      %mul3A_787 = arith.constant 0.693147182 : f32
      %mul3A_788 = vector.broadcast %mul3A_787 : f32 to vector<16xf32>
      %mul3A_789 = arith.mulf %convert_element_type3A_786, %mul3A_788 : vector<16xf32>
      %mul3A_790 = arith.mulf %div3A_770, %add3A_785 : vector<16xf32>
      %add3A_791 = arith.addf %mul3A_789, %mul3A_790 : vector<16xf32>
      %neg3A_792 = arith.constant 0.000000e+00 : f32
      %neg3A_793 = vector.broadcast %neg3A_792 : f32 to vector<16xf32>
      %neg3A_794 = arith.subf %neg3A_793, %add3A_791 : vector<16xf32>
      %add3A_795 = arith.addf %scan3A_56#5, %neg3A_794 : vector<16xf32>
      %mul3A_796 = arith.constant 2.500000e+00 : f32
      %mul3A_797 = vector.broadcast %mul3A_796 : f32 to vector<16xf32>
      %mul3A_798 = arith.mulf %add3A_795, %mul3A_797 : vector<16xf32>
      %get3A_799 = arith.constant 6 : i32
      %get3A_800 = arith.index_cast %get3A_799 : i32 to index
      %get3A_801 = arith.constant 0 : index
      %get3A_802 = tpu.vector_load %arg11[%get3A_800, %get3A_801] {strides = array<i32>} : memref<8x16xf32, #tpu.memory_space<vmem>>, vector<1x16xf32>,
      %get3A_803 = vector.shape_cast %get3A_802 : vector<1x16xf32> to vector<16xf32>
      %bitcast_convert_type3A_804 = tpu.bitcast %get3A_803 : vector<16xf32> -> vector<16xi32>
      %shift_right_logical3A_805 = arith.constant 23 : i32
      %shift_right_logical3A_806 = vector.broadcast %shift_right_logical3A_805 : i32 to vector<16xi32>
      %shift_right_logical3A_807 = arith.shrui %bitcast_convert_type3A_804, %shift_right_logical3A_806 : vector<16xi32>
      %sub3A_808 = arith.constant 127 : i32
      %sub3A_809 = vector.broadcast %sub3A_808 : i32 to vector<16xi32>
      %sub3A_810 = arith.subi %shift_right_logical3A_807, %sub3A_809 : vector<16xi32>
      %and3A_811 = arith.constant 8388607 : i32
      %and3A_812 = vector.broadcast %and3A_811 : i32 to vector<16xi32>
      %and3A_813 = arith.andi %bitcast_convert_type3A_804, %and3A_812 : vector<16xi32>
      %or3A_814 = arith.constant 1065353216 : i32
      %or3A_815 = vector.broadcast %or3A_814 : i32 to vector<16xi32>
      %or3A_816 = arith.ori %and3A_813, %or3A_815 : vector<16xi32>
      %bitcast_convert_type3A_817 = tpu.bitcast %or3A_816 : vector<16xi32> -> vector<16xf32>
      %gt3A_818 = arith.constant 1.41421354 : f32
      %gt3A_819 = vector.broadcast %gt3A_818 : f32 to vector<16xf32>
      %gt3A_820 = arith.cmpf ogt, %bitcast_convert_type3A_817, %gt3A_819 : vector<16xf32>
      %mul3A_821 = arith.constant 5.000000e-01 : f32
      %mul3A_822 = vector.broadcast %mul3A_821 : f32 to vector<16xf32>
      %mul3A_823 = arith.mulf %bitcast_convert_type3A_817, %mul3A_822 : vector<16xf32>
      %select_n3A_824 = arith.select %gt3A_820, %mul3A_823, %bitcast_convert_type3A_817 : vector<16xi1>, vector<16xf32>
      %jit3A_825 = arith.constant 1 : i32
      %jit3A_826 = arith.constant 0 : i32
      %broadcast_in_dim3A_827 = vector.broadcast %jit3A_825 : i32 to vector<16xi32>
      %broadcast_in_dim3A_828 = vector.broadcast %jit3A_826 : i32 to vector<16xi32>
      %select_n3A_829 = arith.select %gt3A_820, %broadcast_in_dim3A_827, %broadcast_in_dim3A_828 : vector<16xi1>, vector<16xi32>
      %add3A_830 = arith.addi %sub3A_810, %select_n3A_829 : vector<16xi32>
      %sub3A_831 = arith.constant 1.000000e+00 : f32
      %sub3A_832 = vector.broadcast %sub3A_831 : f32 to vector<16xf32>
      %sub3A_833 = arith.subf %select_n3A_824, %sub3A_832 : vector<16xf32>
      %add3A_834 = arith.constant 1.000000e+00 : f32
      %add3A_835 = vector.broadcast %add3A_834 : f32 to vector<16xf32>
      %add3A_836 = arith.addf %select_n3A_824, %add3A_835 : vector<16xf32>
      %div3A_837 = arith.divf %sub3A_833, %add3A_836 : vector<16xf32>
      %mul3A_838 = arith.mulf %div3A_837, %div3A_837 : vector<16xf32>
      %mul3A_839 = arith.constant 0.285714298 : f32
      %mul3A_840 = vector.broadcast %mul3A_839 : f32 to vector<16xf32>
      %mul3A_841 = arith.mulf %mul3A_838, %mul3A_840 : vector<16xf32>
      %add3A_842 = arith.constant 4.000000e-01 : f32
      %add3A_843 = vector.broadcast %add3A_842 : f32 to vector<16xf32>
      %add3A_844 = arith.addf %add3A_843, %mul3A_841 : vector<16xf32>
      %mul3A_845 = arith.mulf %mul3A_838, %add3A_844 : vector<16xf32>
      %add3A_846 = arith.constant 0.666666686 : f32
      %add3A_847 = vector.broadcast %add3A_846 : f32 to vector<16xf32>
      %add3A_848 = arith.addf %add3A_847, %mul3A_845 : vector<16xf32>
      %mul3A_849 = arith.mulf %mul3A_838, %add3A_848 : vector<16xf32>
      %add3A_850 = arith.constant 2.000000e+00 : f32
      %add3A_851 = vector.broadcast %add3A_850 : f32 to vector<16xf32>
      %add3A_852 = arith.addf %add3A_851, %mul3A_849 : vector<16xf32>
      %convert_element_type3A_853 = arith.sitofp %add3A_830 : vector<16xi32> to vector<16xf32>
      %mul3A_854 = arith.constant 0.693147182 : f32
      %mul3A_855 = vector.broadcast %mul3A_854 : f32 to vector<16xf32>
      %mul3A_856 = arith.mulf %convert_element_type3A_853, %mul3A_855 : vector<16xf32>
      %mul3A_857 = arith.mulf %div3A_837, %add3A_852 : vector<16xf32>
      %add3A_858 = arith.addf %mul3A_856, %mul3A_857 : vector<16xf32>
      %neg3A_859 = arith.constant 0.000000e+00 : f32
      %neg3A_860 = vector.broadcast %neg3A_859 : f32 to vector<16xf32>
      %neg3A_861 = arith.subf %neg3A_860, %add3A_858 : vector<16xf32>
      %bitcast_convert_type3A_862 = tpu.bitcast %neg3A_861 : vector<16xf32> -> vector<16xi32>
      %shift_right_logical3A_863 = arith.constant 23 : i32
      %shift_right_logical3A_864 = vector.broadcast %shift_right_logical3A_863 : i32 to vector<16xi32>
      %shift_right_logical3A_865 = arith.shrui %bitcast_convert_type3A_862, %shift_right_logical3A_864 : vector<16xi32>
      %sub3A_866 = arith.constant 127 : i32
      %sub3A_867 = vector.broadcast %sub3A_866 : i32 to vector<16xi32>
      %sub3A_868 = arith.subi %shift_right_logical3A_865, %sub3A_867 : vector<16xi32>
      %and3A_869 = arith.constant 8388607 : i32
      %and3A_870 = vector.broadcast %and3A_869 : i32 to vector<16xi32>
      %and3A_871 = arith.andi %bitcast_convert_type3A_862, %and3A_870 : vector<16xi32>
      %or3A_872 = arith.constant 1065353216 : i32
      %or3A_873 = vector.broadcast %or3A_872 : i32 to vector<16xi32>
      %or3A_874 = arith.ori %and3A_871, %or3A_873 : vector<16xi32>
      %bitcast_convert_type3A_875 = tpu.bitcast %or3A_874 : vector<16xi32> -> vector<16xf32>
      %gt3A_876 = arith.constant 1.41421354 : f32
      %gt3A_877 = vector.broadcast %gt3A_876 : f32 to vector<16xf32>
      %gt3A_878 = arith.cmpf ogt, %bitcast_convert_type3A_875, %gt3A_877 : vector<16xf32>
      %mul3A_879 = arith.constant 5.000000e-01 : f32
      %mul3A_880 = vector.broadcast %mul3A_879 : f32 to vector<16xf32>
      %mul3A_881 = arith.mulf %bitcast_convert_type3A_875, %mul3A_880 : vector<16xf32>
      %select_n3A_882 = arith.select %gt3A_878, %mul3A_881, %bitcast_convert_type3A_875 : vector<16xi1>, vector<16xf32>
      %jit3A_883 = arith.constant 1 : i32
      %jit3A_884 = arith.constant 0 : i32
      %broadcast_in_dim3A_885 = vector.broadcast %jit3A_883 : i32 to vector<16xi32>
      %broadcast_in_dim3A_886 = vector.broadcast %jit3A_884 : i32 to vector<16xi32>
      %select_n3A_887 = arith.select %gt3A_878, %broadcast_in_dim3A_885, %broadcast_in_dim3A_886 : vector<16xi1>, vector<16xi32>
      %add3A_888 = arith.addi %sub3A_868, %select_n3A_887 : vector<16xi32>
      %sub3A_889 = arith.constant 1.000000e+00 : f32
      %sub3A_890 = vector.broadcast %sub3A_889 : f32 to vector<16xf32>
      %sub3A_891 = arith.subf %select_n3A_882, %sub3A_890 : vector<16xf32>
      %add3A_892 = arith.constant 1.000000e+00 : f32
      %add3A_893 = vector.broadcast %add3A_892 : f32 to vector<16xf32>
      %add3A_894 = arith.addf %select_n3A_882, %add3A_893 : vector<16xf32>
      %div3A_895 = arith.divf %sub3A_891, %add3A_894 : vector<16xf32>
      %mul3A_896 = arith.mulf %div3A_895, %div3A_895 : vector<16xf32>
      %mul3A_897 = arith.constant 0.285714298 : f32
      %mul3A_898 = vector.broadcast %mul3A_897 : f32 to vector<16xf32>
      %mul3A_899 = arith.mulf %mul3A_896, %mul3A_898 : vector<16xf32>
      %add3A_900 = arith.constant 4.000000e-01 : f32
      %add3A_901 = vector.broadcast %add3A_900 : f32 to vector<16xf32>
      %add3A_902 = arith.addf %add3A_901, %mul3A_899 : vector<16xf32>
      %mul3A_903 = arith.mulf %mul3A_896, %add3A_902 : vector<16xf32>
      %add3A_904 = arith.constant 0.666666686 : f32
      %add3A_905 = vector.broadcast %add3A_904 : f32 to vector<16xf32>
      %add3A_906 = arith.addf %add3A_905, %mul3A_903 : vector<16xf32>
      %mul3A_907 = arith.mulf %mul3A_896, %add3A_906 : vector<16xf32>
      %add3A_908 = arith.constant 2.000000e+00 : f32
      %add3A_909 = vector.broadcast %add3A_908 : f32 to vector<16xf32>
      %add3A_910 = arith.addf %add3A_909, %mul3A_907 : vector<16xf32>
      %convert_element_type3A_911 = arith.sitofp %add3A_888 : vector<16xi32> to vector<16xf32>
      %mul3A_912 = arith.constant 0.693147182 : f32
      %mul3A_913 = vector.broadcast %mul3A_912 : f32 to vector<16xf32>
      %mul3A_914 = arith.mulf %convert_element_type3A_911, %mul3A_913 : vector<16xf32>
      %mul3A_915 = arith.mulf %div3A_895, %add3A_910 : vector<16xf32>
      %add3A_916 = arith.addf %mul3A_914, %mul3A_915 : vector<16xf32>
      %neg3A_917 = arith.constant 0.000000e+00 : f32
      %neg3A_918 = vector.broadcast %neg3A_917 : f32 to vector<16xf32>
      %neg3A_919 = arith.subf %neg3A_918, %add3A_916 : vector<16xf32>
      %add3A_920 = arith.addf %scan3A_56#6, %neg3A_919 : vector<16xf32>
      %mul3A_921 = arith.constant 2.500000e+00 : f32
      %mul3A_922 = vector.broadcast %mul3A_921 : f32 to vector<16xf32>
      %mul3A_923 = arith.mulf %add3A_920, %mul3A_922 : vector<16xf32>
      %get3A_924 = arith.constant 7 : i32
      %get3A_925 = arith.index_cast %get3A_924 : i32 to index
      %get3A_926 = arith.constant 0 : index
      %get3A_927 = tpu.vector_load %arg11[%get3A_925, %get3A_926] {strides = array<i32>} : memref<8x16xf32, #tpu.memory_space<vmem>>, vector<1x16xf32>,
      %get3A_928 = vector.shape_cast %get3A_927 : vector<1x16xf32> to vector<16xf32>
      %bitcast_convert_type3A_929 = tpu.bitcast %get3A_928 : vector<16xf32> -> vector<16xi32>
      %shift_right_logical3A_930 = arith.constant 23 : i32
      %shift_right_logical3A_931 = vector.broadcast %shift_right_logical3A_930 : i32 to vector<16xi32>
      %shift_right_logical3A_932 = arith.shrui %bitcast_convert_type3A_929, %shift_right_logical3A_931 : vector<16xi32>
      %sub3A_933 = arith.constant 127 : i32
      %sub3A_934 = vector.broadcast %sub3A_933 : i32 to vector<16xi32>
      %sub3A_935 = arith.subi %shift_right_logical3A_932, %sub3A_934 : vector<16xi32>
      %and3A_936 = arith.constant 8388607 : i32
      %and3A_937 = vector.broadcast %and3A_936 : i32 to vector<16xi32>
      %and3A_938 = arith.andi %bitcast_convert_type3A_929, %and3A_937 : vector<16xi32>
      %or3A_939 = arith.constant 1065353216 : i32
      %or3A_940 = vector.broadcast %or3A_939 : i32 to vector<16xi32>
      %or3A_941 = arith.ori %and3A_938, %or3A_940 : vector<16xi32>
      %bitcast_convert_type3A_942 = tpu.bitcast %or3A_941 : vector<16xi32> -> vector<16xf32>
      %gt3A_943 = arith.constant 1.41421354 : f32
      %gt3A_944 = vector.broadcast %gt3A_943 : f32 to vector<16xf32>
      %gt3A_945 = arith.cmpf ogt, %bitcast_convert_type3A_942, %gt3A_944 : vector<16xf32>
      %mul3A_946 = arith.constant 5.000000e-01 : f32
      %mul3A_947 = vector.broadcast %mul3A_946 : f32 to vector<16xf32>
      %mul3A_948 = arith.mulf %bitcast_convert_type3A_942, %mul3A_947 : vector<16xf32>
      %select_n3A_949 = arith.select %gt3A_945, %mul3A_948, %bitcast_convert_type3A_942 : vector<16xi1>, vector<16xf32>
      %jit3A_950 = arith.constant 1 : i32
      %jit3A_951 = arith.constant 0 : i32
      %broadcast_in_dim3A_952 = vector.broadcast %jit3A_950 : i32 to vector<16xi32>
      %broadcast_in_dim3A_953 = vector.broadcast %jit3A_951 : i32 to vector<16xi32>
      %select_n3A_954 = arith.select %gt3A_945, %broadcast_in_dim3A_952, %broadcast_in_dim3A_953 : vector<16xi1>, vector<16xi32>
      %add3A_955 = arith.addi %sub3A_935, %select_n3A_954 : vector<16xi32>
      %sub3A_956 = arith.constant 1.000000e+00 : f32
      %sub3A_957 = vector.broadcast %sub3A_956 : f32 to vector<16xf32>
      %sub3A_958 = arith.subf %select_n3A_949, %sub3A_957 : vector<16xf32>
      %add3A_959 = arith.constant 1.000000e+00 : f32
      %add3A_960 = vector.broadcast %add3A_959 : f32 to vector<16xf32>
      %add3A_961 = arith.addf %select_n3A_949, %add3A_960 : vector<16xf32>
      %div3A_962 = arith.divf %sub3A_958, %add3A_961 : vector<16xf32>
      %mul3A_963 = arith.mulf %div3A_962, %div3A_962 : vector<16xf32>
      %mul3A_964 = arith.constant 0.285714298 : f32
      %mul3A_965 = vector.broadcast %mul3A_964 : f32 to vector<16xf32>
      %mul3A_966 = arith.mulf %mul3A_963, %mul3A_965 : vector<16xf32>
      %add3A_967 = arith.constant 4.000000e-01 : f32
      %add3A_968 = vector.broadcast %add3A_967 : f32 to vector<16xf32>
      %add3A_969 = arith.addf %add3A_968, %mul3A_966 : vector<16xf32>
      %mul3A_970 = arith.mulf %mul3A_963, %add3A_969 : vector<16xf32>
      %add3A_971 = arith.constant 0.666666686 : f32
      %add3A_972 = vector.broadcast %add3A_971 : f32 to vector<16xf32>
      %add3A_973 = arith.addf %add3A_972, %mul3A_970 : vector<16xf32>
      %mul3A_974 = arith.mulf %mul3A_963, %add3A_973 : vector<16xf32>
      %add3A_975 = arith.constant 2.000000e+00 : f32
      %add3A_976 = vector.broadcast %add3A_975 : f32 to vector<16xf32>
      %add3A_977 = arith.addf %add3A_976, %mul3A_974 : vector<16xf32>
      %convert_element_type3A_978 = arith.sitofp %add3A_955 : vector<16xi32> to vector<16xf32>
      %mul3A_979 = arith.constant 0.693147182 : f32
      %mul3A_980 = vector.broadcast %mul3A_979 : f32 to vector<16xf32>
      %mul3A_981 = arith.mulf %convert_element_type3A_978, %mul3A_980 : vector<16xf32>
      %mul3A_982 = arith.mulf %div3A_962, %add3A_977 : vector<16xf32>
      %add3A_983 = arith.addf %mul3A_981, %mul3A_982 : vector<16xf32>
      %neg3A_984 = arith.constant 0.000000e+00 : f32
      %neg3A_985 = vector.broadcast %neg3A_984 : f32 to vector<16xf32>
      %neg3A_986 = arith.subf %neg3A_985, %add3A_983 : vector<16xf32>
      %bitcast_convert_type3A_987 = tpu.bitcast %neg3A_986 : vector<16xf32> -> vector<16xi32>
      %shift_right_logical3A_988 = arith.constant 23 : i32
      %shift_right_logical3A_989 = vector.broadcast %shift_right_logical3A_988 : i32 to vector<16xi32>
      %shift_right_logical3A_990 = arith.shrui %bitcast_convert_type3A_987, %shift_right_logical3A_989 : vector<16xi32>
      %sub3A_991 = arith.constant 127 : i32
      %sub3A_992 = vector.broadcast %sub3A_991 : i32 to vector<16xi32>
      %sub3A_993 = arith.subi %shift_right_logical3A_990, %sub3A_992 : vector<16xi32>
      %and3A_994 = arith.constant 8388607 : i32
      %and3A_995 = vector.broadcast %and3A_994 : i32 to vector<16xi32>
      %and3A_996 = arith.andi %bitcast_convert_type3A_987, %and3A_995 : vector<16xi32>
      %or3A_997 = arith.constant 1065353216 : i32
      %or3A_998 = vector.broadcast %or3A_997 : i32 to vector<16xi32>
      %or3A_999 = arith.ori %and3A_996, %or3A_998 : vector<16xi32>
      %bitcast_convert_type3A_1000 = tpu.bitcast %or3A_999 : vector<16xi32> -> vector<16xf32>
      %gt3A_1001 = arith.constant 1.41421354 : f32
      %gt3A_1002 = vector.broadcast %gt3A_1001 : f32 to vector<16xf32>
      %gt3A_1003 = arith.cmpf ogt, %bitcast_convert_type3A_1000, %gt3A_1002 : vector<16xf32>
      %mul3A_1004 = arith.constant 5.000000e-01 : f32
      %mul3A_1005 = vector.broadcast %mul3A_1004 : f32 to vector<16xf32>
      %mul3A_1006 = arith.mulf %bitcast_convert_type3A_1000, %mul3A_1005 : vector<16xf32>
      %select_n3A_1007 = arith.select %gt3A_1003, %mul3A_1006, %bitcast_convert_type3A_1000 : vector<16xi1>, vector<16xf32>
      %jit3A_1008 = arith.constant 1 : i32
      %jit3A_1009 = arith.constant 0 : i32
      %broadcast_in_dim3A_1010 = vector.broadcast %jit3A_1008 : i32 to vector<16xi32>
      %broadcast_in_dim3A_1011 = vector.broadcast %jit3A_1009 : i32 to vector<16xi32>
      %select_n3A_1012 = arith.select %gt3A_1003, %broadcast_in_dim3A_1010, %broadcast_in_dim3A_1011 : vector<16xi1>, vector<16xi32>
      %add3A_1013 = arith.addi %sub3A_993, %select_n3A_1012 : vector<16xi32>
      %sub3A_1014 = arith.constant 1.000000e+00 : f32
      %sub3A_1015 = vector.broadcast %sub3A_1014 : f32 to vector<16xf32>
      %sub3A_1016 = arith.subf %select_n3A_1007, %sub3A_1015 : vector<16xf32>
      %add3A_1017 = arith.constant 1.000000e+00 : f32
      %add3A_1018 = vector.broadcast %add3A_1017 : f32 to vector<16xf32>
      %add3A_1019 = arith.addf %select_n3A_1007, %add3A_1018 : vector<16xf32>
      %div3A_1020 = arith.divf %sub3A_1016, %add3A_1019 : vector<16xf32>
      %mul3A_1021 = arith.mulf %div3A_1020, %div3A_1020 : vector<16xf32>
      %mul3A_1022 = arith.constant 0.285714298 : f32
      %mul3A_1023 = vector.broadcast %mul3A_1022 : f32 to vector<16xf32>
      %mul3A_1024 = arith.mulf %mul3A_1021, %mul3A_1023 : vector<16xf32>
      %add3A_1025 = arith.constant 4.000000e-01 : f32
      %add3A_1026 = vector.broadcast %add3A_1025 : f32 to vector<16xf32>
      %add3A_1027 = arith.addf %add3A_1026, %mul3A_1024 : vector<16xf32>
      %mul3A_1028 = arith.mulf %mul3A_1021, %add3A_1027 : vector<16xf32>
      %add3A_1029 = arith.constant 0.666666686 : f32
      %add3A_1030 = vector.broadcast %add3A_1029 : f32 to vector<16xf32>
      %add3A_1031 = arith.addf %add3A_1030, %mul3A_1028 : vector<16xf32>
      %mul3A_1032 = arith.mulf %mul3A_1021, %add3A_1031 : vector<16xf32>
      %add3A_1033 = arith.constant 2.000000e+00 : f32
      %add3A_1034 = vector.broadcast %add3A_1033 : f32 to vector<16xf32>
      %add3A_1035 = arith.addf %add3A_1034, %mul3A_1032 : vector<16xf32>
      %convert_element_type3A_1036 = arith.sitofp %add3A_1013 : vector<16xi32> to vector<16xf32>
      %mul3A_1037 = arith.constant 0.693147182 : f32
      %mul3A_1038 = vector.broadcast %mul3A_1037 : f32 to vector<16xf32>
      %mul3A_1039 = arith.mulf %convert_element_type3A_1036, %mul3A_1038 : vector<16xf32>
      %mul3A_1040 = arith.mulf %div3A_1020, %add3A_1035 : vector<16xf32>
      %add3A_1041 = arith.addf %mul3A_1039, %mul3A_1040 : vector<16xf32>
      %neg3A_1042 = arith.constant 0.000000e+00 : f32
      %neg3A_1043 = vector.broadcast %neg3A_1042 : f32 to vector<16xf32>
      %neg3A_1044 = arith.subf %neg3A_1043, %add3A_1041 : vector<16xf32>
      %add3A_1045 = arith.addf %scan3A_56#7, %neg3A_1044 : vector<16xf32>
      %mul3A_1046 = arith.constant 2.500000e+00 : f32
      %mul3A_1047 = vector.broadcast %mul3A_1046 : f32 to vector<16xf32>
      %mul3A_1048 = arith.mulf %add3A_1045, %mul3A_1047 : vector<16xf32>
      %max3A = arith.maximumf %mul3A_173, %mul3A_298 : vector<16xf32>
      %max3A_1049 = arith.maximumf %max3A, %mul3A_423 : vector<16xf32>
      %max3A_1050 = arith.maximumf %max3A_1049, %mul3A_548 : vector<16xf32>
      %max3A_1051 = arith.maximumf %max3A_1050, %mul3A_673 : vector<16xf32>
      %max3A_1052 = arith.maximumf %max3A_1051, %mul3A_798 : vector<16xf32>
      %max3A_1053 = arith.maximumf %max3A_1052, %mul3A_923 : vector<16xf32>
      %max3A_1054 = arith.maximumf %max3A_1053, %mul3A_1048 : vector<16xf32>
      %sub3A_1055 = arith.subf %mul3A_173, %max3A_1054 : vector<16xf32>
      %exp3A = math.exp %sub3A_1055 : vector<16xf32>
      %sub3A_1056 = arith.subf %mul3A_298, %max3A_1054 : vector<16xf32>
      %exp3A_1057 = math.exp %sub3A_1056 : vector<16xf32>
      %sub3A_1058 = arith.subf %mul3A_423, %max3A_1054 : vector<16xf32>
      %exp3A_1059 = math.exp %sub3A_1058 : vector<16xf32>
      %sub3A_1060 = arith.subf %mul3A_548, %max3A_1054 : vector<16xf32>
      %exp3A_1061 = math.exp %sub3A_1060 : vector<16xf32>
      %sub3A_1062 = arith.subf %mul3A_673, %max3A_1054 : vector<16xf32>
      %exp3A_1063 = math.exp %sub3A_1062 : vector<16xf32>
      %sub3A_1064 = arith.subf %mul3A_798, %max3A_1054 : vector<16xf32>
      %exp3A_1065 = math.exp %sub3A_1064 : vector<16xf32>
      %sub3A_1066 = arith.subf %mul3A_923, %max3A_1054 : vector<16xf32>
      %exp3A_1067 = math.exp %sub3A_1066 : vector<16xf32>
      %sub3A_1068 = arith.subf %mul3A_1048, %max3A_1054 : vector<16xf32>
      %exp3A_1069 = math.exp %sub3A_1068 : vector<16xf32>
      %add3A_1070 = arith.addf %exp3A, %exp3A_1057 : vector<16xf32>
      %add3A_1071 = arith.addf %add3A_1070, %exp3A_1059 : vector<16xf32>
      %add3A_1072 = arith.addf %add3A_1071, %exp3A_1061 : vector<16xf32>
      %add3A_1073 = arith.addf %add3A_1072, %exp3A_1063 : vector<16xf32>
      %add3A_1074 = arith.addf %add3A_1073, %exp3A_1065 : vector<16xf32>
      %add3A_1075 = arith.addf %add3A_1074, %exp3A_1067 : vector<16xf32>
      %add3A_1076 = arith.addf %add3A_1075, %exp3A_1069 : vector<16xf32>
      %swap3A = arith.constant 0 : i32
      %swap3A_1077 = arith.index_cast %swap3A : i32 to index
      %swap3A_1078 = arith.constant 0 : index
      %swap3A_1079 = tpu.vector_load %arg13[%swap3A_1077, %swap3A_1078] {strides = array<i32>} : memref<8x16xf32, #tpu.memory_space<vmem>>, vector<1x16xf32>,
      %swap3A_1080 = vector.shape_cast %swap3A_1079 : vector<1x16xf32> to vector<16xf32>
      %swap3A_1081 = vector.shape_cast %scan3A_56#0 : vector<16xf32> to vector<1x16xf32>
      tpu.vector_store %arg13[%swap3A_1077, %swap3A_1078], %swap3A_1081 {strides = array<i32>} : memref<8x16xf32, #tpu.memory_space<vmem>>, vector<1x16xf32>,
      %div3A_1082 = arith.divf %exp3A, %add3A_1076 : vector<16xf32>
      %swap3A_1083 = arith.constant 0 : i32
      %swap3A_1084 = arith.index_cast %swap3A_1083 : i32 to index
      %swap3A_1085 = arith.constant 0 : index
      %swap3A_1086 = tpu.vector_load %arg14[%swap3A_1084, %swap3A_1085] {strides = array<i32>} : memref<8x16xf32, #tpu.memory_space<vmem>>, vector<1x16xf32>,
      %swap3A_1087 = vector.shape_cast %swap3A_1086 : vector<1x16xf32> to vector<16xf32>
      %swap3A_1088 = vector.shape_cast %div3A_1082 : vector<16xf32> to vector<1x16xf32>
      tpu.vector_store %arg14[%swap3A_1084, %swap3A_1085], %swap3A_1088 {strides = array<i32>} : memref<8x16xf32, #tpu.memory_space<vmem>>, vector<1x16xf32>,
      %swap3A_1089 = arith.constant 1 : i32
      %swap3A_1090 = arith.index_cast %swap3A_1089 : i32 to index
      %swap3A_1091 = arith.constant 0 : index
      %swap3A_1092 = tpu.vector_load %arg13[%swap3A_1090, %swap3A_1091] {strides = array<i32>} : memref<8x16xf32, #tpu.memory_space<vmem>>, vector<1x16xf32>,
      %swap3A_1093 = vector.shape_cast %swap3A_1092 : vector<1x16xf32> to vector<16xf32>
      %swap3A_1094 = vector.shape_cast %scan3A_56#1 : vector<16xf32> to vector<1x16xf32>
      tpu.vector_store %arg13[%swap3A_1090, %swap3A_1091], %swap3A_1094 {strides = array<i32>} : memref<8x16xf32, #tpu.memory_space<vmem>>, vector<1x16xf32>,
      %div3A_1095 = arith.divf %exp3A_1057, %add3A_1076 : vector<16xf32>
      %swap3A_1096 = arith.constant 1 : i32
      %swap3A_1097 = arith.index_cast %swap3A_1096 : i32 to index
      %swap3A_1098 = arith.constant 0 : index
      %swap3A_1099 = tpu.vector_load %arg14[%swap3A_1097, %swap3A_1098] {strides = array<i32>} : memref<8x16xf32, #tpu.memory_space<vmem>>, vector<1x16xf32>,
      %swap3A_1100 = vector.shape_cast %swap3A_1099 : vector<1x16xf32> to vector<16xf32>
      %swap3A_1101 = vector.shape_cast %div3A_1095 : vector<16xf32> to vector<1x16xf32>
      tpu.vector_store %arg14[%swap3A_1097, %swap3A_1098], %swap3A_1101 {strides = array<i32>} : memref<8x16xf32, #tpu.memory_space<vmem>>, vector<1x16xf32>,
      %swap3A_1102 = arith.constant 2 : i32
      %swap3A_1103 = arith.index_cast %swap3A_1102 : i32 to index
      %swap3A_1104 = arith.constant 0 : index
      %swap3A_1105 = tpu.vector_load %arg13[%swap3A_1103, %swap3A_1104] {strides = array<i32>} : memref<8x16xf32, #tpu.memory_space<vmem>>, vector<1x16xf32>,
      %swap3A_1106 = vector.shape_cast %swap3A_1105 : vector<1x16xf32> to vector<16xf32>
      %swap3A_1107 = vector.shape_cast %scan3A_56#2 : vector<16xf32> to vector<1x16xf32>
      tpu.vector_store %arg13[%swap3A_1103, %swap3A_1104], %swap3A_1107 {strides = array<i32>} : memref<8x16xf32, #tpu.memory_space<vmem>>, vector<1x16xf32>,
      %div3A_1108 = arith.divf %exp3A_1059, %add3A_1076 : vector<16xf32>
      %swap3A_1109 = arith.constant 2 : i32
      %swap3A_1110 = arith.index_cast %swap3A_1109 : i32 to index
      %swap3A_1111 = arith.constant 0 : index
      %swap3A_1112 = tpu.vector_load %arg14[%swap3A_1110, %swap3A_1111] {strides = array<i32>} : memref<8x16xf32, #tpu.memory_space<vmem>>, vector<1x16xf32>,
      %swap3A_1113 = vector.shape_cast %swap3A_1112 : vector<1x16xf32> to vector<16xf32>
      %swap3A_1114 = vector.shape_cast %div3A_1108 : vector<16xf32> to vector<1x16xf32>
      tpu.vector_store %arg14[%swap3A_1110, %swap3A_1111], %swap3A_1114 {strides = array<i32>} : memref<8x16xf32, #tpu.memory_space<vmem>>, vector<1x16xf32>,
      %swap3A_1115 = arith.constant 3 : i32
      %swap3A_1116 = arith.index_cast %swap3A_1115 : i32 to index
      %swap3A_1117 = arith.constant 0 : index
      %swap3A_1118 = tpu.vector_load %arg13[%swap3A_1116, %swap3A_1117] {strides = array<i32>} : memref<8x16xf32, #tpu.memory_space<vmem>>, vector<1x16xf32>,
      %swap3A_1119 = vector.shape_cast %swap3A_1118 : vector<1x16xf32> to vector<16xf32>
      %swap3A_1120 = vector.shape_cast %scan3A_56#3 : vector<16xf32> to vector<1x16xf32>
      tpu.vector_store %arg13[%swap3A_1116, %swap3A_1117], %swap3A_1120 {strides = array<i32>} : memref<8x16xf32, #tpu.memory_space<vmem>>, vector<1x16xf32>,
      %div3A_1121 = arith.divf %exp3A_1061, %add3A_1076 : vector<16xf32>
      %swap3A_1122 = arith.constant 3 : i32
      %swap3A_1123 = arith.index_cast %swap3A_1122 : i32 to index
      %swap3A_1124 = arith.constant 0 : index
      %swap3A_1125 = tpu.vector_load %arg14[%swap3A_1123, %swap3A_1124] {strides = array<i32>} : memref<8x16xf32, #tpu.memory_space<vmem>>, vector<1x16xf32>,
      %swap3A_1126 = vector.shape_cast %swap3A_1125 : vector<1x16xf32> to vector<16xf32>
      %swap3A_1127 = vector.shape_cast %div3A_1121 : vector<16xf32> to vector<1x16xf32>
      tpu.vector_store %arg14[%swap3A_1123, %swap3A_1124], %swap3A_1127 {strides = array<i32>} : memref<8x16xf32, #tpu.memory_space<vmem>>, vector<1x16xf32>,
      %swap3A_1128 = arith.constant 4 : i32
      %swap3A_1129 = arith.index_cast %swap3A_1128 : i32 to index
      %swap3A_1130 = arith.constant 0 : index
      %swap3A_1131 = tpu.vector_load %arg13[%swap3A_1129, %swap3A_1130] {strides = array<i32>} : memref<8x16xf32, #tpu.memory_space<vmem>>, vector<1x16xf32>,
      %swap3A_1132 = vector.shape_cast %swap3A_1131 : vector<1x16xf32> to vector<16xf32>
      %swap3A_1133 = vector.shape_cast %scan3A_56#4 : vector<16xf32> to vector<1x16xf32>
      tpu.vector_store %arg13[%swap3A_1129, %swap3A_1130], %swap3A_1133 {strides = array<i32>} : memref<8x16xf32, #tpu.memory_space<vmem>>, vector<1x16xf32>,
      %div3A_1134 = arith.divf %exp3A_1063, %add3A_1076 : vector<16xf32>
      %swap3A_1135 = arith.constant 4 : i32
      %swap3A_1136 = arith.index_cast %swap3A_1135 : i32 to index
      %swap3A_1137 = arith.constant 0 : index
      %swap3A_1138 = tpu.vector_load %arg14[%swap3A_1136, %swap3A_1137] {strides = array<i32>} : memref<8x16xf32, #tpu.memory_space<vmem>>, vector<1x16xf32>,
      %swap3A_1139 = vector.shape_cast %swap3A_1138 : vector<1x16xf32> to vector<16xf32>
      %swap3A_1140 = vector.shape_cast %div3A_1134 : vector<16xf32> to vector<1x16xf32>
      tpu.vector_store %arg14[%swap3A_1136, %swap3A_1137], %swap3A_1140 {strides = array<i32>} : memref<8x16xf32, #tpu.memory_space<vmem>>, vector<1x16xf32>,
      %swap3A_1141 = arith.constant 5 : i32
      %swap3A_1142 = arith.index_cast %swap3A_1141 : i32 to index
      %swap3A_1143 = arith.constant 0 : index
      %swap3A_1144 = tpu.vector_load %arg13[%swap3A_1142, %swap3A_1143] {strides = array<i32>} : memref<8x16xf32, #tpu.memory_space<vmem>>, vector<1x16xf32>,
      %swap3A_1145 = vector.shape_cast %swap3A_1144 : vector<1x16xf32> to vector<16xf32>
      %swap3A_1146 = vector.shape_cast %scan3A_56#5 : vector<16xf32> to vector<1x16xf32>
      tpu.vector_store %arg13[%swap3A_1142, %swap3A_1143], %swap3A_1146 {strides = array<i32>} : memref<8x16xf32, #tpu.memory_space<vmem>>, vector<1x16xf32>,
      %div3A_1147 = arith.divf %exp3A_1065, %add3A_1076 : vector<16xf32>
      %swap3A_1148 = arith.constant 5 : i32
      %swap3A_1149 = arith.index_cast %swap3A_1148 : i32 to index
      %swap3A_1150 = arith.constant 0 : index
      %swap3A_1151 = tpu.vector_load %arg14[%swap3A_1149, %swap3A_1150] {strides = array<i32>} : memref<8x16xf32, #tpu.memory_space<vmem>>, vector<1x16xf32>,
      %swap3A_1152 = vector.shape_cast %swap3A_1151 : vector<1x16xf32> to vector<16xf32>
      %swap3A_1153 = vector.shape_cast %div3A_1147 : vector<16xf32> to vector<1x16xf32>
      tpu.vector_store %arg14[%swap3A_1149, %swap3A_1150], %swap3A_1153 {strides = array<i32>} : memref<8x16xf32, #tpu.memory_space<vmem>>, vector<1x16xf32>,
      %swap3A_1154 = arith.constant 6 : i32
      %swap3A_1155 = arith.index_cast %swap3A_1154 : i32 to index
      %swap3A_1156 = arith.constant 0 : index
      %swap3A_1157 = tpu.vector_load %arg13[%swap3A_1155, %swap3A_1156] {strides = array<i32>} : memref<8x16xf32, #tpu.memory_space<vmem>>, vector<1x16xf32>,
      %swap3A_1158 = vector.shape_cast %swap3A_1157 : vector<1x16xf32> to vector<16xf32>
      %swap3A_1159 = vector.shape_cast %scan3A_56#6 : vector<16xf32> to vector<1x16xf32>
      tpu.vector_store %arg13[%swap3A_1155, %swap3A_1156], %swap3A_1159 {strides = array<i32>} : memref<8x16xf32, #tpu.memory_space<vmem>>, vector<1x16xf32>,
      %div3A_1160 = arith.divf %exp3A_1067, %add3A_1076 : vector<16xf32>
      %swap3A_1161 = arith.constant 6 : i32
      %swap3A_1162 = arith.index_cast %swap3A_1161 : i32 to index
      %swap3A_1163 = arith.constant 0 : index
      %swap3A_1164 = tpu.vector_load %arg14[%swap3A_1162, %swap3A_1163] {strides = array<i32>} : memref<8x16xf32, #tpu.memory_space<vmem>>, vector<1x16xf32>,
      %swap3A_1165 = vector.shape_cast %swap3A_1164 : vector<1x16xf32> to vector<16xf32>
      %swap3A_1166 = vector.shape_cast %div3A_1160 : vector<16xf32> to vector<1x16xf32>
      tpu.vector_store %arg14[%swap3A_1162, %swap3A_1163], %swap3A_1166 {strides = array<i32>} : memref<8x16xf32, #tpu.memory_space<vmem>>, vector<1x16xf32>,
      %swap3A_1167 = arith.constant 7 : i32
      %swap3A_1168 = arith.index_cast %swap3A_1167 : i32 to index
      %swap3A_1169 = arith.constant 0 : index
      %swap3A_1170 = tpu.vector_load %arg13[%swap3A_1168, %swap3A_1169] {strides = array<i32>} : memref<8x16xf32, #tpu.memory_space<vmem>>, vector<1x16xf32>,
      %swap3A_1171 = vector.shape_cast %swap3A_1170 : vector<1x16xf32> to vector<16xf32>
      %swap3A_1172 = vector.shape_cast %scan3A_56#7 : vector<16xf32> to vector<1x16xf32>
      tpu.vector_store %arg13[%swap3A_1168, %swap3A_1169], %swap3A_1172 {strides = array<i32>} : memref<8x16xf32, #tpu.memory_space<vmem>>, vector<1x16xf32>,
      %div3A_1173 = arith.divf %exp3A_1069, %add3A_1076 : vector<16xf32>
      %swap3A_1174 = arith.constant 7 : i32
      %swap3A_1175 = arith.index_cast %swap3A_1174 : i32 to index
      %swap3A_1176 = arith.constant 0 : index
      %swap3A_1177 = tpu.vector_load %arg14[%swap3A_1175, %swap3A_1176] {strides = array<i32>} : memref<8x16xf32, #tpu.memory_space<vmem>>, vector<1x16xf32>,
      %swap3A_1178 = vector.shape_cast %swap3A_1177 : vector<1x16xf32> to vector<16xf32>
      %swap3A_1179 = vector.shape_cast %div3A_1173 : vector<16xf32> to vector<1x16xf32>
      tpu.vector_store %arg14[%swap3A_1175, %swap3A_1176], %swap3A_1179 {strides = array<i32>} : memref<8x16xf32, #tpu.memory_space<vmem>>, vector<1x16xf32>,
      "tpu.region"() ({
        %run_scoped3A = tpu.sem_alloc : memref<!tpu.dma_semaphore, #tpu.memory_space<semaphore_mem>>
        %dma_start3A = arith.constant 0 : i32
        %dma_start3A_1180 = arith.constant 0 : i32
        %dma_start3A_1181 = tpu.memref_slice %arg6[%add3A, %dma_start3A, %dma_start3A_1180] : memref<7x8x16xf32, #tpu.memory_space<hbm>> -> memref<1x8x16xf32, #tpu.memory_space<hbm>>
        %dma_start3A_1182 = tpu.memref_squeeze %dma_start3A_1181 : memref<1x8x16xf32, #tpu.memory_space<hbm>> -> memref<8x16xf32, #tpu.memory_space<hbm>>
        %dma_start3A_1183 = arith.constant 0 : i32
        %dma_start3A_1184 = arith.constant 0 : i32
        %dma_start3A_1185 = tpu.memref_slice %arg6[%add3A, %dma_start3A_1183, %dma_start3A_1184] : memref<7x8x16xf32, #tpu.memory_space<hbm>> -> memref<1x8x16xf32, #tpu.memory_space<hbm>>
        %dma_start3A_1186 = tpu.memref_squeeze %dma_start3A_1185 : memref<1x8x16xf32, #tpu.memory_space<hbm>> -> memref<8x16xf32, #tpu.memory_space<hbm>>
        tpu.enqueue_dma source(%arg13 : memref<8x16xf32, #tpu.memory_space<vmem>>) target(%dma_start3A_1186 : memref<8x16xf32, #tpu.memory_space<hbm>>) target_semaphore(%run_scoped3A : memref<!tpu.dma_semaphore, #tpu.memory_space<semaphore_mem>>)
        %dma_wait3A = arith.constant 0 : i32
        %dma_wait3A_1187 = arith.constant 0 : i32
        %dma_wait3A_1188 = tpu.memref_slice %arg6[%add3A, %dma_wait3A, %dma_wait3A_1187] : memref<7x8x16xf32, #tpu.memory_space<hbm>> -> memref<1x8x16xf32, #tpu.memory_space<hbm>>
        %dma_wait3A_1189 = tpu.memref_squeeze %dma_wait3A_1188 : memref<1x8x16xf32, #tpu.memory_space<hbm>> -> memref<8x16xf32, #tpu.memory_space<hbm>>
        %dma_wait3A_1190 = arith.constant 0 : i32
        %dma_wait3A_1191 = arith.constant 0 : i32
        %dma_wait3A_1192 = tpu.memref_slice %arg6[%add3A, %dma_wait3A_1190, %dma_wait3A_1191] : memref<7x8x16xf32, #tpu.memory_space<hbm>> -> memref<1x8x16xf32, #tpu.memory_space<hbm>>
        %dma_wait3A_1193 = tpu.memref_squeeze %dma_wait3A_1192 : memref<1x8x16xf32, #tpu.memory_space<hbm>> -> memref<8x16xf32, #tpu.memory_space<hbm>>
        tpu.wait_dma2 semaphore(%run_scoped3A : memref<!tpu.dma_semaphore, #tpu.memory_space<semaphore_mem>>) src(%arg13 : memref<8x16xf32, #tpu.memory_space<vmem>>) dst(%dma_wait3A_1193 : memref<8x16xf32, #tpu.memory_space<hbm>>)
        tpu.yield
      }) : () -> ()
      "tpu.region"() ({
        %run_scoped3A = tpu.sem_alloc : memref<!tpu.dma_semaphore, #tpu.memory_space<semaphore_mem>>
        %dma_start3A = arith.constant 0 : i32
        %dma_start3A_1180 = arith.constant 0 : i32
        %dma_start3A_1181 = tpu.memref_slice %arg7[%add3A, %dma_start3A, %dma_start3A_1180] : memref<7x8x16xf32, #tpu.memory_space<hbm>> -> memref<1x8x16xf32, #tpu.memory_space<hbm>>
        %dma_start3A_1182 = tpu.memref_squeeze %dma_start3A_1181 : memref<1x8x16xf32, #tpu.memory_space<hbm>> -> memref<8x16xf32, #tpu.memory_space<hbm>>
        %dma_start3A_1183 = arith.constant 0 : i32
        %dma_start3A_1184 = arith.constant 0 : i32
        %dma_start3A_1185 = tpu.memref_slice %arg7[%add3A, %dma_start3A_1183, %dma_start3A_1184] : memref<7x8x16xf32, #tpu.memory_space<hbm>> -> memref<1x8x16xf32, #tpu.memory_space<hbm>>
        %dma_start3A_1186 = tpu.memref_squeeze %dma_start3A_1185 : memref<1x8x16xf32, #tpu.memory_space<hbm>> -> memref<8x16xf32, #tpu.memory_space<hbm>>
        tpu.enqueue_dma source(%arg14 : memref<8x16xf32, #tpu.memory_space<vmem>>) target(%dma_start3A_1186 : memref<8x16xf32, #tpu.memory_space<hbm>>) target_semaphore(%run_scoped3A : memref<!tpu.dma_semaphore, #tpu.memory_space<semaphore_mem>>)
        %dma_wait3A = arith.constant 0 : i32
        %dma_wait3A_1187 = arith.constant 0 : i32
        %dma_wait3A_1188 = tpu.memref_slice %arg7[%add3A, %dma_wait3A, %dma_wait3A_1187] : memref<7x8x16xf32, #tpu.memory_space<hbm>> -> memref<1x8x16xf32, #tpu.memory_space<hbm>>
        %dma_wait3A_1189 = tpu.memref_squeeze %dma_wait3A_1188 : memref<1x8x16xf32, #tpu.memory_space<hbm>> -> memref<8x16xf32, #tpu.memory_space<hbm>>
        %dma_wait3A_1190 = arith.constant 0 : i32
        %dma_wait3A_1191 = arith.constant 0 : i32
        %dma_wait3A_1192 = tpu.memref_slice %arg7[%add3A, %dma_wait3A_1190, %dma_wait3A_1191] : memref<7x8x16xf32, #tpu.memory_space<hbm>> -> memref<1x8x16xf32, #tpu.memory_space<hbm>>
        %dma_wait3A_1193 = tpu.memref_squeeze %dma_wait3A_1192 : memref<1x8x16xf32, #tpu.memory_space<hbm>> -> memref<8x16xf32, #tpu.memory_space<hbm>>
        tpu.wait_dma2 semaphore(%run_scoped3A : memref<!tpu.dma_semaphore, #tpu.memory_space<semaphore_mem>>) src(%arg14 : memref<8x16xf32, #tpu.memory_space<vmem>>) dst(%dma_wait3A_1193 : memref<8x16xf32, #tpu.memory_space<hbm>>)
        tpu.yield
      }) : () -> ()
    } else {
    }
    return
  }
}

</mosaic_0001>

<sc_bundles>
// kernel: kernel.3.cloned.1.call-start
scs
__scs_entry_jumppad:
0x0: {  	(pc) =	sbr.rel $0x88, $3  }
0x1: {  	(tag) =	ssettag $0x0;
	lr =	simm.s32 $0x1  }
0x2: {  	[smem:$0x3F9D] =	sst lr;
	_ =	strace $0xD0000000  }
0x3: {  	_ = 	snop  }
0x4: {  	_ = 	snop  }
0x5: {  	_ = 	snop  }
0x6: {  	_ = 	snop  }
0x7: {  	_ = 	snop  }
__scs_overlays_trampoline_lowered:
0x8: {  	[smem:$0x3FAC] =	sst s0  }
0x9: {  	[smem:$0x3FAD] =	sst s1  }
0xa: {  	[smem:$0x3FAE] =	sst s2  }
0xb: {  	[smem:$0x3FAF] =	sst s3  }
0xc: {  	[smem:$0x3FB0] =	sst s4  }
0xd: {  	[smem:$0x3FB1] =	sst s5  }
0xe: {  	[smem:$0x3FB2] =	sst s6  }
0xf: {  	[smem:$0x3FB3] =	sst s7  }
0x10: {  	[smem:$0x3FB4] =	sst s8  }
0x11: {  	[smem:$0x3FB5] =	sst s9;
	s0 =	simm.s32 @!p0 $0x0  }
0x12: {  	s1 =	sld [smem:$0x3F9B];
	s0 =	simm.s32 @p0 $0x1  }
0x13: {  	[smem:$0x3FB6] =	sst s0;
	s0 =	simm.s32 @!p1 $0x0  }
0x14: {  	s2 =	sld [smem:$0x3F9A];
	s0 =	simm.s32 @p1 $0x1  }
0x15: {  	[smem:$0x3FB7] =	sst s0;
	s0 =	simm.s32 @!p2 $0x0  }
0x16: {  	s3 =	sld [smem:$0x3FDB];
	s0 =	simm.s32 @p2 $0x1  }
0x17: {  	s4 =	simm.s32 $0x1BF5;
	[smem:$0x3FB9] =	sst s0  }
0x18: {  	s0 =	sld [smem:$0x3F9C];
	_ =	swait.ge [sflag:s4], $0x0  }
0x19: {  	s7 =	sld [smem:$0x3F9D]  }
0x1a: {  	s8 =	sadd.s32 $0xFFFFE003, lr  }
0x1b: {  	s9 =	sadd.s32 $0xFFFFFEF7, lr;
	s5 =	simm.s32 $0xFFFFFFFF;
	p2 =	slt.u32 s8, $0xFFFFF086  }
0x1c: {  	p1 =	slt.u32 s9, $0xF7A;
	s5 =	simm.s32 @!p2 $0x0  }
0x1d: {  	s5 =	simm.s32 @p1 $0x1;
	p0 =	seq.s32 s7, s2  }
0x1e: {  	s7 =	smul.u32 @!p0 $0xF7A, s2;
	p2 =	seq.s32 @!p0 s5, $0x0  }
0x1f: {  	s9 =	smul.u32 $0xF7A, s1;
	s8 =	simm.s32 @!p0 $0x1BF5;
	p2 =	por !p2, p0  }
0x20: {  	[sflag:s8] =	ssyncset.s32 @!p0 $0xFFFFF086;
	s6 =	sadd.s32 @!p0 s3, s7;
	s7 =	simm.s32 @!p0 $0x108  }
0x21: {  	s3 =	sadd.s32 s3, s9;
	s6 =	sadd.s32 @!p0 $0x88, s6;
	s7 =	simm.s32 @p2 $0x1082  }
0x22: {  	[simem:s7], [sflag:s8] =	dma.local @!p0 [hbm:s6], $0xF7A  }
0x23: {  	s9 =	sor.u32 $0xD0000000, s2;
	s6 =	simm.s32 $0x108;
	_ =	swait.ge @!p0 [sflag:s8], $0x0  }
0x24: {  	s3 =	sadd.s32 $0x88, s3;
	s6 =	simm.s32 @!p1 $0x1082;
	[sflag:s4] =	ssyncset.s32 $0xFFFFF086  }
0x25: {  	[simem:s6], [sflag:s4] =	dma.local [hbm:s3], $0xF7A  }
0x26: {  	[smem:$0x3F9D] =	sst s1;
	(tag) =	ssettag s2;
	_ =	strace s9  }
0x27: {  	s1 =	sld [smem:$0x3FAD]  }
0x28: {  	s2 =	sld [smem:$0x3FAE]  }
0x29: {  	s4 =	sld [smem:$0x3FB0]  }
0x2a: {  	p0 =	seq.s32 s5, $0x0;
	s5 =	sld [smem:$0x3FB1]  }
0x2b: {  	s6 =	sld [smem:$0x3FB2]  }
0x2c: {  	s7 =	sld [smem:$0x3FB3]  }
0x2d: {  	s3 =	simm.s32 $0x108;
	s8 =	sld [smem:$0x3FB4]  }
0x2e: {  	s3 =	simm.s32 @!p0 $0x1082;
	s9 =	sld [smem:$0x3FB5]  }
0x2f: {  	lr =	sadd.s32 s0, s3;
	s0 =	sld [smem:$0x3FAC]  }
0x30: {  	s3 =	sld [smem:$0x3FAF]  }
0x31: {  	[smem:$0x3FB8] =	sst s10  }
0x32: {  	s10 =	sld [smem:$0x3FB6];
	_ =	sdelay $0x3  }
0x33: {  	p0 =	seq.s32 s10, $0x1;
	s10 =	sld [smem:$0x3FB8];
	_ =	sdelay $0x3  }
0x34: {  	[smem:$0x3FB8] =	sst s10  }
0x35: {  	s10 =	sld [smem:$0x3FB7];
	_ =	sdelay $0x3  }
0x36: {  	p1 =	seq.s32 s10, $0x1;
	s10 =	sld [smem:$0x3FB8];
	_ =	sdelay $0x3  }
0x37: {  	[smem:$0x3FB8] =	sst s10  }
0x38: {  	s10 =	sld [smem:$0x3FB9]  }
0x39: {  	_ = 	snop;
	(pc) =	sbr.ind lr, $3  }
0x3a: {  	_ = 	snop  }
0x3b: {  	_ = 	snop  }
0x3c: {  	p2 =	seq.s32 s10, $0x1;
	s10 =	sld [smem:$0x3FB8]  }
0x3d: {  	_ =	shalt  }
0x3e: {  	_ =	shalt  }
0x3f: {  	_ =	shalt  }
0x40: {  	_ =	shalt  }
0x41: {  	_ =	shalt  }
0x42: {  	_ =	shalt  }
0x43: {  	_ =	shalt  }
0x44: {  	_ =	shalt  }
0x45: {  	_ =	shalt  }
0x46: {  	_ =	shalt  }
0x47: {  	_ =	shalt  }
0x48: {  	_ =	shalt  }
0x49: {  	_ =	shalt  }
0x4a: {  	_ =	shalt  }
0x4b: {  	_ =	shalt  }
0x4c: {  	_ =	shalt  }
0x4d: {  	_ =	shalt  }
0x4e: {  	_ =	shalt  }
0x4f: {  	_ =	shalt  }
0x50: {  	_ =	shalt  }
0x51: {  	_ =	shalt  }
0x52: {  	_ =	shalt  }
0x53: {  	_ =	shalt  }
0x54: {  	_ =	shalt  }
0x55: {  	_ =	shalt  }
0x56: {  	_ =	shalt  }
0x57: {  	_ =	shalt  }
0x58: {  	_ =	shalt  }
0x59: {  	_ =	shalt  }
0x5a: {  	_ =	shalt  }
0x5b: {  	_ =	shalt  }
0x5c: {  	_ =	shalt  }
0x5d: {  	_ =	shalt  }
0x5e: {  	_ =	shalt  }
0x5f: {  	_ =	shalt  }
0x60: {  	_ =	shalt  }
0x61: {  	_ =	shalt  }
0x62: {  	_ =	shalt  }
0x63: {  	_ =	shalt  }
0x64: {  	_ =	shalt  }
0x65: {  	_ =	shalt  }
0x66: {  	_ =	shalt  }
0x67: {  	_ =	shalt  }
0x68: {  	_ =	shalt  }
0x69: {  	_ =	shalt  }
0x6a: {  	_ =	shalt  }
0x6b: {  	_ =	shalt  }
0x6c: {  	_ =	shalt  }
0x6d: {  	_ =	shalt  }
0x6e: {  	_ =	shalt  }
0x6f: {  	_ =	shalt  }
0x70: {  	_ =	shalt  }
0x71: {  	_ =	shalt  }
0x72: {  	_ =	shalt  }
0x73: {  	_ =	shalt  }
0x74: {  	_ =	shalt  }
0x75: {  	_ =	shalt  }
0x76: {  	_ =	shalt  }
0x77: {  	_ =	shalt  }
0x78: {  	_ =	shalt  }
0x79: {  	_ =	shalt  }
0x7a: {  	_ =	shalt  }
0x7b: {  	_ =	shalt  }
0x7c: {  	_ =	shalt  }
0x7d: {  	_ =	shalt  }
0x7e: {  	_ =	shalt  }
0x7f: {  	_ =	shalt  }
0x80: {  	_ =	shalt  }
0x81: {  	_ =	shalt  }
0x82: {  	_ =	shalt  }
0x83: {  	_ =	shalt  }
0x84: {  	_ =	shalt  }
0x85: {  	_ =	shalt  }
0x86: {  	_ =	shalt  }
0x87: {  	_ =	shalt  }
.Lfunc_end0:
.L_simem_size_0:
called_computation_lowered:
.L_overlay_start_0:
0x88: {  	s2 =	sld [smem:$0x3FD9]  }
0x89: {  	s3 =	sld [smem:$0x3FFE];
	_ =	sdelay $0x1  }
0x8a: {  	s1 =	srdreg.scid  }
0x8b: {  	s0 =	sand.u32 $0x1, s1  }
0x8c: {  	s16 =	sshll.u32 s0, $0xA;
	s2 =	sadd.s32 s3, s2  }
0x8d: {  	s2 =	sadd.s32 s2, s16  }
0x8e: {  	[smem:$0x3FC4] =	sst s2  }
0x8f: {  	_ = 	snop  }
0x90: {  	(tm) =	ssettm $0x1  }
0x91: {  	s17 =	sld [smem:$0x3FFB];
	_ =	sdelay $0x3  }
0x92: {  	_ =	strace s17  }
0x93: {  	s2 =	sld [smem:$0x3FFC];
	_ =	sdelay $0x3  }
0x94: {  	_ =	strace s2  }
0x95: {  	s2 =	sld [smem:$0x3FFD];
	_ =	sdelay $0x3  }
0x96: {  	_ =	strace s2  }
0x97: {  	_ =	strace $0x8FFFFFFF  }
0x98: {  	s18 =	sld [smem:$0x3FDB];
	_ =	sdelay $0x1  }
0x99: {  	s19 =	simm.s32 $_scs_section_size  }
0x9a: {  	s4 =	simm.s32 $_size__tile_overlayer_lowered;
	s5 =	simm.s32 $_tile_overlayer_lowered  }
0x9b: {  	s22 =	simm.s32 $0x1BFF;
	s21 =	sshll.u32 s5, $0x1;
	s2 =	sadd.s32 s19, s18  }
0x9c: {  	s6 =	simm.s32 $0x0;
	s20 =	sshll.u32 s4, $0x1;
	s4 =	sadd.s32 s21, s2  }
0x9d: {  	[timem:s6], [sflag:s22] =	dma.local [hbm:s4], s20  }
0x9e: {  	_ =	swait.ge [sflag:s22], s20  }
0x9f: {  	s3 =	ssub.s32 $0x0, s20;
	[sflag:s22] =	ssyncset.done $0x0  }
0xa0: {  	[sflag:s22] =	ssyncadd.s32 s3;
	_ =	sdelay $0x1  }
0xa1: {  	s23 =	simm.s32 $0x1B8B  }
0xa2: {  	_ =	swait.ge [sflag:s23], $0x1  }
0xa3: {  	[sflag:s23] =	ssyncset.done $0x0  }
0xa4: {  	s25 =	simm.s32 $0x1B8E;
	s24 =	sld [smem:$0x3FFE];
	[sflag:s23] =	ssyncadd.s32 $0xFFFFFFFF  }
0xa5: {  	s26 =	simm.s32 $execute0_lowered;
	[smem:$0x3FD2] =	sst s25  }
0xa6: {  	s4 =	sshll.u32 s26, $0x1;
	_ =	strace $0x80000046;
	[dreg:$0x1] =	wrdreg $0xFFFFFFFF  }
0xa7: {  	s28 =	simm.s32 $_size_execute0_lowered;
	s2 =	sadd.s32 s2, s4;
	[dreg:$0x0] =	wrdreg $0x0  }
0xa8: {  	s4 =	sshll.u32 s28, $0x1;
	[dreg:$0x2] =	wrdreg s2  }
0xa9: {  	[dreg:$0x3] =	wrdreg s4  }
0xaa: {  	[dreg:$0x4] =	wrdreg $0xC0  }
0xab: {  	_ =	task [dreg:s6], $0x5FFFF  }
0xac: {  	[dreg:$0x1] =	wrdreg $0xFFFFFFFF  }
0xad: {  	[dreg:$0x0] =	wrdreg $0x60  }
0xae: {  	[dreg:$0x2] =	wrdreg s24  }
0xaf: {  	[dreg:$0x3] =	wrdreg $0x9  }
0xb0: {  	_ =	task.clear_ibuf [dreg:s6], $0x4FFFF;
	_ =	strace $0x90000046  }
0xb1: {  	s29 =	simm.s32 $0x9;
	_ =	strace $0x80000048  }
0xb2: {  	_ =	swait.ge [sflag:s29], $0x1  }
0xb3: {  	[sflag:s29] =	ssyncadd.s32 $0xFFFFFFFF  }
0xb4: {  	_ =	strace $0x90000048  }
0xb5: {  	_ =	sfence  }
0xb6: {  	s30 =	sld [smem:$0x0];
	_ =	sdelay $0x2  }
0xb7: {  	s31 =	sshll.u32 s1, $0xD;
	s1 =	sshrl.u32 s1, $0x2  }
0xb8: {  	s3 =	sand.u32 $0x4000, s31;
	s1 =	sadd.s32 s1, s30  }
0xb9: {  	s0 =	sor.u32 s3, s0;
	s1 =	sshll.u32 s1, $0x11  }
0xba: {  	s0 =	sor.u32 s1, s0  }
0xbb: {  	s0 =	sadd.s32 $0x8F2B, s0  }
0xbc: {  	[sflag:s0] =	ssyncadd.remote.s32 $0x1  }
0xbd: {  	_ =	sfence.sel $0xFFFF  }
0xbe: {  	[dreg:$0x0] =	wrdreg $0xFFFFFFFF;
	(pc) =	sbr.abs _section_cstart, $3  }
0xbf: {  	[dreg:$0x1] =	wrdreg $0xFFFFFFFF  }
0xc0: {  	_ =	task.clear_ibuf [dreg:s6], $0x2FFFF;
	_ =	strace $0x9FFFFFFF  }
0xc1: {  	(tm) =	ssettm $0x7FFFFFFF  }
tec
execute0_lowered:
.L_overlay_start_1:
0x0: {  	(tag) =	ssettag $0x1  }
0x1: {  	s1 =	srdreg.scid;
	s0 =	stileid.u32  }
0x2: {  	s5 =	sand.u32 $0x1, s1;
	s3 =	sshll.u32 s0, $0x1  }
0x3: {  	s8 =	sor.u32 s5, s3  }
0x4: {  	p0 =	sgt.u32 s8, $0x6  }
.Ltmp0:
0x5: {  	_ = 	snop;
	(pc) =	sbr.rel @p0 .LBB2_7-.Ltmp0, $4  }
0x6: {  	_ = 	snop  }
0x7: {  	s6 =	rddreg [dreg:$0x0];
	s2 =	simm.s32 $0x0  }
0x8: {  	[smem:$0x7FF] =	sst s2  }
0x9: {  	s1 =	rddreg [dreg:$0x1];
	_ =	strace $0x80000047  }
0xa: {  	s9 =	sadd.s32 $0x2200, s6;
	s3 =	sadd.s32 $0x1200, s6;
	s7 =	sshll.u32 s8, $0x7  }
0xb: {  	s4 =	sadd.s32 $0x1000, s6;
	s10 =	ssub.s32 $0x2, s5;
	s31 =	sshll.u32 s8, $0x8  }
0xc: {  	s12 =	simm.s32 $0x8800;
	s13 =	simm.s32 $0x9000;
	s14 =	simm.s32 $0x11400  }
0xd: {  	s15 =	simm.s32 $0x11800;
	s16 =	simm.s32 $0x0;
	s7 =	sadd.s32 s7, s6  }
0xe: {  	s11 =	sshrl.u32 s10, $0x1;
	s8 =	sadd.s32 s9, s31;
	s5 =	sadd.s32 $0x2A00, s7  }
0xf: {  	s6 =	sadd.s32 $0x2E00, s7;
	s7 =	sadd.s32 $0x3200, s7;
	s10 =	ssub.s32 s10, s11  }
0x10: {  	v62 =	vimm.s32 $0x0;
	s11 =	simm.s32 $0x800;
	s9 =	smax.u32 s10, $0x1;
	s10 =	simm.s32 $0x1  }
.LBB2_2:
0x11: {  	[tilespmem:s2], [sflag:$0x1] =	stream.linear.gather [hbm4b:s8+s2], $0x800, $0x38;
	[tilespmem:$0x11C00] =	vst v63  }
0x12: {  	_ =	swait.ge [sflag:s10], $0x800  }
0x13: {  	[sflag:s10] =	ssyncset.done $0x0  }
0x14: {  	[sflag:s10] =	ssyncadd.s32 $0xFFFFF800  }
0x15: {  	[tilespmem:s11], [sflag:$0x1] =	stream.linear.gather [hbm4b:s3+s2], $0x8000, $0x38;
	[tilespmem:$0x11C00] =	vst v63  }
0x16: {  	_ =	swait.ge [sflag:s10], $0x8000  }
0x17: {  	[sflag:s10] =	ssyncset.done $0x0  }
0x18: {  	[sflag:s10] =	ssyncadd.s32 $0xFFFF8000  }
0x19: {  	[tilespmem:s12], [sflag:$0x1] =	stream.linear.gather [hbm4b:s4+s2], $0x800, $0x38;
	[tilespmem:$0x11C00] =	vst v63  }
0x1a: {  	_ =	swait.ge [sflag:s10], $0x800  }
0x1b: {  	[sflag:s10] =	ssyncset.done $0x0  }
0x1c: {  	[sflag:s10] =	ssyncadd.s32 $0xFFFFF800  }
0x1d: {  	[tilespmem:s13], [sflag:$0x1] =	stream.linear.gather [hbm4b:s5+s2], $0x400, $0x38;
	[tilespmem:$0x11C00] =	vst v63  }
0x1e: {  	_ =	swait.ge [sflag:s10], $0x400  }
0x1f: {  	[sflag:s10] =	ssyncset.done $0x0  }
0x20: {  	s17 =	simm.s32 $0x880;
	[sflag:s10] =	ssyncadd.s32 $0xFFFFFC00  }
0x21: {  	v1 =	vld [tilespmem:s17+$0xFFFFFF80]  }
0x22: {  	v2 =	vld [tilespmem:$0x700]  }
0x23: {  	v3 =	vld [tilespmem:$0x0]  }
0x24: {  	v4 =	vld [tilespmem:$0x200]  }
0x25: {  	v5 =	vld [tilespmem:$0x480]  }
0x26: {  	v7 =	vld [tilespmem:$0x680];
	v6 =	vbroadcast v1, $0x0;
	v8 =	vbroadcast v1, $0xF  }
0x27: {  	v11 =	vld [tilespmem:$0x280];
	v9 =	vbroadcast v1, $0x3;
	v10 =	vbroadcast v1, $0x4  }
0x28: {  	v12 =	vld [tilespmem:$0x600];
	v13 =	vbroadcast v1, $0x2;
	v15 =	vbroadcast v1, $0x5  }
0x29: {  	v14 =	vld [tilespmem:$0x80];
	v16 =	vbroadcast v1, $0x6;
	v18 =	vbroadcast v1, $0x7  }
0x2a: {  	v19 =	vbroadcast v1, $0xD;
	v4 =	vmul.f32 v4, v10;
	v10 =	vld [tilespmem:$0x300]  }
0x2b: {  	v17 =	vld [tilespmem:$0x380];
	v21 =	vbroadcast v1, $0x1;
	v23 =	vbroadcast v1, $0x8  }
0x2c: {  	v20 =	vld [tilespmem:$0x100];
	v3 =	vmul.f32 v6, v3;
	v6 =	vbroadcast v1, $0xA  }
0x2d: {  	v22 =	vld [tilespmem:$0x400];
	v11 =	vmul.f32 v11, v15;
	v15 =	vbroadcast v1, $0xE  }
0x2e: {  	v24 =	vld [tilespmem:$0x180];
	v7 =	vmul.f32 v7, v19;
	v14 =	vmul.f32 v14, v21  }
0x2f: {  	v19 =	vld [tilespmem:$0x500];
	v10 =	vmul.f32 v10, v16;
	v16 =	vbroadcast v1, $0x9  }
0x30: {  	v4 =	vadd.f32 v11, v4;
	v11 =	vmul.f32 v17, v18;
	v17 =	vbroadcast v1, $0xC;
	v18 =	vld [tilespmem:$0x580]  }
0x31: {  	v21 =	vld [tilespmem:$0x780];
	v13 =	vmul.f32 v20, v13;
	v5 =	vmul.f32 v5, v16  }
0x32: {  	v4 =	vadd.f32 v10, v4;
	v10 =	vmul.f32 v12, v17;
	v12 =	vmul.f32 v22, v23  }
0x33: {  	v3 =	vadd.f32 v14, v3;
	v2 =	vmul.f32 v2, v15;
	v1 =	vbroadcast v1, $0xB  }
0x34: {  	v6 =	vmul.f32 v19, v6;
	v7 =	vadd.f32 v7, v10;
	v5 =	vadd.f32 v5, v12  }
0x35: {  	v9 =	vmul.f32 v24, v9;
	v3 =	vadd.f32 v13, v3;
	v1 =	vmul.f32 v18, v1  }
0x36: {  	v2 =	vadd.f32 v2, v7;
	v7 =	vmul.f32 v21, v8;
	v5 =	vadd.f32 v6, v5  }
0x37: {  	v3 =	vadd.f32 v9, v3;
	v4 =	vadd.f32 v11, v4  }
0x38: {  	v2 =	vadd.f32 v7, v2;
	v1 =	vadd.f32 v1, v5;
	_ =	sdelay $0x1  }
0x39: {  	v3 =	vadd.f32 v4, v3;
	v1 =	vadd.f32 v2, v1;
	_ =	sdelay $0x1  }
0x3a: {  	v3 =	vadd.f32 v1, v3  }
0x3b: {  	s19 =	simm.s32 $0x9480  }
0x3c: {  	[tilespmem:s19+$0xFFFFFF80] =	vst v3  }
0x3d: {  	v7 =	vld [tilespmem:s17+$0x0];
	_ =	sdelay $0x2  }
0x3e: {  	v13 =	vld [tilespmem:$0x200]  }
0x3f: {  	v4 =	vmul.f32 v3, v3;
	v2 =	vld [tilespmem:$0x400]  }
0x40: {  	v17 =	vld [tilespmem:$0x0];
	v16 =	vbroadcast v7, $0x0;
	v5 =	vbroadcast v7, $0x1  }
0x41: {  	v12 =	vld [tilespmem:$0x480];
	v19 =	vbroadcast v7, $0x4;
	v8 =	vbroadcast v7, $0x5  }
0x42: {  	v6 =	vld [tilespmem:$0x380];
	v11 =	vbroadcast v7, $0x8;
	v18 =	vbroadcast v7, $0x9  }
0x43: {  	v1 =	vimm.f32 $0.0e+00;
	v14 =	vld [tilespmem:$0x500];
	v9 =	vbroadcast v7, $0xC;
	v10 =	vbroadcast v7, $0xD  }
0x44: {  	s20 =	simm.s32 $0x0;
	s18 =	simm.s32 $0x9480;
	v20 =	vbroadcast v7, $0xA;
	v15 =	vmul.f32 v2, v11;
	v11 =	vld [tilespmem:$0x700];
	v2 =	vimm.f32 $0.0e+00  }
.LBB2_3:
0x45: {  	s20 =	sadd.s32 $0x2, s20;
	v16 =	vmul.f32 v16, v17;
	v13 =	vmul.f32 v13, v19;
	v17 =	vld [tilespmem:$0x680];
	s19 =	sadd.s32 $0x100, s19;
	s17 =	sadd.s32 $0x100, s17  }
0x46: {  	v21 =	vbroadcast v7, $0x6;
	v12 =	vmul.f32 v12, v18;
	p0 =	slt.u32 s20, $0xFE;
	v19 =	vld [tilespmem:$0x280]  }
0x47: {  	v18 =	vbroadcast v7, $0x2;
	v23 =	vbroadcast v7, $0x7;
	v22 =	vld [tilespmem:$0x300]  }
0x48: {  	v12 =	vadd.f32 v12, v15;
	v14 =	vmul.f32 v14, v20;
	v15 =	vld [tilespmem:$0x600];
	v20 =	vbroadcast v7, $0xE  }
0x49: {  	v25 =	vbroadcast v7, $0x3;
	v26 =	vbroadcast v7, $0xF;
	v24 =	vld [tilespmem:$0x80]  }
0x4a: {  	v7 =	vbroadcast v7, $0xB;
	v27 =	vld [tilespmem:$0x100];
	v12 =	vadd.f32 v14, v12  }
0x4b: {  	v8 =	vmul.f32 v19, v8;
	v14 =	vld [tilespmem:$0x780]  }
0x4c: {  	v11 =	vmul.f32 v11, v20;
	v19 =	vld [tilespmem:$0x180];
	v21 =	vmul.f32 v22, v21  }
0x4d: {  	v10 =	vmul.f32 v17, v10;
	v8 =	vadd.f32 v8, v13;
	v13 =	vld [tilespmem:$0x580];
	v9 =	vmul.f32 v15, v9  }
0x4e: {  	v6 =	vmul.f32 v6, v23;
	v5 =	vmul.f32 v24, v5  }
0x4f: {  	v15 =	vmul.f32 v27, v18;
	v8 =	vadd.f32 v21, v8;
	v9 =	vadd.f32 v10, v9  }
0x50: {  	v5 =	vadd.f32 v5, v16;
	v10 =	vmul.f32 v14, v26  }
0x51: {  	v14 =	vmul.f32 v19, v25;
	v6 =	vadd.f32 v6, v8;
	v8 =	vadd.f32 v11, v9  }
0x52: {  	v5 =	vadd.f32 v15, v5;
	v7 =	vmul.f32 v13, v7  }
0x53: {  	v8 =	vadd.f32 v10, v8  }
0x54: {  	v5 =	vadd.f32 v14, v5;
	v7 =	vadd.f32 v7, v12;
	_ =	sdelay $0x1  }
0x55: {  	v5 =	vadd.f32 v6, v5;
	v6 =	vadd.f32 v8, v7;
	_ =	sdelay $0x1  }
0x56: {  	v1 =	vadd.f32 v3, v1;
	v3 =	vadd.f32 v6, v5;
	_ =	sdelay $0x1  }
0x57: {  	v2 =	vadd.f32 v4, v2;
	[tilespmem:s18+$0x0] =	vst v3;
	v1 =	vadd.f32 v3, v1;
	v3 =	vmul.f32 v3, v3;
	s18 =	smov.u32 s19  }
0x58: {  	v4 =	vld [tilespmem:s17+$0xFFFFFF80]  }
0x59: {  	v5 =	vld [tilespmem:$0x700];
	v2 =	vadd.f32 v3, v2  }
0x5a: {  	v3 =	vld [tilespmem:$0x0]  }
0x5b: {  	v6 =	vld [tilespmem:$0x200]  }
0x5c: {  	v7 =	vld [tilespmem:$0x480]  }
0x5d: {  	v8 =	vbroadcast v4, $0x0;
	v9 =	vld [tilespmem:$0x680];
	v10 =	vbroadcast v4, $0xF  }
0x5e: {  	v11 =	vbroadcast v4, $0x3;
	v12 =	vbroadcast v4, $0x4;
	v13 =	vld [tilespmem:$0x280]  }
0x5f: {  	v3 =	vmul.f32 v8, v3;
	v8 =	vbroadcast v4, $0xA;
	v14 =	vld [tilespmem:$0x600]  }
0x60: {  	v15 =	vbroadcast v4, $0x2;
	v6 =	vmul.f32 v6, v12;
	v12 =	vld [tilespmem:$0x300]  }
0x61: {  	v17 =	vbroadcast v4, $0x5;
	v18 =	vbroadcast v4, $0x6;
	v16 =	vld [tilespmem:$0x80]  }
0x62: {  	v20 =	vbroadcast v4, $0x7;
	v21 =	vbroadcast v4, $0xD;
	v19 =	vld [tilespmem:$0x380]  }
0x63: {  	v22 =	vld [tilespmem:$0x100];
	v13 =	vmul.f32 v13, v17;
	v17 =	vbroadcast v4, $0xE  }
0x64: {  	v23 =	vbroadcast v4, $0x1;
	v25 =	vbroadcast v4, $0x8;
	v24 =	vld [tilespmem:$0x400]  }
0x65: {  	v9 =	vmul.f32 v9, v21;
	v26 =	vld [tilespmem:$0x180];
	v6 =	vadd.f32 v13, v6;
	v12 =	vmul.f32 v12, v18  }
0x66: {  	v13 =	vmul.f32 v16, v23;
	v16 =	vbroadcast v4, $0x9;
	v18 =	vld [tilespmem:$0x500]  }
0x67: {  	v6 =	vadd.f32 v12, v6;
	v12 =	vmul.f32 v19, v20;
	v19 =	vbroadcast v4, $0xC;
	v20 =	vld [tilespmem:$0x780]  }
0x68: {  	v3 =	vadd.f32 v13, v3;
	v13 =	vmul.f32 v22, v15;
	v7 =	vmul.f32 v7, v16;
	v15 =	vld [tilespmem:$0x580]  }
0x69: {  	v5 =	vmul.f32 v5, v17;
	v6 =	vadd.f32 v12, v6;
	v12 =	vmul.f32 v14, v19  }
0x6a: {  	v3 =	vadd.f32 v13, v3;
	v11 =	vmul.f32 v26, v11;
	v13 =	vmul.f32 v24, v25  }
0x6b: {  	v4 =	vbroadcast v4, $0xB;
	v8 =	vmul.f32 v18, v8;
	v9 =	vadd.f32 v9, v12  }
0x6c: {  	v3 =	vadd.f32 v11, v3;
	v7 =	vadd.f32 v7, v13  }
0x6d: {  	v4 =	vmul.f32 v15, v4;
	v5 =	vadd.f32 v5, v9;
	v9 =	vmul.f32 v20, v10  }
0x6e: {  	v7 =	vadd.f32 v8, v7;
	v3 =	vadd.f32 v6, v3  }
0x6f: {  	v5 =	vadd.f32 v9, v5  }
0x70: {  	v4 =	vadd.f32 v4, v7;
	_ =	sdelay $0x1  }
0x71: {  	v4 =	vadd.f32 v5, v4;
	_ =	sdelay $0x1  }
0x72: {  	v3 =	vadd.f32 v4, v3;
	_ =	sdelay $0x1  }
0x73: {  	[tilespmem:s19+$0xFFFFFF80] =	vst v3;
	v4 =	vmul.f32 v3, v3  }
0x74: {  	v7 =	vld [tilespmem:s17+$0x0];
	_ =	sdelay $0x1  }
0x75: {  	v13 =	vld [tilespmem:$0x200]  }
0x76: {  	v12 =	vld [tilespmem:$0x480]  }
0x77: {  	v11 =	vld [tilespmem:$0x400]  }
.Ltmp1:
0x78: {  	v17 =	vld [tilespmem:$0x0];
	v16 =	vbroadcast v7, $0x0;
	v5 =	vbroadcast v7, $0x1;
	(pc) =	sbr.rel @p0 .LBB2_3-.Ltmp1, $4  }
0x79: {  	v19 =	vbroadcast v7, $0x4;
	v8 =	vbroadcast v7, $0x5  }
0x7a: {  	v15 =	vbroadcast v7, $0x8;
	v18 =	vbroadcast v7, $0x9;
	v6 =	vld [tilespmem:$0x380]  }
0x7b: {  	v9 =	vbroadcast v7, $0xC;
	v10 =	vbroadcast v7, $0xD;
	v14 =	vld [tilespmem:$0x500]  }
0x7c: {  	v20 =	vbroadcast v7, $0xA;
	v15 =	vmul.f32 v11, v15;
	v11 =	vld [tilespmem:$0x700]  }
0x7d: {  	v21 =	vld [tilespmem:$0x680]  }
0x7e: {  	v22 =	vld [tilespmem:$0x280]  }
0x7f: {  	v16 =	vmul.f32 v16, v17;
	v13 =	vmul.f32 v13, v19;
	v17 =	vld [tilespmem:$0x300]  }
0x80: {  	v19 =	vbroadcast v7, $0x6;
	v12 =	vmul.f32 v12, v18;
	v18 =	vld [tilespmem:$0x600]  }
0x81: {  	v23 =	vbroadcast v7, $0x2;
	v24 =	vbroadcast v7, $0x7;
	v25 =	vld [tilespmem:$0x80]  }
0x82: {  	v26 =	vld [tilespmem:$0x100];
	v27 =	vbroadcast v7, $0x3;
	v28 =	vbroadcast v7, $0xF  }
0x83: {  	v29 =	vld [tilespmem:$0x780];
	v6 =	vmul.f32 v6, v24;
	v14 =	vmul.f32 v14, v20  }
0x84: {  	v12 =	vadd.f32 v12, v15;
	v15 =	vld [tilespmem:$0x180];
	v20 =	vbroadcast v7, $0xE;
	v8 =	vmul.f32 v22, v8  }
0x85: {  	v22 =	vld [tilespmem:$0x580];
	v9 =	vmul.f32 v18, v9;
	v10 =	vmul.f32 v21, v10  }
0x86: {  	v12 =	vadd.f32 v14, v12;
	v14 =	vmul.f32 v17, v19;
	v5 =	vmul.f32 v25, v5  }
0x87: {  	v11 =	vmul.f32 v11, v20;
	v8 =	vadd.f32 v8, v13;
	v9 =	vadd.f32 v10, v9  }
0x88: {  	v7 =	vbroadcast v7, $0xB;
	v10 =	vmul.f32 v26, v23;
	v5 =	vadd.f32 v5, v16  }
0x89: {  	v13 =	vmul.f32 v29, v28;
	v8 =	vadd.f32 v14, v8;
	v9 =	vadd.f32 v11, v9  }
0x8a: {  	v11 =	vmul.f32 v15, v27;
	v5 =	vadd.f32 v10, v5;
	v7 =	vmul.f32 v22, v7  }
0x8b: {  	v6 =	vadd.f32 v6, v8;
	v8 =	vadd.f32 v13, v9  }
0x8c: {  	v5 =	vadd.f32 v11, v5;
	v7 =	vadd.f32 v7, v12;
	_ =	sdelay $0x1  }
0x8d: {  	v5 =	vadd.f32 v6, v5;
	v6 =	vadd.f32 v8, v7;
	_ =	sdelay $0x1  }
0x8e: {  	v1 =	vadd.f32 v3, v1;
	v3 =	vadd.f32 v6, v5;
	_ =	sdelay $0x1  }
0x8f: {  	v2 =	vadd.f32 v4, v2;
	v1 =	vadd.f32 v3, v1;
	v4 =	vmul.f32 v3, v3;
	_ =	sdelay $0x1  }
0x90: {  	v2 =	vadd.f32 v4, v2;
	v37 =	vmul.f32 $3.906250000e-03, v1;
	_ =	sdelay $0x1  }
0x91: {  	v1 =	vmul.f32 $3.906250000e-03, v2;
	v2 =	vmul.f32 v37, v37;
	_ =	sdelay $0x1  }
0x92: {  	v1 =	vsub.f32 v1, v2;
	_ =	sdelay $0x1  }
0x93: {  	v1 =	vadd.f32 $9.999999740e-06, v1;
	_ =	sdelay $0x1  }
0x94: {  	v2 =	vshra.s32 v1, $0x1;
	v1 =	vmul.f32 $5.000000000e-01, v1  }
0x95: {  	v2 =	vsub.s32 $0x5F3759DF, v2  }
0x96: {  	v4 =	vmul.f32 v2, v1;
	_ =	sdelay $0x1  }
0x97: {  	v4 =	vmul.f32 v2, v4;
	_ =	sdelay $0x1  }
0x98: {  	v4 =	vsub.f32 $1.500000000e+00, v4;
	_ =	sdelay $0x1  }
0x99: {  	s31 =	simm.s32 $0x8810;
	[tilespmem:s18+$0x0] =	vst v3;
	v2 =	vmul.f32 v2, v4  }
0x9a: {  	v16 =	vld [tilespmem:s31+$0x0]  }
0x9b: {  	v4 =	vmul.f32 v2, v1  }
0x9c: {  	v5 =	vld [tilespmem:s31+$0xFFFFFFF0]  }
0x9d: {  	v4 =	vmul.f32 v4, v2;
	_ =	sdelay $0x1  }
0x9e: {  	v18 =	vbroadcast v16, $0xE;
	v19 =	vbroadcast v16, $0x8;
	v4 =	vsub.f32 $1.500000000e+00, v4  }
0x9f: {  	v24 =	vbroadcast v16, $0x4;
	v9 =	vbroadcast v16, $0xF  }
0xa0: {  	v6 =	vbroadcast v5, $0xF;
	v2 =	vmul.f32 v4, v2  }
0xa1: {  	v26 =	vbroadcast v16, $0xB;
	v8 =	vbroadcast v5, $0x3  }
0xa2: {  	s17 =	simm.s32 $0x9500;
	v20 =	vbroadcast v16, $0xA;
	v1 =	vmul.f32 v2, v1  }
0xa3: {  	v3 =	vld [tilespmem:s17+$0xFFFFFF00];
	v12 =	vbroadcast v5, $0x4;
	v30 =	vbroadcast v16, $0x9  }
0xa4: {  	v32 =	vbroadcast v16, $0x3;
	v1 =	vmul.f32 v1, v2  }
0xa5: {  	v10 =	vbroadcast v16, $0xC;
	v29 =	vbroadcast v16, $0xD  }
0xa6: {  	v13 =	vbroadcast v5, $0x9;
	v23 =	vbroadcast v16, $0x2;
	v4 =	vld [tilespmem:s17+$0x80];
	v1 =	vsub.f32 $1.500000000e+00, v1  }
0xa7: {  	v17 =	vbroadcast v5, $0x1;
	v21 =	vbroadcast v16, $0x6  }
0xa8: {  	v22 =	vbroadcast v16, $0x5;
	v38 =	vmul.f32 v1, v2;
	v1 =	vsub.f32 v3, v37;
	v3 =	vld [tilespmem:s17+$0x0]  }
0xa9: {  	v25 =	vbroadcast v5, $0x6;
	v33 =	vbroadcast v5, $0xB;
	v2 =	vld [tilespmem:s17+$0xFFFFFF80]  }
0xaa: {  	v34 =	vbroadcast v5, $0x5;
	v36 =	vbroadcast v5, $0x2  }
0xab: {  	v27 =	vbroadcast v5, $0x0;
	v4 =	vsub.f32 v4, v37;
	v1 =	vmul.f32 v1, v38  }
0xac: {  	v39 =	vbroadcast v5, $0xE;
	v63 =	vbroadcast v5, $0xA  }
0xad: {  	v31 =	vmul.f32 v4, v38;
	v7 =	vmax.f32 v1, $0.0e+00;
	v3 =	vsub.f32 v3, v37  }
0xae: {  	v2 =	vsub.f32 v2, v37;
	v1 =	vmul.f32 v7, v8;
	v8 =	vbroadcast v16, $0x7  }
0xaf: {  	v35 =	vmul.f32 v7, v25;
	v3 =	vmul.f32 v3, v38  }
0xb0: {  	v25 =	vbroadcast v16, $0x0;
	v2 =	vmul.f32 v2, v38  }
0xb1: {  	v61 =	vmul.f32 v7, v34;
	v36 =	vmul.f32 v7, v36;
	v14 =	vmax.f32 v3, $0.0e+00  }
0xb2: {  	v3 =	vbroadcast v16, $0x1;
	v15 =	vmax.f32 v2, $0.0e+00;
	v2 =	vbroadcast v5, $0xD  }
0xb3: {  	v4 =	vmul.f32 v14, v8;
	v8 =	vmul.f32 v15, v6  }
0xb4: {  	v6 =	vmul.f32 v14, v22;
	v23 =	vmul.f32 v14, v23  }
0xb5: {  	v22 =	vmax.f32 v31, $0.0e+00;
	v16 =	vmul.f32 v15, v33;
	v31 =	vbroadcast v5, $0xC  }
0xb6: {  	v28 =	vimm.f32 $0.0e+00;
	v34 =	vmul.f32 v15, v63;
	v11 =	vmul.f32 v14, v3  }
0xb7: {  	v1 =	vadd.f32 v1, v28;
	v3 =	vmul.f32 v22, v29;
	v29 =	vmul.f32 v15, v2  }
0xb8: {  	v60 =	vadd.f32 v35, v28;
	v2 =	vmul.f32 v22, v30;
	v30 =	vmul.f32 v15, v39  }
0xb9: {  	v20 =	vmul.f32 v22, v20;
	v1 =	vadd.f32 v16, v1;
	v16 =	vmul.f32 v14, v32  }
0xba: {  	v33 =	vadd.f32 v61, v28;
	v26 =	vmul.f32 v22, v26;
	v19 =	vmul.f32 v22, v19  }
0xbb: {  	v32 =	vimm.f32 $0.0e+00;
	v35 =	vadd.f32 v30, v60;
	v1 =	vadd.f32 v16, v1  }
0xbc: {  	v30 =	vimm.f32 $0.0e+00;
	v16 =	vmul.f32 v14, v24;
	v24 =	vmul.f32 v22, v18  }
0xbd: {  	s19 =	simm.s32 $0x8830;
	s18 =	simm.s32 $0x9700;
	s17 =	simm.s32 $0x0;
	v18 =	vimm.f32 $0.0e+00;
	v1 =	vadd.f32 v26, v1;
	v26 =	vimm.f32 $0.0e+00  }
.LBB2_5:
0xbe: {  	v39 =	vld [tilespmem:s18+$0xFFFFFF00];
	s17 =	sadd.s32 $0x2, s17;
	v28 =	vadd.f32 v36, v28;
	v36 =	vbroadcast v5, $0x7;
	v40 =	vmul.f32 v22, v10  }
0xbf: {  	v41 =	vbroadcast v5, $0x8;
	v5 =	vmul.f32 v14, v21;
	v10 =	vld [tilespmem:s18+$0x0];
	p0 =	slt.u32 s17, $0x7E  }
0xc0: {  	v12 =	vmul.f32 v7, v12;
	v43 =	vmul.f32 v22, v9;
	v42 =	vld [tilespmem:s19+$0x0]  }
0xc1: {  	v21 =	vmul.f32 v7, v27;
	v22 =	vmul.f32 v15, v31;
	v27 =	vadd.f32 v5, v35;
	v9 =	vld [tilespmem:s18+$0x80]  }
0xc2: {  	v17 =	vmul.f32 v7, v17;
	v13 =	vmul.f32 v15, v13;
	v12 =	vadd.f32 v12, v32;
	v5 =	vld [tilespmem:s19+$0xFFFFFFF0]  }
0xc3: {  	v15 =	vmul.f32 v15, v41;
	v28 =	vadd.f32 v34, v28;
	v31 =	vsub.f32 v39, v37  }
0xc4: {  	v14 =	vmul.f32 v14, v25;
	v22 =	vadd.f32 v22, v12;
	v32 =	vsub.f32 v10, v37  }
0xc5: {  	v25 =	vadd.f32 v29, v33;
	v10 =	vmul.f32 v31, v38;
	v12 =	vld [tilespmem:s18+$0xFFFFFF80];
	v34 =	vbroadcast v42, $0xE  }
0xc6: {  	v23 =	vadd.f32 v23, v28;
	v39 =	vbroadcast v42, $0x8;
	v29 =	vsub.f32 v9, v37  }
0xc7: {  	v33 =	vbroadcast v42, $0x4;
	v9 =	vbroadcast v42, $0xF;
	v28 =	vmax.f32 v10, $0.0e+00  }
0xc8: {  	v21 =	vadd.f32 v21, v26;
	v41 =	vbroadcast v42, $0xB;
	v31 =	vbroadcast v5, $0xF  }
0xc9: {  	v17 =	vadd.f32 v17, v30;
	v35 =	vbroadcast v42, $0xA;
	v26 =	vbroadcast v5, $0x3  }
0xca: {  	v44 =	vbroadcast v42, $0x9;
	v30 =	vsub.f32 v12, v37;
	v12 =	vbroadcast v5, $0x4  }
0xcb: {  	v17 =	vadd.f32 v13, v17;
	v45 =	vbroadcast v42, $0x3;
	v10 =	vbroadcast v42, $0xC  }
0xcc: {  	v47 =	vadd.f32 v15, v21;
	v46 =	vbroadcast v42, $0xD;
	v30 =	vmul.f32 v30, v38  }
0xcd: {  	v49 =	vadd.f32 v11, v17;
	v48 =	vbroadcast v42, $0x2;
	v13 =	vbroadcast v5, $0x9  }
0xce: {  	v11 =	vmul.f32 v32, v38;
	v15 =	vmax.f32 v30, $0.0e+00;
	v30 =	vmul.f32 v7, v36;
	v7 =	vmovc v28  }
0xcf: {  	v21 =	vbroadcast v42, $0x6;
	v32 =	vadd.f32 v14, v47;
	v17 =	vbroadcast v5, $0x1  }
0xd0: {  	v24 =	vadd.f32 v24, v27;
	v14 =	vmax.f32 v11, $0.0e+00;
	v26 =	vmul.f32 v7, v26  }
0xd1: {  	v11 =	vbroadcast v42, $0x7;
	v36 =	vbroadcast v42, $0x5;
	v28 =	vadd.f32 v20, v23  }
0xd2: {  	v20 =	vmul.f32 v29, v38;
	v23 =	vbroadcast v42, $0x1;
	v1 =	vadd.f32 v26, v1  }
0xd3: {  	v47 =	vmul.f32 v14, v11;
	v29 =	vbroadcast v5, $0x6;
	v11 =	vadd.f32 v30, v18  }
0xd4: {  	v16 =	vadd.f32 v16, v22;
	v50 =	vbroadcast v5, $0x5;
	v30 =	vbroadcast v5, $0xB  }
0xd5: {  	v51 =	vbroadcast v5, $0x2;
	v18 =	vadd.f32 v8, v11;
	v8 =	vmul.f32 v15, v31  }
0xd6: {  	v22 =	vmax.f32 v20, $0.0e+00;
	v26 =	vadd.f32 v19, v32;
	v11 =	vmul.f32 v14, v23  }
0xd7: {  	v27 =	vbroadcast v5, $0x0;
	v19 =	vmul.f32 v7, v29;
	v18 =	vadd.f32 v4, v18;
	v4 =	vmovc v47  }
0xd8: {  	v20 =	vbroadcast v5, $0xE;
	v29 =	vadd.f32 v6, v25;
	v6 =	vmul.f32 v14, v36  }
0xd9: {  	v25 =	vbroadcast v42, $0x0;
	v23 =	vmul.f32 v14, v48;
	v18 =	vadd.f32 v43, v18  }
0xda: {  	v32 =	vadd.f32 v40, v16;
	v30 =	vmul.f32 v15, v30;
	v31 =	vbroadcast v5, $0xD  }
0xdb: {  	v19 =	vadd.f32 v19, v24;
	v24 =	vadd.f32 v3, v29;
	v3 =	vmul.f32 v22, v46  }
0xdc: {  	v16 =	vmul.f32 v22, v44;
	v1 =	vadd.f32 v30, v1;
	v29 =	vmul.f32 v15, v31  }
0xdd: {  	v36 =	vmul.f32 v14, v45;
	v31 =	vbroadcast v5, $0xC;
	v30 =	vadd.f32 v2, v49  }
.Ltmp2:
0xde: {  	v40 =	vmul.f32 v15, v20;
	v20 =	vmul.f32 v22, v35;
	v2 =	vmov v16;
	(pc) =	sbr.rel @p0 .LBB2_5-.Ltmp2, $4  }
0xdf: {  	v42 =	vmul.f32 v7, v50;
	v16 =	vmul.f32 v14, v33;
	v1 =	vadd.f32 v36, v1  }
0xe0: {  	v35 =	vadd.f32 v40, v19;
	v40 =	vmul.f32 v22, v41;
	v43 =	vbroadcast v5, $0xA  }
0xe1: {  	v33 =	vadd.f32 v42, v24;
	v24 =	vmul.f32 v22, v34;
	v36 =	vmul.f32 v7, v51  }
0xe2: {  	s19 =	sadd.s32 $0x20, s19;
	s18 =	sadd.s32 $0x200, s18;
	v19 =	vmul.f32 v22, v39;
	v34 =	vmul.f32 v15, v43;
	v1 =	vadd.f32 v40, v1  }
0xe3: {  	v37 =	vld [tilespmem:$0x9000];
	_ =	sdelay $0x4  }
0xe4: {  	v38 =	vand.u32 $0x7FFFFF, v37  }
0xe5: {  	v38 =	vor.u32 $0x3F800000, v38  }
0xe6: {  	v39 =	vmul.f32 $5.000000000e-01, v38  }
0xe7: {  	vm0 =	vgt.f32 v38, $1.414213540e+00  }
0xe8: {  	v38 =	vsel vm0, v39, v38  }
0xe9: {  	v39 =	vadd.f32 $1.000000000e+00, v38;
	_ =	sdelay $0x1  }
0xea: {  	(erf) = vrcp.f32 v39;
	_ =	sdelay $0x7  }
0xeb: {  	v38 =	vadd.f32 $-1.000000000e+00, v38  }
0xec: {  	v39 =	vpop (erf)  }
0xed: {  	v38 =	vmul.f32 v39, v38;
	_ =	sdelay $0x1  }
0xee: {  	v39 =	vmul.f32 v38, v38;
	_ =	sdelay $0x1  }
0xef: {  	v40 =	vmul.f32 $2.857142980e-01, v39;
	_ =	sdelay $0x1  }
0xf0: {  	v40 =	vadd.f32 $4.000000060e-01, v40;
	_ =	sdelay $0x1  }
0xf1: {  	v40 =	vmul.f32 v40, v39;
	_ =	sdelay $0x1  }
0xf2: {  	v40 =	vadd.f32 $6.666666860e-01, v40  }
0xf3: {  	v37 =	vshrl.u32 v37, $0x17;
	v41 =	vsel vm0, $0x1, v62  }
0xf4: {  	v37 =	vadd.s32 v41, v37;
	v39 =	vmul.f32 v40, v39  }
0xf5: {  	v37 =	vadd.s32 $0xFFFFFF81, v37  }
0xf6: {  	v37 =	vcvt.s32.f32 v37;
	v39 =	vadd.f32 $2.000000000e+00, v39;
	_ =	sdelay $0x1  }
0xf7: {  	v37 =	vmul.f32 $6.931471820e-01, v37;
	v38 =	vmul.f32 v39, v38;
	_ =	sdelay $0x1  }
0xf8: {  	v63 =	vld [tilespmem:$0x9080];
	v37 =	vadd.f32 v38, v37;
	_ =	sdelay $0x1  }
0xf9: {  	v0 =	vsub.f32 $0.0e+00, v37;
	_ =	sdelay $0x1  }
0xfa: {  	v46 =	vand.u32 $0x7FFFFF, v0  }
0xfb: {  	v47 =	vand.u32 $0x7FFFFF, v63;
	v39 =	vor.u32 $0x3F800000, v46  }
0xfc: {  	v40 =	vor.u32 $0x3F800000, v47;
	v48 =	vmul.f32 $5.000000000e-01, v39  }
0xfd: {  	v42 =	vmul.f32 $5.000000000e-01, v40;
	vm14 =	vgt.f32 v39, $1.414213540e+00  }
0xfe: {  	vm1 =	vgt.f32 v40, $1.414213540e+00;
	v50 =	vsel vm14, v48, v39  }
0xff: {  	v40 =	vsel vm1, v42, v40;
	v39 =	vadd.f32 $1.000000000e+00, v50  }
0x100: {  	v49 =	vadd.f32 $1.000000000e+00, v40  }
0x101: {  	(erf) = vrcp.f32 v39  }
0x102: {  	(erf) = vrcp.f32 v49;
	_ =	sdelay $0x7  }
0x103: {  	v51 =	vadd.f32 $-1.000000000e+00, v40;
	v46 =	vpop (erf)  }
0x104: {  	v52 =	vpop (erf)  }
0x105: {  	v39 =	vmul.f32 v52, v51;
	_ =	sdelay $0x1  }
0x106: {  	v40 =	vmul.f32 v39, v39;
	_ =	sdelay $0x1  }
0x107: {  	v53 =	vmul.f32 $2.857142980e-01, v40;
	_ =	sdelay $0x1  }
0x108: {  	v41 =	vadd.f32 $4.000000060e-01, v53;
	_ =	sdelay $0x1  }
0x109: {  	v41 =	vmul.f32 v41, v40;
	_ =	sdelay $0x1  }
0x10a: {  	v41 =	vadd.f32 $6.666666860e-01, v41  }
0x10b: {  	v54 =	vsel vm1, $0x1, v62;
	v38 =	vshrl.u32 v63, $0x17  }
0x10c: {  	v38 =	vadd.s32 v54, v38;
	v40 =	vmul.f32 v41, v40  }
0x10d: {  	v38 =	vadd.s32 $0xFFFFFF81, v38  }
0x10e: {  	v38 =	vcvt.s32.f32 v38;
	v40 =	vadd.f32 $2.000000000e+00, v40;
	_ =	sdelay $0x1  }
0x10f: {  	v38 =	vmul.f32 $6.931471820e-01, v38;
	v39 =	vmul.f32 v40, v39;
	_ =	sdelay $0x1  }
0x110: {  	v55 =	vld [tilespmem:$0x9100];
	v38 =	vadd.f32 v39, v38;
	_ =	sdelay $0x1  }
0x111: {  	v38 =	vsub.f32 $0.0e+00, v38;
	_ =	sdelay $0x1  }
0x112: {  	v56 =	vand.u32 $0x7FFFFF, v38  }
0x113: {  	v57 =	vand.u32 $0x7FFFFF, v55;
	v40 =	vor.u32 $0x3F800000, v56  }
0x114: {  	v43 =	vor.u32 $0x3F800000, v57;
	v58 =	vmul.f32 $5.000000000e-01, v40  }
0x115: {  	v44 =	vmul.f32 $5.000000000e-01, v43;
	vm15 =	vgt.f32 v40, $1.414213540e+00  }
0x116: {  	vm2 =	vgt.f32 v43, $1.414213540e+00;
	v41 =	vsel vm15, v58, v40  }
0x117: {  	v59 =	vsel vm2, v44, v43;
	v40 =	vadd.f32 $1.000000000e+00, v41  }
0x118: {  	v43 =	vadd.f32 $1.000000000e+00, v59  }
0x119: {  	(erf) = vrcp.f32 v40  }
0x11a: {  	(erf) = vrcp.f32 v43;
	_ =	sdelay $0x7  }
0x11b: {  	v60 =	vadd.f32 $-1.000000000e+00, v59;
	v43 =	vpop (erf)  }
0x11c: {  	v61 =	vpop (erf)  }
0x11d: {  	v40 =	vmul.f32 v61, v60;
	_ =	sdelay $0x1  }
0x11e: {  	v42 =	vmul.f32 v40, v40;
	_ =	sdelay $0x1  }
0x11f: {  	v63 =	vmul.f32 $2.857142980e-01, v42;
	_ =	sdelay $0x1  }
0x120: {  	v44 =	vadd.f32 $4.000000060e-01, v63;
	_ =	sdelay $0x1  }
0x121: {  	v44 =	vmul.f32 v44, v42;
	_ =	sdelay $0x1  }
0x122: {  	v44 =	vadd.f32 $6.666666860e-01, v44  }
0x123: {  	v45 =	vsel vm2, $0x1, v62;
	v39 =	vshrl.u32 v55, $0x17  }
0x124: {  	v39 =	vadd.s32 v45, v39;
	v42 =	vmul.f32 v44, v42  }
0x125: {  	v39 =	vadd.s32 $0xFFFFFF81, v39  }
0x126: {  	v39 =	vcvt.s32.f32 v39;
	v42 =	vadd.f32 $2.000000000e+00, v42;
	_ =	sdelay $0x1  }
0x127: {  	v39 =	vmul.f32 $6.931471820e-01, v39;
	v40 =	vmul.f32 v42, v40;
	_ =	sdelay $0x1  }
0x128: {  	[tilespmem:$0x1FFF0] =	vst v0;
	v0 =	vld [tilespmem:$0x9180];
	v39 =	vadd.f32 v40, v39;
	_ =	sdelay $0x1  }
0x129: {  	v39 =	vsub.f32 $0.0e+00, v39;
	_ =	sdelay $0x1  }
0x12a: {  	v51 =	vand.u32 $0x7FFFFF, v39  }
0x12b: {  	v52 =	vand.u32 $0x7FFFFF, v0;
	v42 =	vor.u32 $0x3F800000, v51  }
0x12c: {  	v44 =	vor.u32 $0x3F800000, v52;
	v53 =	vmul.f32 $5.000000000e-01, v42  }
0x12d: {  	v47 =	vmul.f32 $5.000000000e-01, v44;
	vm9 =	vgt.f32 v42, $1.414213540e+00  }
0x12e: {  	vm3 =	vgt.f32 v44, $1.414213540e+00;
	v45 =	vsel vm9, v53, v42  }
0x12f: {  	v44 =	vsel vm3, v47, v44;
	v42 =	vadd.f32 $1.000000000e+00, v45  }
0x130: {  	v47 =	vadd.f32 $1.000000000e+00, v44  }
0x131: {  	(erf) = vrcp.f32 v42  }
0x132: {  	(erf) = vrcp.f32 v47;
	_ =	sdelay $0x7  }
0x133: {  	v54 =	vadd.f32 $-1.000000000e+00, v44;
	v47 =	vpop (erf)  }
0x134: {  	v55 =	vpop (erf)  }
0x135: {  	v42 =	vmul.f32 v55, v54;
	_ =	sdelay $0x1  }
0x136: {  	v44 =	vmul.f32 v42, v42;
	_ =	sdelay $0x1  }
0x137: {  	v48 =	vmul.f32 $2.857142980e-01, v44;
	_ =	sdelay $0x1  }
0x138: {  	v48 =	vadd.f32 $4.000000060e-01, v48;
	_ =	sdelay $0x1  }
0x139: {  	v48 =	vmul.f32 v48, v44;
	_ =	sdelay $0x1  }
0x13a: {  	v48 =	vadd.f32 $6.666666860e-01, v48  }
0x13b: {  	v49 =	vsel vm3, $0x1, v62;
	v40 =	vshrl.u32 v0, $0x17  }
0x13c: {  	v40 =	vadd.s32 v49, v40;
	v44 =	vmul.f32 v48, v44  }
0x13d: {  	v40 =	vadd.s32 $0xFFFFFF81, v40  }
0x13e: {  	v40 =	vcvt.s32.f32 v40;
	v44 =	vadd.f32 $2.000000000e+00, v44;
	_ =	sdelay $0x1  }
0x13f: {  	v40 =	vmul.f32 $6.931471820e-01, v40;
	v42 =	vmul.f32 v44, v42;
	_ =	sdelay $0x1  }
0x140: {  	v56 =	vld [tilespmem:$0x9200];
	v40 =	vadd.f32 v42, v40;
	_ =	sdelay $0x1  }
0x141: {  	v40 =	vsub.f32 $0.0e+00, v40;
	_ =	sdelay $0x1  }
0x142: {  	v57 =	vand.u32 $0x7FFFFF, v40  }
0x143: {  	v58 =	vand.u32 $0x7FFFFF, v56;
	v44 =	vor.u32 $0x3F800000, v57  }
0x144: {  	v51 =	vor.u32 $0x3F800000, v58;
	v59 =	vmul.f32 $5.000000000e-01, v44  }
0x145: {  	v52 =	vmul.f32 $5.000000000e-01, v51;
	vm10 =	vgt.f32 v44, $1.414213540e+00  }
0x146: {  	vm4 =	vgt.f32 v51, $1.414213540e+00;
	v48 =	vsel vm10, v59, v44  }
0x147: {  	v51 =	vsel vm4, v52, v51;
	v44 =	vadd.f32 $1.000000000e+00, v48  }
0x148: {  	v60 =	vadd.f32 $1.000000000e+00, v51  }
0x149: {  	(erf) = vrcp.f32 v44  }
0x14a: {  	(erf) = vrcp.f32 v60;
	_ =	sdelay $0x7  }
0x14b: {  	v61 =	vadd.f32 $-1.000000000e+00, v51;
	v49 =	vpop (erf)  }
0x14c: {  	v63 =	vpop (erf)  }
0x14d: {  	v44 =	vmul.f32 v63, v61;
	_ =	sdelay $0x1  }
0x14e: {  	v51 =	vmul.f32 v44, v44;
	_ =	sdelay $0x1  }
0x14f: {  	v0 =	vmul.f32 $2.857142980e-01, v51;
	_ =	sdelay $0x1  }
0x150: {  	v52 =	vadd.f32 $4.000000060e-01, v0;
	_ =	sdelay $0x1  }
0x151: {  	v52 =	vmul.f32 v52, v51;
	_ =	sdelay $0x1  }
0x152: {  	v52 =	vadd.f32 $6.666666860e-01, v52  }
0x153: {  	v53 =	vsel vm4, $0x1, v62;
	v42 =	vshrl.u32 v56, $0x17  }
0x154: {  	v42 =	vadd.s32 v53, v42;
	v51 =	vmul.f32 v52, v51  }
0x155: {  	v42 =	vadd.s32 $0xFFFFFF81, v42  }
0x156: {  	v42 =	vcvt.s32.f32 v42;
	v51 =	vadd.f32 $2.000000000e+00, v51;
	_ =	sdelay $0x1  }
0x157: {  	v42 =	vmul.f32 $6.931471820e-01, v42;
	v44 =	vmul.f32 v51, v44;
	_ =	sdelay $0x1  }
0x158: {  	v37 =	vld [tilespmem:$0x9280];
	v42 =	vadd.f32 v44, v42;
	_ =	sdelay $0x1  }
0x159: {  	v42 =	vsub.f32 $0.0e+00, v42;
	_ =	sdelay $0x1  }
0x15a: {  	v55 =	vand.u32 $0x7FFFFF, v42  }
0x15b: {  	v56 =	vand.u32 $0x7FFFFF, v37;
	v51 =	vor.u32 $0x3F800000, v55  }
0x15c: {  	v54 =	vor.u32 $0x3F800000, v56;
	v57 =	vmul.f32 $5.000000000e-01, v51  }
0x15d: {  	v55 =	vmul.f32 $5.000000000e-01, v54;
	vm11 =	vgt.f32 v51, $1.414213540e+00  }
0x15e: {  	vm5 =	vgt.f32 v54, $1.414213540e+00;
	v52 =	vsel vm11, v57, v51  }
0x15f: {  	v54 =	vsel vm5, v55, v54;
	v51 =	vadd.f32 $1.000000000e+00, v52  }
0x160: {  	v58 =	vadd.f32 $1.000000000e+00, v54  }
0x161: {  	(erf) = vrcp.f32 v51  }
0x162: {  	(erf) = vrcp.f32 v58;
	_ =	sdelay $0x7  }
0x163: {  	v59 =	vadd.f32 $-1.000000000e+00, v54;
	v53 =	vpop (erf)  }
0x164: {  	v60 =	vpop (erf)  }
0x165: {  	v51 =	vmul.f32 v60, v59;
	_ =	sdelay $0x1  }
0x166: {  	v54 =	vmul.f32 v51, v51;
	_ =	sdelay $0x1  }
0x167: {  	v61 =	vmul.f32 $2.857142980e-01, v54;
	_ =	sdelay $0x1  }
0x168: {  	v55 =	vadd.f32 $4.000000060e-01, v61;
	_ =	sdelay $0x1  }
0x169: {  	v55 =	vmul.f32 v55, v54;
	_ =	sdelay $0x1  }
0x16a: {  	v55 =	vadd.f32 $6.666666860e-01, v55  }
0x16b: {  	v56 =	vsel vm5, $0x1, v62;
	v44 =	vshrl.u32 v37, $0x17  }
0x16c: {  	v44 =	vadd.s32 v56, v44;
	v54 =	vmul.f32 v55, v54  }
0x16d: {  	v44 =	vadd.s32 $0xFFFFFF81, v44  }
0x16e: {  	v44 =	vcvt.s32.f32 v44;
	v54 =	vadd.f32 $2.000000000e+00, v54;
	_ =	sdelay $0x1  }
0x16f: {  	v44 =	vmul.f32 $6.931471820e-01, v44;
	v51 =	vmul.f32 v54, v51;
	_ =	sdelay $0x1  }
0x170: {  	v44 =	vadd.f32 v51, v44;
	v51 =	vld [tilespmem:$0x9300];
	_ =	sdelay $0x1  }
0x171: {  	v44 =	vsub.f32 $0.0e+00, v44;
	_ =	sdelay $0x1  }
0x172: {  	v63 =	vand.u32 $0x7FFFFF, v44  }
0x173: {  	v54 =	vor.u32 $0x3F800000, v63;
	v0 =	vand.u32 $0x7FFFFF, v51  }
0x174: {  	v37 =	vmul.f32 $5.000000000e-01, v54;
	v55 =	vor.u32 $0x3F800000, v0  }
0x175: {  	vm12 =	vgt.f32 v54, $1.414213540e+00;
	v57 =	vmul.f32 $5.000000000e-01, v55  }
0x176: {  	vm6 =	vgt.f32 v55, $1.414213540e+00;
	v54 =	vsel vm12, v37, v54  }
0x177: {  	v56 =	vadd.f32 $1.000000000e+00, v54;
	v57 =	vsel vm6, v57, v55  }
0x178: {  	v55 =	vadd.f32 $1.000000000e+00, v57  }
0x179: {  	(erf) = vrcp.f32 v56  }
0x17a: {  	(erf) = vrcp.f32 v55;
	_ =	sdelay $0x7  }
0x17b: {  	v60 =	vadd.f32 $-1.000000000e+00, v57;
	v55 =	vpop (erf)  }
0x17c: {  	v61 =	vpop (erf)  }
0x17d: {  	v56 =	vmul.f32 v61, v60;
	_ =	sdelay $0x1  }
0x17e: {  	v57 =	vmul.f32 v56, v56;
	_ =	sdelay $0x1  }
0x17f: {  	v58 =	vmul.f32 $2.857142980e-01, v57;
	_ =	sdelay $0x1  }
0x180: {  	v58 =	vadd.f32 $4.000000060e-01, v58;
	_ =	sdelay $0x1  }
0x181: {  	v58 =	vmul.f32 v58, v57;
	_ =	sdelay $0x1  }
0x182: {  	v58 =	vadd.f32 $6.666666860e-01, v58  }
0x183: {  	v51 =	vshrl.u32 v51, $0x17;
	v59 =	vsel vm6, $0x1, v62  }
0x184: {  	v51 =	vadd.s32 v59, v51;
	v57 =	vmul.f32 v58, v57  }
0x185: {  	v51 =	vadd.s32 $0xFFFFFF81, v51  }
0x186: {  	v51 =	vcvt.s32.f32 v51;
	v57 =	vadd.f32 $2.000000000e+00, v57;
	_ =	sdelay $0x1  }
0x187: {  	v51 =	vmul.f32 $6.931471820e-01, v51;
	v56 =	vmul.f32 v57, v56;
	_ =	sdelay $0x1  }
0x188: {  	v58 =	vld [tilespmem:$0x9380];
	v51 =	vadd.f32 v56, v51;
	_ =	sdelay $0x1  }
0x189: {  	v51 =	vsub.f32 $0.0e+00, v51;
	_ =	sdelay $0x1  }
0x18a: {  	v21 =	vmul.f32 v14, v21;
	v28 =	vadd.f32 v36, v28;
	v63 =	vand.u32 $0x7FFFFF, v51  }
0x18b: {  	v12 =	vmul.f32 v7, v12;
	v0 =	vand.u32 $0x7FFFFF, v58;
	v56 =	vor.u32 $0x3F800000, v63  }
0x18c: {  	v60 =	vadd.f32 $-1.000000000e+00, v50;
	v61 =	vor.u32 $0x3F800000, v0;
	v50 =	vmul.f32 $5.000000000e-01, v56  }
0x18d: {  	v36 =	vbroadcast v5, $0x8;
	v63 =	vmul.f32 $5.000000000e-01, v61;
	vm13 =	vgt.f32 v56, $1.414213540e+00  }
0x18e: {  	v59 =	vsel vm14, $0x1, v62;
	vm14 =	vgt.f32 v61, $1.414213540e+00;
	v50 =	vsel vm13, v50, v56  }
0x18f: {  	v27 =	vmul.f32 v7, v27;
	v61 =	vsel vm14, v63, v61;
	v63 =	vadd.f32 $1.000000000e+00, v50  }
0x190: {  	v17 =	vmul.f32 v7, v17;
	v60 =	vmul.f32 v46, v60;
	v46 =	vadd.f32 $1.000000000e+00, v61  }
0x191: {  	v31 =	vmul.f32 v15, v31;
	(erf) = vrcp.f32 v63  }
0x192: {  	v13 =	vmul.f32 v15, v13;
	v17 =	vadd.f32 v17, v30;
	(erf) = vrcp.f32 v46  }
0x193: {  	v29 =	vadd.f32 v29, v33;
	v10 =	vmul.f32 v22, v10;
	v12 =	vadd.f32 v12, v32  }
0x194: {  	v9 =	vmul.f32 v22, v9;
	v26 =	vadd.f32 v27, v26;
	v13 =	vadd.f32 v13, v17;
	v27 =	vld [tilespmem:$0x1FFF0]  }
0x195: {  	v21 =	vadd.f32 v21, v35;
	v28 =	vadd.f32 v34, v28;
	v34 =	vbroadcast v5, $0x7  }
0x196: {  	v12 =	vadd.f32 v31, v12;
	v11 =	vadd.f32 v11, v13;
	v32 =	vmul.f32 v60, v60  }
0x197: {  	v35 =	vmul.f32 v14, v25;
	v23 =	vadd.f32 v23, v28;
	v5 =	vadd.f32 v24, v21  }
0x198: {  	v12 =	vadd.f32 v16, v12;
	v2 =	vadd.f32 v2, v11;
	v33 =	vmul.f32 $2.857142980e-01, v32  }
0x199: {  	v28 =	vshrl.u32 v27, $0x17;
	v30 =	vadd.f32 $-1.000000000e+00, v41;
	v27 =	vshrl.u32 v39, $0x17  }
0x19a: {  	v61 =	vadd.f32 $-1.000000000e+00, v61;
	v46 =	vmul.f32 v15, v36;
	v36 =	vadd.f32 $4.000000060e-01, v33;
	v13 =	vpop (erf)  }
0x19b: {  	v45 =	vadd.f32 $-1.000000000e+00, v45;
	v39 =	vshrl.u32 v40, $0x17;
	v37 =	vsel vm9, $0x1, v62;
	v24 =	vpop (erf)  }
0x19c: {  	v15 =	vadd.f32 v46, v26;
	v21 =	vmul.f32 v36, v32;
	v17 =	vmul.f32 v24, v61  }
0x19d: {  	v31 =	vadd.s32 v59, v28;
	v28 =	vadd.s32 v37, v27;
	v57 =	vsel vm10, $0x1, v62  }
0x19e: {  	v14 =	vadd.f32 v35, v15;
	v15 =	vadd.f32 $6.666666860e-01, v21;
	v26 =	vmul.f32 v17, v17  }
0x19f: {  	v59 =	vshrl.u32 v58, $0x17;
	v0 =	vsel vm15, $0x1, v62;
	v46 =	vmul.f32 v7, v34  }
0x1a0: {  	v56 =	vsel vm11, $0x1, v62;
	v15 =	vmul.f32 v15, v32;
	v32 =	vmul.f32 $2.857142980e-01, v26  }
0x1a1: {  	v63 =	vsel vm12, $0x1, v62;
	v7 =	vadd.f32 v20, v23;
	v18 =	vadd.f32 v46, v18  }
0x1a2: {  	v33 =	vmul.f32 v43, v30;
	v35 =	vadd.f32 v6, v29;
	v34 =	vadd.f32 $4.000000060e-01, v32  }
0x1a3: {  	v25 =	vadd.f32 v8, v18;
	v8 =	vadd.f32 v19, v14;
	v14 =	vadd.s32 $0xFFFFFF81, v31  }
0x1a4: {  	v14 =	vcvt.s32.f32 v14;
	v15 =	vadd.f32 $2.000000000e+00, v15;
	v41 =	vmul.f32 v34, v26  }
0x1a5: {  	v21 =	vmul.f32 v33, v33;
	v6 =	vadd.f32 v10, v12;
	v4 =	vadd.f32 v4, v25  }
0x1a6: {  	v36 =	vmul.f32 $6.931471820e-01, v14;
	v15 =	vmul.f32 v15, v60;
	v14 =	vadd.f32 $6.666666860e-01, v41  }
0x1a7: {  	v46 =	vsel vm14, $0x1, v62;
	v43 =	vmul.f32 $2.857142980e-01, v21;
	v4 =	vadd.f32 v9, v4  }
0x1a8: {  	v9 =	vadd.f32 v15, v36;
	v15 =	vadd.s32 v46, v59;
	v14 =	vmul.f32 v14, v26  }
0x1a9: {  	v12 =	vmul.f32 v47, v45;
	v10 =	vadd.f32 $4.000000060e-01, v43;
	v15 =	vadd.s32 $0xFFFFFF81, v15  }
0x1aa: {  	v45 =	vadd.f32 $-1.000000000e+00, v54;
	v15 =	vcvt.s32.f32 v15;
	v14 =	vadd.f32 $2.000000000e+00, v14  }
0x1ab: {  	v47 =	vshrl.u32 v42, $0x17;
	v10 =	vmul.f32 v10, v21;
	v60 =	vmul.f32 v12, v12  }
0x1ac: {  	v61 =	vshrl.u32 v38, $0x17;
	v15 =	vmul.f32 $6.931471820e-01, v15;
	v14 =	vmul.f32 v14, v17  }
0x1ad: {  	v3 =	vadd.f32 v3, v35;
	v18 =	vadd.s32 v0, v61;
	v10 =	vadd.f32 $6.666666860e-01, v10  }
0x1ae: {  	v0 =	vmul.f32 $2.857142980e-01, v60;
	v46 =	vmul.f32 v55, v45;
	v14 =	vadd.f32 v14, v15  }
0x1af: {  	v9 =	vsub.f32 $0.0e+00, v9;
	v10 =	vmul.f32 v10, v21;
	v21 =	vadd.s32 $0xFFFFFF81, v18  }
0x1b0: {  	v23 =	vadd.f32 $4.000000060e-01, v0;
	v0 =	vadd.s32 $0xFFFFFF81, v28;
	v14 =	vsub.f32 $0.0e+00, v14  }
0x1b1: {  	v61 =	vshrl.u32 v44, $0x17;
	v24 =	vcvt.s32.f32 v21;
	v0 =	vcvt.s32.f32 v0  }
0x1b2: {  	v9 =	vadd.f32 v9, v8;
	v34 =	vadd.f32 $-1.000000000e+00, v52;
	v29 =	vand.u32 $0x7FFFFF, v14  }
0x1b3: {  	v25 =	vmul.f32 v23, v60;
	v0 =	vmul.f32 $6.931471820e-01, v0;
	v20 =	vor.u32 $0x3F800000, v29  }
0x1b4: {  	v10 =	vadd.f32 $2.000000000e+00, v10;
	v37 =	vmul.f32 v53, v34;
	v31 =	vmul.f32 $5.000000000e-01, v20  }
0x1b5: {  	v9 =	vmul.f32 $2.500000000e+00, v9;
	v26 =	vadd.f32 $-1.000000000e+00, v48;
	vm15 =	vgt.f32 v20, $1.414213540e+00  }
0x1b6: {  	v10 =	vmul.f32 v10, v33;
	v40 =	vmul.f32 v37, v37;
	v19 =	vsel vm15, v31, v20  }
0x1b7: {  	v48 =	vmul.f32 v46, v46;
	v18 =	vmul.f32 v49, v26;
	v36 =	vadd.f32 $1.000000000e+00, v19  }
0x1b8: {  	v43 =	vmul.f32 $2.857142980e-01, v40;
	v49 =	vadd.f32 $-1.000000000e+00, v50;
	v17 =	vadd.f32 $6.666666860e-01, v25  }
0x1b9: {  	v63 =	vadd.s32 v63, v61;
	v30 =	vmul.f32 v18, v18;
	(erf) = vrcp.f32 v36  }
0x1ba: {  	v33 =	vsel vm13, $0x1, v62;
	v13 =	vmul.f32 v13, v49;
	v16 =	vmul.f32 v17, v60  }
0x1bb: {  	v41 =	vadd.s32 v57, v39;
	v15 =	vmul.f32 $6.931471820e-01, v24;
	v32 =	vmul.f32 $2.857142980e-01, v30  }
0x1bc: {  	v52 =	vmul.f32 $2.857142980e-01, v48;
	v57 =	vmul.f32 v13, v13;
	v16 =	vadd.f32 $2.000000000e+00, v16  }
0x1bd: {  	v50 =	vadd.s32 v56, v47;
	v35 =	vadd.f32 $4.000000060e-01, v32;
	v10 =	vadd.f32 v10, v15  }
0x1be: {  	v56 =	vadd.f32 $4.000000060e-01, v52;
	v59 =	vmul.f32 $2.857142980e-01, v57;
	v12 =	vmul.f32 v16, v12  }
0x1bf: {  	v38 =	vmul.f32 v35, v30;
	v10 =	vsub.f32 $0.0e+00, v10;
	v16 =	vadd.f32 $4.000000060e-01, v43  }
0x1c0: {  	v54 =	vadd.s32 $0xFFFFFF81, v50;
	v24 =	vadd.f32 $4.000000060e-01, v59;
	v0 =	vadd.f32 v12, v0  }
0x1c1: {  	v14 =	vshrl.u32 v14, $0x17;
	v11 =	vadd.f32 $6.666666860e-01, v38;
	v19 =	vadd.f32 $-1.000000000e+00, v19  }
0x1c2: {  	v12 =	vadd.s32 $0xFFFFFF81, v41;
	v16 =	vmul.f32 v16, v40;
	v28 =	vmul.f32 v24, v57;
	v53 =	vpop (erf)  }
0x1c3: {  	v10 =	vadd.f32 v10, v2;
	v12 =	vcvt.s32.f32 v12;
	v55 =	vmul.f32 v53, v19  }
0x1c4: {  	v11 =	vmul.f32 v11, v30;
	v16 =	vadd.f32 $6.666666860e-01, v16;
	v30 =	vshrl.u32 v51, $0x17  }
0x1c5: {  	v23 =	vadd.f32 $6.666666860e-01, v28;
	v31 =	vsel vm15, $0x1, v62;
	v58 =	vmul.f32 v55, v55  }
0x1c6: {  	v10 =	vmul.f32 $2.500000000e+00, v10;
	v12 =	vmul.f32 $6.931471820e-01, v12;
	v22 =	vadd.s32 v33, v30  }
0x1c7: {  	v14 =	vadd.s32 v31, v14;
	v11 =	vadd.f32 $2.000000000e+00, v11;
	v60 =	vmul.f32 $2.857142980e-01, v58  }
0x1c8: {  	v16 =	vmul.f32 v16, v40;
	v20 =	vmul.f32 v23, v57;
	v22 =	vadd.s32 $0xFFFFFF81, v22  }
0x1c9: {  	v14 =	vadd.s32 $0xFFFFFF81, v14;
	v19 =	vmul.f32 v56, v48;
	v25 =	vadd.f32 $4.000000060e-01, v60  }
0x1ca: {  	v0 =	vsub.f32 $0.0e+00, v0;
	v22 =	vcvt.s32.f32 v22;
	v14 =	vcvt.s32.f32 v14  }
0x1cb: {  	v11 =	vmul.f32 v11, v18;
	v19 =	vadd.f32 $6.666666860e-01, v19;
	v29 =	vmul.f32 v25, v58  }
0x1cc: {  	v16 =	vadd.f32 $2.000000000e+00, v16;
	v20 =	vadd.f32 $2.000000000e+00, v20;
	v33 =	vmul.f32 $6.931471820e-01, v22  }
0x1cd: {  	v11 =	vadd.f32 v11, v12;
	v19 =	vmul.f32 v19, v48;
	v24 =	vadd.f32 $6.666666860e-01, v29  }
0x1ce: {  	v12 =	vcvt.s32.f32 v54;
	v15 =	vmul.f32 v16, v37;
	v16 =	vadd.s32 $0xFFFFFF81, v63  }
0x1cf: {  	v16 =	vcvt.s32.f32 v16;
	v19 =	vadd.f32 $2.000000000e+00, v19;
	v21 =	vmul.f32 v24, v58  }
0x1d0: {  	v0 =	vadd.f32 v0, v7;
	v13 =	vmul.f32 v20, v13;
	v12 =	vmul.f32 $6.931471820e-01, v12  }
0x1d1: {  	v16 =	vmul.f32 $6.931471820e-01, v16;
	v17 =	vmul.f32 v19, v46;
	v32 =	vadd.f32 $2.000000000e+00, v21  }
0x1d2: {  	v14 =	vmul.f32 $6.931471820e-01, v14;
	v11 =	vsub.f32 $0.0e+00, v11;
	v12 =	vadd.f32 v15, v12  }
0x1d3: {  	v13 =	vadd.f32 v13, v33;
	v16 =	vadd.f32 v17, v16;
	v34 =	vmul.f32 v32, v55  }
0x1d4: {  	v11 =	vadd.f32 v11, v1;
	v12 =	vsub.f32 $0.0e+00, v12  }
0x1d5: {  	v36 =	vmax.f32 v9, v10;
	v35 =	vsub.f32 $0.0e+00, v16;
	v14 =	vadd.f32 v34, v14  }
0x1d6: {  	v0 =	vmul.f32 $2.500000000e+00, v0;
	v13 =	vsub.f32 $0.0e+00, v13;
	v12 =	vadd.f32 v12, v6  }
0x1d7: {  	v11 =	vmul.f32 $2.500000000e+00, v11;
	v15 =	vadd.f32 v35, v3;
	v14 =	vsub.f32 $0.0e+00, v14  }
0x1d8: {  	v13 =	vadd.f32 v13, v5;
	v12 =	vmul.f32 $2.500000000e+00, v12;
	v16 =	vmax.f32 v36, v0  }
0x1d9: {  	v16 =	vmax.f32 v16, v11;
	v15 =	vmul.f32 $2.500000000e+00, v15;
	v14 =	vadd.f32 v14, v4  }
0x1da: {  	v13 =	vmul.f32 $2.500000000e+00, v13;
	v16 =	vmax.f32 v16, v12  }
0x1db: {  	v16 =	vmax.f32 v16, v15;
	v14 =	vmul.f32 $2.500000000e+00, v14  }
0x1dc: {  	v16 =	vmax.f32 v16, v13  }
0x1dd: {  	v16 =	vmax.f32 v16, v14  }
0x1de: {  	v9 =	vsub.f32 v9, v16  }
0x1df: {  	v10 =	vsub.f32 v10, v16  }
0x1e0: {  	v9 =	vmul.f32 $1.442695020e+00, v9  }
0x1e1: {  	v0 =	vsub.f32 v0, v16;
	v10 =	vmul.f32 $1.442695020e+00, v10  }
0x1e2: {  	(erf) = vpow2.f32 v9  }
0x1e3: {  	v37 =	vsub.f32 v11, v16;
	v0 =	vmul.f32 $1.442695020e+00, v0;
	(erf) = vpow2.f32 v10;
	_ =	sdelay $0x1  }
0x1e4: {  	v39 =	vsub.f32 v12, v16;
	v38 =	vmul.f32 $1.442695020e+00, v37;
	(erf) = vpow2.f32 v0;
	_ =	sdelay $0x1  }
0x1e5: {  	v41 =	vsub.f32 v15, v16;
	v40 =	vmul.f32 $1.442695020e+00, v39;
	(erf) = vpow2.f32 v38;
	_ =	sdelay $0x1  }
0x1e6: {  	v43 =	vsub.f32 v13, v16;
	v42 =	vmul.f32 $1.442695020e+00, v41;
	(erf) = vpow2.f32 v40;
	_ =	sdelay $0x1  }
0x1e7: {  	v46 =	vsub.f32 v14, v16;
	v45 =	vmul.f32 $1.442695020e+00, v43;
	v44 =	vpop (erf);
	(erf) = vpow2.f32 v42  }
0x1e8: {  	v47 =	vpop (erf)  }
0x1e9: {  	v48 =	vmul.f32 $1.442695020e+00, v46;
	(erf) = vpow2.f32 v45;
	v49 =	vadd.f32 v47, v44  }
0x1ea: {  	v50 =	vpop (erf)  }
0x1eb: {  	(erf) = vpow2.f32 v48;
	v51 =	vadd.f32 v49, v50  }
0x1ec: {  	v52 =	vpop (erf)  }
0x1ed: {  	v0 =	vadd.f32 v51, v52  }
0x1ee: {  	v53 =	vpop (erf)  }
0x1ef: {  	v0 =	vadd.f32 v0, v53  }
0x1f0: {  	v54 =	vpop (erf)  }
0x1f1: {  	v0 =	vadd.f32 v0, v54  }
0x1f2: {  	v55 =	vpop (erf)  }
0x1f3: {  	v0 =	vadd.f32 v0, v55  }
0x1f4: {  	v56 =	vpop (erf)  }
0x1f5: {  	v0 =	vadd.f32 v0, v56;
	_ =	sdelay $0x1  }
0x1f6: {  	(erf) = vrcp.f32 v0;
	_ =	sdelay $0x3  }
0x1f7: {  	[tilespmem:$0x11580] =	vst v1  }
0x1f8: {  	[tilespmem:$0x11700] =	vst v5  }
0x1f9: {  	[tilespmem:$0x11480] =	vst v2  }
0x1fa: {  	[tilespmem:$0x11500] =	vst v7  }
0x1fb: {  	[tilespmem:$0x11600] =	vst v6  }
0x1fc: {  	[tilespmem:$0x11400] =	vst v8;
	v0 =	vpop (erf)  }
0x1fd: {  	[tilespmem:$0x11680] =	vst v3;
	v10 =	vmul.f32 v0, v44  }
0x1fe: {  	[tilespmem:$0x11780] =	vst v4;
	v57 =	vmul.f32 v0, v47  }
0x1ff: {  	v58 =	vmul.f32 v0, v50;
	[tilespmem:$0x11800] =	vst v10  }
0x200: {  	v59 =	vmul.f32 v0, v52;
	[tilespmem:$0x11880] =	vst v57  }
0x201: {  	v60 =	vmul.f32 v0, v53;
	[tilespmem:$0x11900] =	vst v58  }
0x202: {  	v61 =	vmul.f32 v0, v54;
	[tilespmem:$0x11980] =	vst v59  }
0x203: {  	v63 =	vmul.f32 v0, v55;
	[tilespmem:$0x11A00] =	vst v60  }
0x204: {  	v0 =	vmul.f32 v0, v56;
	[tilespmem:$0x11A80] =	vst v61  }
0x205: {  	[tilespmem:$0x11B00] =	vst v63  }
0x206: {  	[tilespmem:$0x11B80] =	vst v0  }
0x207: {  	[hbm4b:s6+s2] =	stream.linear.scatter [tilespmem:s14], [sflag:$0x1], $0x400, $0x38;
	[tilespmem:$0x11C00] =	vst v63  }
0x208: {  	s16 =	sadd.s32 $0x1, s16;
	_ =	swait.ge [sflag:s10], $0x400  }
0x209: {  	p0 =	sne.s32 s16, s9;
	[sflag:s10] =	ssyncset.done $0x0  }
.Ltmp3:
0x20a: {  	[sflag:s10] =	ssyncadd.s32 $0xFFFFFC00;
	(pc) =	sbr.rel @p0 .LBB2_2-.Ltmp3, $4  }
0x20b: {  	[hbm4b:s7+s2] =	stream.linear.scatter [tilespmem:s15], [sflag:$0x1], $0x400, $0x38;
	[tilespmem:$0x11C00] =	vst v63  }
0x20c: {  	_ =	swait.ge [sflag:s10], $0x400  }
0x20d: {  	[sflag:s10] =	ssyncset.done $0x0  }
0x20e: {  	[sflag:s10] =	ssyncadd.s32 $0xFFFFFC00  }
.LBB2_7:
0x20f: {  	_ =	sfence.sel $0x180000  }
0x210: {  	[bflag:$0x0] =	sbarrier.arrive $0xFFFF  }
0x211: {  	p0 =	sne.s32 s0, $0x0;
	_ =	strace $0x90000047  }
0x212: {  	s0 =	sadd.s32 @!p0 $0x100000, s1;
	[bflag:$0x2] =	sbarrier.arrive $0xFFFF  }
0x213: {  	[sflag:s0] =	ssyncadd.tile.s32 @!p0 $0x1;
	_ =	shalt  }
.Lfunc_end2:
_tile_overlayer_lowered:
.L_overlay_start_2:
0x214: {  	(tag) =	ssettag $0x2  }
0x215: {  	s0 =	rddreg [dreg:$0x0];
	s2 =	stileid.u32  }
0x216: {  	s1 =	rddreg [dreg:$0x1];
	p0 =	sne.s32 s2, $0x0  }
0x217: {  	s3 =	rddreg [dreg:$0x2];
	[bflag:$0x3] =	sbarrier.arrive $0xFFFF;
	s2 =	simm.s32 @!p0 $0x1C01  }
0x218: {  	[timem:s3], [sflag:s2] =	dma.local @!p0 [hbm:s0], s1  }
0x219: {  	s0 =	simm.s32 @!p0 $0x1  }
0x21a: {  	_ =	swait.ge @!p0 [sflag:s0], s1  }
0x21b: {  	s1 =	ssub.s32 @!p0 $0x0, s1;
	[sflag:s0] =	ssyncset.done @!p0 $0x0  }
0x21c: {  	[sflag:s0] =	ssyncadd.s32 @!p0 s1  }
0x21d: {  	[bflag:$0x3] =	sbarrier.arrive $0xFFFF  }
0x21e: {  	_ =	shalt  }

</sc_bundles>
